<compile_context>
chip_gen: v7x
topology: tpu7x:2x2x1
jax: 0.10.2.dev20260603
libtpu: 0.0.44.dev20260713+nightly
codegen_flags: <defaults>
</compile_context>

<pallas_src>
import functools

import jax
import jax.numpy as jnp
from jax import lax
from jax.experimental import pallas as pl
from jax.experimental.pallas import tpu as pltpu
from jax.experimental.pallas import tpu_sc as plsc

N = 10000
E = 320000
D = 128
NC = 2
NS = 16
NW = NC * NS
EPW = E // NW
K = 80
NCHUNK = EPW // K
NG = NCHUNK
RPS = N // NS

_mesh = plsc.VectorSubcoreMesh(core_axis_name="c", subcore_axis_name="s")

NR = 3
NI = 6
_row_scratch = [pltpu.VMEM((K, D), jnp.float32) for _ in range(NR)]
_idx_scratch = [pltpu.VMEM((2, K), jnp.int32) for _ in range(NI)]
_sem_scratch = [pltpu.SemaphoreType.DMA for _ in range(NR + NI)]


@functools.partial(
    pl.kernel,
    mesh=_mesh,
    out_type=(jax.ShapeDtypeStruct((NC, N, D), jnp.float32),
              jax.ShapeDtypeStruct((NC, NS, N), jnp.float32)),
    scratch_types=[pltpu.VMEM_SHARED((N, D), jnp.float32),
                   pltpu.VMEM((N,), jnp.float32)]
    + _row_scratch + _idx_scratch + _sem_scratch,
    compiler_params=pltpu.CompilerParams(use_tc_tiling_on_sc=False,
                                         needs_layout_passes=False),
)
def _sc_segment_sum(x_hbm, edge_hbm, zeros_hbm,
                    out_hbm, cnt_hbm, acc, hist, *scratch):
    rows = scratch[:NR]
    idxb = scratch[NR:NR + NI]
    sems = scratch[NR + NI:2 * NR + NI]
    isem = scratch[2 * NR + NI:]

    c = lax.axis_index("c")
    s = lax.axis_index("s")
    wid = s * NC + c
    base = wid * EPW

    def fire_idx(g, r):
        off = pl.multiple_of(base + g * K, 8)
        pltpu.async_copy(edge_hbm.at[0, pl.ds(off, K)], idxb[r].at[0], isem[r])
        pltpu.async_copy(edge_hbm.at[1, pl.ds(off, K)], idxb[r].at[1], isem[r])

    def wait_idx(r):
        for _ in range(2):
            pltpu.make_async_copy(edge_hbm.at[0, pl.ds(0, K)],
                                  idxb[r].at[0], isem[r]).wait()

    def fire_b(g, p, r):
        pltpu.async_copy(x_hbm.at[idxb[r].at[0]], rows[p], sems[p])

    one16 = jnp.full((16,), 1.0, jnp.float32)

    def fire_c(g, p, r):
        pltpu.async_copy(rows[p], acc.at[idxb[r].at[1]], sems[p], add=True)

    def hist_update(r):
        for j in range(K // 16):
            idx16 = idxb[r][1, pl.ds(16 * j, 16)]
            plsc.addupdate_scatter(hist, [idx16], one16)

    def wait_b(p):
        pltpu.make_async_copy(x_hbm.at[pl.ds(0, K)], rows[p], sems[p]).wait()

    def wait_c(p):
        pltpu.make_async_copy(rows[p], acc.at[pl.ds(0, K)], sems[p]).wait()

    zero16 = jnp.zeros((16,), jnp.float32)

    def zero_hist(i, carry):
        hist[pl.ds(pl.multiple_of(i * 16, 8), 16)] = zero16
        return carry

    lax.fori_loop(0, N // 16, zero_hist, 0)

    fire_idx(0, 0)
    fire_idx(1, 1)
    fire_idx(2, 2)
    wait_idx(0)
    fire_b(0, 0, 0)
    pltpu.sync_copy(zeros_hbm.at[pl.ds(s * RPS, RPS)],
                    acc.at[pl.ds(s * RPS, RPS)])
    plsc.subcore_barrier()

    wait_b(0)
    fire_c(0, 0, 0)
    hist_update(0)
    wait_idx(1)
    fire_b(1, 1, 1)
    fire_idx(3, 3)
    wait_b(1)
    fire_c(1, 1, 1)
    hist_update(1)
    wait_idx(2)
    fire_b(2, 2, 2)
    fire_idx(4, 4)

    def group_body(g, a, ib, last_idx, last_b):
        wait_b(a)
        fire_c(g, a, ib)
        hist_update(ib)
        if not last_b:
            wait_idx((ib + 1) % NI)
        wait_c((a + 1) % NR)
        if not last_b:
            fire_b(g + 1, (a + 1) % NR, (ib + 1) % NI)
        if not last_idx:
            fire_idx(g + 3, (ib + 3) % NI)

    def sextet(i, carry):
        g = 2 + 6 * i
        for j in range(6):
            group_body(g + j, (2 + j) % NR, (2 + j) % NI, False, False)
        return carry

    lax.fori_loop(0, (NG - 5) // 6, sextet, 0)

    group_body(NG - 3, (NG - 3) % NR, (NG - 3) % NI, True, False)
    group_body(NG - 2, (NG - 2) % NR, (NG - 2) % NI, True, False)
    group_body(NG - 1, (NG - 1) % NR, (NG - 1) % NI, True, True)
    wait_c((NG - 2) % NR)
    wait_c((NG - 1) % NR)
    plsc.subcore_barrier()

    pltpu.sync_copy(acc.at[pl.ds(s * RPS, RPS)],
                    out_hbm.at[c, pl.ds(s * RPS, RPS)])
    pltpu.sync_copy(hist, cnt_hbm.at[c, s])


BLK = 2000


def _tc_epilogue(x_ref, p_ref, q_ref, wt_ref, b_ref, o_ref):
    p = p_ref[...]
    q = q_ref[...]
    ssum = p[0] + p[1]
    cnt = jnp.sum(q, axis=1, keepdims=True)
    mean = ssum / jnp.maximum(cnt, 1.0)
    a = jnp.concatenate([x_ref[...], mean], axis=1)
    h = lax.dot_general(a, wt_ref[...], (((1,), (0,)), ((), ())),
                        preferred_element_type=jnp.float32)
    o_ref[...] = jnp.where(cnt > 0.0, h + b_ref[...], 0.0)


_epilogue_call = pl.pallas_call(
    _tc_epilogue,
    grid=(N // BLK,),
    in_specs=[
        pl.BlockSpec((BLK, D), lambda i: (i, 0)),
        pl.BlockSpec((NC, BLK, D), lambda i: (0, i, 0)),
        pl.BlockSpec((BLK, NW), lambda i: (i, 0)),
        pl.BlockSpec((2 * D, D), lambda i: (0, 0)),
        pl.BlockSpec((1, D), lambda i: (0, 0)),
    ],
    out_specs=pl.BlockSpec((BLK, D), lambda i: (i, 0)),
    out_shape=jax.ShapeDtypeStruct((N, D), jnp.float32),
)


def kernel(x, edge_index, W, b):
    zeros = jnp.zeros((N, D), jnp.float32)
    partial, hists = _sc_segment_sum(x, edge_index, zeros)
    counts = jnp.transpose(hists.reshape(NW, N))
    return _epilogue_call(x, partial, counts, W.T, b.reshape(1, D))

# --- scband reference (transcript-rebuilt; emitter-appended) ---
"""Pipeline reference for scband-block-generator-68212670595219 (READ-ONLY COPY).

The authoritative reference and input builder live on the scoring server;
editing this copy changes nothing except your own understanding.
"""

import jax, jax.numpy as jnp
import numpy as np

N_NODES = 10000
N_EDGES = 320000
D = 128


def setup_inputs(seed: int = 0) -> dict:
    key = jax.random.key(seed)
    k1, k2, k3, k4 = jax.random.split(key, 4)
    x = jax.random.normal(k1, (N_NODES, D), dtype=jnp.float32)
    edge_index = jax.random.randint(k2, (2, N_EDGES), 0, N_NODES, dtype=jnp.int32)
    # Learned parameters of NaiveMsgPass.lin: Linear(in_channels*2 -> out_channels)
    W = jax.random.normal(k3, (D, 2 * D), dtype=jnp.float32) * (1.0 / np.sqrt(2 * D))
    b = jax.random.normal(k4, (D,), dtype=jnp.float32) * 0.01
    return {"x": x, "edge_index": edge_index, "W": W, "b": b}


def reference(x, edge_index, W, b):
    # NaiveMsgPass (PyG MessagePassing, aggr='mean', flow=source_to_target):
    #   message(x_i, x_j) = Linear(cat([x_i, x_j], dim=1))
    #   x_i = x[dst] (target node), x_j = x[src] (source node)
    #   aggregate messages at dst with mean
    src = edge_index[0]
    dst = edge_index[1]
    x_i = jnp.take(x, dst, axis=0)  # gather target features [E, D]
    x_j = jnp.take(x, src, axis=0)  # gather source features [E, D]
    msg = jnp.concatenate([x_i, x_j], axis=1) @ W.T + b  # [E, D]
    summed = jax.ops.segment_sum(msg, dst, num_segments=N_NODES)  # scatter-add
    cnt = jax.ops.segment_sum(jnp.ones((msg.shape[0],), dtype=msg.dtype), dst,
                              num_segments=N_NODES)
    out = summed / jnp.clip(cnt, 1.0, None)[:, None]  # mean aggregation
    return out

if __name__ == "__main__":
    import jax
    _d = setup_inputs()
    print(jax.jit(kernel)(*tuple(_d.values())))

</pallas_src>

<mosaic_0001>
#map = affine_map<(d0, d1) -> (0, 0)>
#map1 = affine_map<(d0, d1) -> (0, 0, 0)>
module attributes {stable_mosaic.version = 14 : i64} {
  func.func @_sc_segment_sum(%arg0: i32, %arg1: i32, %arg2: memref<10000x128xf32, #tpu.memory_space<hbm>>, %arg3: memref<2x320000xi32, #tpu.memory_space<hbm>>, %arg4: memref<10000x128xf32, #tpu.memory_space<hbm>>, %arg5: memref<2x10000x128xf32, #tpu.memory_space<hbm>>, %arg6: memref<2x16x10000xf32, #tpu.memory_space<hbm>>, %arg7: memref<10000x128xf32, #tpu.memory_space<vmem_shared>>, %arg8: memref<10000xf32, #tpu.memory_space<vmem>>, %arg9: memref<80x128xf32, #tpu.memory_space<vmem>>, %arg10: memref<80x128xf32, #tpu.memory_space<vmem>>, %arg11: memref<80x128xf32, #tpu.memory_space<vmem>>, %arg12: memref<2x80xi32, #tpu.memory_space<vmem>>, %arg13: memref<2x80xi32, #tpu.memory_space<vmem>>, %arg14: memref<2x80xi32, #tpu.memory_space<vmem>>, %arg15: memref<2x80xi32, #tpu.memory_space<vmem>>, %arg16: memref<2x80xi32, #tpu.memory_space<vmem>>, %arg17: memref<2x80xi32, #tpu.memory_space<vmem>>, %arg18: memref<!tpu.dma_semaphore, #tpu.memory_space<semaphore_mem>>, %arg19: memref<!tpu.dma_semaphore, #tpu.memory_space<semaphore_mem>>, %arg20: memref<!tpu.dma_semaphore, #tpu.memory_space<semaphore_mem>>, %arg21: memref<!tpu.dma_semaphore, #tpu.memory_space<semaphore_mem>>, %arg22: memref<!tpu.dma_semaphore, #tpu.memory_space<semaphore_mem>>, %arg23: memref<!tpu.dma_semaphore, #tpu.memory_space<semaphore_mem>>, %arg24: memref<!tpu.dma_semaphore, #tpu.memory_space<semaphore_mem>>, %arg25: memref<!tpu.dma_semaphore, #tpu.memory_space<semaphore_mem>>, %arg26: memref<!tpu.dma_semaphore, #tpu.memory_space<semaphore_mem>>) attributes {dimension_semantics = [#tpu.dimension_semantics<core_parallel>, #tpu.dimension_semantics<subcore_parallel>], iteration_bounds = array<i64: 2, 16>, scalar_prefetch = 0 : i64, scratch_operands = 20 : i64, tpu.core_type = #tpu.core_type<sc_vector_subcore>, window_params = [{transform_indices = #map}, {transform_indices = #map}, {transform_indices = #map}, {transform_indices = #map1}, {transform_indices = #map1}]} {
    %mul3A = arith.constant 2 : i32
    %mul3A_0 = arith.muli %arg1, %mul3A : i32
    %add3A = arith.addi %mul3A_0, %arg0 : i32
    %mul3A_1 = arith.constant 10000 : i32
    %mul3A_2 = arith.muli %add3A, %mul3A_1 : i32
    %broadcast_in_dim3A = arith.constant 1.000000e+00 : f32
    %broadcast_in_dim3A_3 = vector.broadcast %broadcast_in_dim3A : f32 to vector<16xf32>
    %broadcast_in_dim3A_4 = arith.constant 0.000000e+00 : f32
    %broadcast_in_dim3A_5 = vector.broadcast %broadcast_in_dim3A_4 : f32 to vector<16xf32>
    %scan3A = arith.constant 0 : i32
    %scan3A_6 = arith.constant 0 : i32
    %scan3A_7 = arith.constant 625 : i32
    %scan3A_8 = arith.addi %scan3A_6, %scan3A_7 : i32
    %scan3A_9 = arith.constant 1 : i32
    scf.for %scan3A_527 = %scan3A_6 to %scan3A_8 step %scan3A_9  : i32 {
      %mul3A_528 = arith.constant 16 : i32
      %mul3A_529 = arith.muli %scan3A_527, %mul3A_528 : i32
      %multiple_of3A_530 = tpu.assume_multiple %mul3A_529, 8 : i32
      %swap3A = arith.index_cast %multiple_of3A_530 : i32 to index
      %swap3A_531 = tpu.vector_load %arg8[%swap3A] {strides = array<i32>} : memref<10000xf32, #tpu.memory_space<vmem>>, vector<16xf32>,
      tpu.vector_store %arg8[%swap3A], %broadcast_in_dim3A_5 {strides = array<i32>} : memref<10000xf32, #tpu.memory_space<vmem>>, vector<16xf32>,
    }
    %scan3A_10 = arith.constant 625 : i32
    %add3A_11 = arith.constant 0 : i32
    %add3A_12 = arith.addi %mul3A_2, %add3A_11 : i32
    %multiple_of3A = tpu.assume_multiple %add3A_12, 8 : i32
    %dma_start3A = arith.constant 0 : i32
    %dma_start3A_13 = arith.constant 0 : i32
    %dma_start3A_14 = arith.constant 0 : i32
    %dma_start3A_15 = tpu.memref_slice %arg12[%dma_start3A_13, %dma_start3A_14] : memref<2x80xi32, #tpu.memory_space<vmem>> -> memref<1x80xi32, #tpu.memory_space<vmem>>
    %dma_start3A_16 = tpu.memref_squeeze %dma_start3A_15 : memref<1x80xi32, #tpu.memory_space<vmem>> -> memref<80xi32, #tpu.memory_space<vmem>>
    %dma_start3A_17 = tpu.memref_slice %arg3[%dma_start3A, %multiple_of3A] : memref<2x320000xi32, #tpu.memory_space<hbm>> -> memref<1x80xi32, #tpu.memory_space<hbm>>
    %dma_start3A_18 = tpu.memref_squeeze %dma_start3A_17 : memref<1x80xi32, #tpu.memory_space<hbm>> -> memref<80xi32, #tpu.memory_space<hbm>>
    %dma_start3A_19 = arith.constant 0 : i32
    %dma_start3A_20 = tpu.memref_slice %arg12[%dma_start3A_13, %dma_start3A_19] : memref<2x80xi32, #tpu.memory_space<vmem>> -> memref<1x80xi32, #tpu.memory_space<vmem>>
    %dma_start3A_21 = tpu.memref_squeeze %dma_start3A_20 : memref<1x80xi32, #tpu.memory_space<vmem>> -> memref<80xi32, #tpu.memory_space<vmem>>
    %dma_start3A_22 = tpu.memref_slice %arg3[%dma_start3A, %multiple_of3A] : memref<2x320000xi32, #tpu.memory_space<hbm>> -> memref<1x80xi32, #tpu.memory_space<hbm>>
    %dma_start3A_23 = tpu.memref_squeeze %dma_start3A_22 : memref<1x80xi32, #tpu.memory_space<hbm>> -> memref<80xi32, #tpu.memory_space<hbm>>
    tpu.enqueue_dma source(%dma_start3A_23 : memref<80xi32, #tpu.memory_space<hbm>>) target(%dma_start3A_21 : memref<80xi32, #tpu.memory_space<vmem>>) target_semaphore(%arg21 : memref<!tpu.dma_semaphore, #tpu.memory_space<semaphore_mem>>)
    %dma_start3A_24 = arith.constant 1 : i32
    %dma_start3A_25 = arith.constant 1 : i32
    %dma_start3A_26 = arith.constant 0 : i32
    %dma_start3A_27 = tpu.memref_slice %arg12[%dma_start3A_25, %dma_start3A_26] : memref<2x80xi32, #tpu.memory_space<vmem>> -> memref<1x80xi32, #tpu.memory_space<vmem>>
    %dma_start3A_28 = tpu.memref_squeeze %dma_start3A_27 : memref<1x80xi32, #tpu.memory_space<vmem>> -> memref<80xi32, #tpu.memory_space<vmem>>
    %dma_start3A_29 = tpu.memref_slice %arg3[%dma_start3A_24, %multiple_of3A] : memref<2x320000xi32, #tpu.memory_space<hbm>> -> memref<1x80xi32, #tpu.memory_space<hbm>>
    %dma_start3A_30 = tpu.memref_squeeze %dma_start3A_29 : memref<1x80xi32, #tpu.memory_space<hbm>> -> memref<80xi32, #tpu.memory_space<hbm>>
    %dma_start3A_31 = arith.constant 0 : i32
    %dma_start3A_32 = tpu.memref_slice %arg12[%dma_start3A_25, %dma_start3A_31] : memref<2x80xi32, #tpu.memory_space<vmem>> -> memref<1x80xi32, #tpu.memory_space<vmem>>
    %dma_start3A_33 = tpu.memref_squeeze %dma_start3A_32 : memref<1x80xi32, #tpu.memory_space<vmem>> -> memref<80xi32, #tpu.memory_space<vmem>>
    %dma_start3A_34 = tpu.memref_slice %arg3[%dma_start3A_24, %multiple_of3A] : memref<2x320000xi32, #tpu.memory_space<hbm>> -> memref<1x80xi32, #tpu.memory_space<hbm>>
    %dma_start3A_35 = tpu.memref_squeeze %dma_start3A_34 : memref<1x80xi32, #tpu.memory_space<hbm>> -> memref<80xi32, #tpu.memory_space<hbm>>
    tpu.enqueue_dma source(%dma_start3A_35 : memref<80xi32, #tpu.memory_space<hbm>>) target(%dma_start3A_33 : memref<80xi32, #tpu.memory_space<vmem>>) target_semaphore(%arg21 : memref<!tpu.dma_semaphore, #tpu.memory_space<semaphore_mem>>)
    %add3A_36 = arith.constant 80 : i32
    %add3A_37 = arith.addi %mul3A_2, %add3A_36 : i32
    %multiple_of3A_38 = tpu.assume_multiple %add3A_37, 8 : i32
    %dma_start3A_39 = arith.constant 0 : i32
    %dma_start3A_40 = arith.constant 0 : i32
    %dma_start3A_41 = arith.constant 0 : i32
    %dma_start3A_42 = tpu.memref_slice %arg13[%dma_start3A_40, %dma_start3A_41] : memref<2x80xi32, #tpu.memory_space<vmem>> -> memref<1x80xi32, #tpu.memory_space<vmem>>
    %dma_start3A_43 = tpu.memref_squeeze %dma_start3A_42 : memref<1x80xi32, #tpu.memory_space<vmem>> -> memref<80xi32, #tpu.memory_space<vmem>>
    %dma_start3A_44 = tpu.memref_slice %arg3[%dma_start3A_39, %multiple_of3A_38] : memref<2x320000xi32, #tpu.memory_space<hbm>> -> memref<1x80xi32, #tpu.memory_space<hbm>>
    %dma_start3A_45 = tpu.memref_squeeze %dma_start3A_44 : memref<1x80xi32, #tpu.memory_space<hbm>> -> memref<80xi32, #tpu.memory_space<hbm>>
    %dma_start3A_46 = arith.constant 0 : i32
    %dma_start3A_47 = tpu.memref_slice %arg13[%dma_start3A_40, %dma_start3A_46] : memref<2x80xi32, #tpu.memory_space<vmem>> -> memref<1x80xi32, #tpu.memory_space<vmem>>
    %dma_start3A_48 = tpu.memref_squeeze %dma_start3A_47 : memref<1x80xi32, #tpu.memory_space<vmem>> -> memref<80xi32, #tpu.memory_space<vmem>>
    %dma_start3A_49 = tpu.memref_slice %arg3[%dma_start3A_39, %multiple_of3A_38] : memref<2x320000xi32, #tpu.memory_space<hbm>> -> memref<1x80xi32, #tpu.memory_space<hbm>>
    %dma_start3A_50 = tpu.memref_squeeze %dma_start3A_49 : memref<1x80xi32, #tpu.memory_space<hbm>> -> memref<80xi32, #tpu.memory_space<hbm>>
    tpu.enqueue_dma source(%dma_start3A_50 : memref<80xi32, #tpu.memory_space<hbm>>) target(%dma_start3A_48 : memref<80xi32, #tpu.memory_space<vmem>>) target_semaphore(%arg22 : memref<!tpu.dma_semaphore, #tpu.memory_space<semaphore_mem>>)
    %dma_start3A_51 = arith.constant 1 : i32
    %dma_start3A_52 = arith.constant 1 : i32
    %dma_start3A_53 = arith.constant 0 : i32
    %dma_start3A_54 = tpu.memref_slice %arg13[%dma_start3A_52, %dma_start3A_53] : memref<2x80xi32, #tpu.memory_space<vmem>> -> memref<1x80xi32, #tpu.memory_space<vmem>>
    %dma_start3A_55 = tpu.memref_squeeze %dma_start3A_54 : memref<1x80xi32, #tpu.memory_space<vmem>> -> memref<80xi32, #tpu.memory_space<vmem>>
    %dma_start3A_56 = tpu.memref_slice %arg3[%dma_start3A_51, %multiple_of3A_38] : memref<2x320000xi32, #tpu.memory_space<hbm>> -> memref<1x80xi32, #tpu.memory_space<hbm>>
    %dma_start3A_57 = tpu.memref_squeeze %dma_start3A_56 : memref<1x80xi32, #tpu.memory_space<hbm>> -> memref<80xi32, #tpu.memory_space<hbm>>
    %dma_start3A_58 = arith.constant 0 : i32
    %dma_start3A_59 = tpu.memref_slice %arg13[%dma_start3A_52, %dma_start3A_58] : memref<2x80xi32, #tpu.memory_space<vmem>> -> memref<1x80xi32, #tpu.memory_space<vmem>>
    %dma_start3A_60 = tpu.memref_squeeze %dma_start3A_59 : memref<1x80xi32, #tpu.memory_space<vmem>> -> memref<80xi32, #tpu.memory_space<vmem>>
    %dma_start3A_61 = tpu.memref_slice %arg3[%dma_start3A_51, %multiple_of3A_38] : memref<2x320000xi32, #tpu.memory_space<hbm>> -> memref<1x80xi32, #tpu.memory_space<hbm>>
    %dma_start3A_62 = tpu.memref_squeeze %dma_start3A_61 : memref<1x80xi32, #tpu.memory_space<hbm>> -> memref<80xi32, #tpu.memory_space<hbm>>
    tpu.enqueue_dma source(%dma_start3A_62 : memref<80xi32, #tpu.memory_space<hbm>>) target(%dma_start3A_60 : memref<80xi32, #tpu.memory_space<vmem>>) target_semaphore(%arg22 : memref<!tpu.dma_semaphore, #tpu.memory_space<semaphore_mem>>)
    %add3A_63 = arith.constant 160 : i32
    %add3A_64 = arith.addi %mul3A_2, %add3A_63 : i32
    %multiple_of3A_65 = tpu.assume_multiple %add3A_64, 8 : i32
    %dma_start3A_66 = arith.constant 0 : i32
    %dma_start3A_67 = arith.constant 0 : i32
    %dma_start3A_68 = arith.constant 0 : i32
    %dma_start3A_69 = tpu.memref_slice %arg14[%dma_start3A_67, %dma_start3A_68] : memref<2x80xi32, #tpu.memory_space<vmem>> -> memref<1x80xi32, #tpu.memory_space<vmem>>
    %dma_start3A_70 = tpu.memref_squeeze %dma_start3A_69 : memref<1x80xi32, #tpu.memory_space<vmem>> -> memref<80xi32, #tpu.memory_space<vmem>>
    %dma_start3A_71 = tpu.memref_slice %arg3[%dma_start3A_66, %multiple_of3A_65] : memref<2x320000xi32, #tpu.memory_space<hbm>> -> memref<1x80xi32, #tpu.memory_space<hbm>>
    %dma_start3A_72 = tpu.memref_squeeze %dma_start3A_71 : memref<1x80xi32, #tpu.memory_space<hbm>> -> memref<80xi32, #tpu.memory_space<hbm>>
    %dma_start3A_73 = arith.constant 0 : i32
    %dma_start3A_74 = tpu.memref_slice %arg14[%dma_start3A_67, %dma_start3A_73] : memref<2x80xi32, #tpu.memory_space<vmem>> -> memref<1x80xi32, #tpu.memory_space<vmem>>
    %dma_start3A_75 = tpu.memref_squeeze %dma_start3A_74 : memref<1x80xi32, #tpu.memory_space<vmem>> -> memref<80xi32, #tpu.memory_space<vmem>>
    %dma_start3A_76 = tpu.memref_slice %arg3[%dma_start3A_66, %multiple_of3A_65] : memref<2x320000xi32, #tpu.memory_space<hbm>> -> memref<1x80xi32, #tpu.memory_space<hbm>>
    %dma_start3A_77 = tpu.memref_squeeze %dma_start3A_76 : memref<1x80xi32, #tpu.memory_space<hbm>> -> memref<80xi32, #tpu.memory_space<hbm>>
    tpu.enqueue_dma source(%dma_start3A_77 : memref<80xi32, #tpu.memory_space<hbm>>) target(%dma_start3A_75 : memref<80xi32, #tpu.memory_space<vmem>>) target_semaphore(%arg23 : memref<!tpu.dma_semaphore, #tpu.memory_space<semaphore_mem>>)
    %dma_start3A_78 = arith.constant 1 : i32
    %dma_start3A_79 = arith.constant 1 : i32
    %dma_start3A_80 = arith.constant 0 : i32
    %dma_start3A_81 = tpu.memref_slice %arg14[%dma_start3A_79, %dma_start3A_80] : memref<2x80xi32, #tpu.memory_space<vmem>> -> memref<1x80xi32, #tpu.memory_space<vmem>>
    %dma_start3A_82 = tpu.memref_squeeze %dma_start3A_81 : memref<1x80xi32, #tpu.memory_space<vmem>> -> memref<80xi32, #tpu.memory_space<vmem>>
    %dma_start3A_83 = tpu.memref_slice %arg3[%dma_start3A_78, %multiple_of3A_65] : memref<2x320000xi32, #tpu.memory_space<hbm>> -> memref<1x80xi32, #tpu.memory_space<hbm>>
    %dma_start3A_84 = tpu.memref_squeeze %dma_start3A_83 : memref<1x80xi32, #tpu.memory_space<hbm>> -> memref<80xi32, #tpu.memory_space<hbm>>
    %dma_start3A_85 = arith.constant 0 : i32
    %dma_start3A_86 = tpu.memref_slice %arg14[%dma_start3A_79, %dma_start3A_85] : memref<2x80xi32, #tpu.memory_space<vmem>> -> memref<1x80xi32, #tpu.memory_space<vmem>>
    %dma_start3A_87 = tpu.memref_squeeze %dma_start3A_86 : memref<1x80xi32, #tpu.memory_space<vmem>> -> memref<80xi32, #tpu.memory_space<vmem>>
    %dma_start3A_88 = tpu.memref_slice %arg3[%dma_start3A_78, %multiple_of3A_65] : memref<2x320000xi32, #tpu.memory_space<hbm>> -> memref<1x80xi32, #tpu.memory_space<hbm>>
    %dma_start3A_89 = tpu.memref_squeeze %dma_start3A_88 : memref<1x80xi32, #tpu.memory_space<hbm>> -> memref<80xi32, #tpu.memory_space<hbm>>
    tpu.enqueue_dma source(%dma_start3A_89 : memref<80xi32, #tpu.memory_space<hbm>>) target(%dma_start3A_87 : memref<80xi32, #tpu.memory_space<vmem>>) target_semaphore(%arg23 : memref<!tpu.dma_semaphore, #tpu.memory_space<semaphore_mem>>)
    %dma_wait3A = arith.constant 0 : i32
    %dma_wait3A_90 = arith.constant 0 : i32
    %dma_wait3A_91 = arith.constant 0 : i32
    %dma_wait3A_92 = tpu.memref_slice %arg12[%dma_wait3A_90, %dma_wait3A_91] : memref<2x80xi32, #tpu.memory_space<vmem>> -> memref<1x80xi32, #tpu.memory_space<vmem>>
    %dma_wait3A_93 = tpu.memref_squeeze %dma_wait3A_92 : memref<1x80xi32, #tpu.memory_space<vmem>> -> memref<80xi32, #tpu.memory_space<vmem>>
    %dma_wait3A_94 = arith.constant 0 : i32
    %dma_wait3A_95 = tpu.memref_slice %arg3[%dma_wait3A, %dma_wait3A_94] : memref<2x320000xi32, #tpu.memory_space<hbm>> -> memref<1x80xi32, #tpu.memory_space<hbm>>
    %dma_wait3A_96 = tpu.memref_squeeze %dma_wait3A_95 : memref<1x80xi32, #tpu.memory_space<hbm>> -> memref<80xi32, #tpu.memory_space<hbm>>
    %dma_wait3A_97 = arith.constant 0 : i32
    %dma_wait3A_98 = tpu.memref_slice %arg12[%dma_wait3A_90, %dma_wait3A_97] : memref<2x80xi32, #tpu.memory_space<vmem>> -> memref<1x80xi32, #tpu.memory_space<vmem>>
    %dma_wait3A_99 = tpu.memref_squeeze %dma_wait3A_98 : memref<1x80xi32, #tpu.memory_space<vmem>> -> memref<80xi32, #tpu.memory_space<vmem>>
    %dma_wait3A_100 = arith.constant 0 : i32
    %dma_wait3A_101 = tpu.memref_slice %arg3[%dma_wait3A, %dma_wait3A_100] : memref<2x320000xi32, #tpu.memory_space<hbm>> -> memref<1x80xi32, #tpu.memory_space<hbm>>
    %dma_wait3A_102 = tpu.memref_squeeze %dma_wait3A_101 : memref<1x80xi32, #tpu.memory_space<hbm>> -> memref<80xi32, #tpu.memory_space<hbm>>
    tpu.wait_dma2 semaphore(%arg21 : memref<!tpu.dma_semaphore, #tpu.memory_space<semaphore_mem>>) src(%dma_wait3A_102 : memref<80xi32, #tpu.memory_space<hbm>>) dst(%dma_wait3A_99 : memref<80xi32, #tpu.memory_space<vmem>>)
    %dma_wait3A_103 = arith.constant 0 : i32
    %dma_wait3A_104 = arith.constant 0 : i32
    %dma_wait3A_105 = arith.constant 0 : i32
    %dma_wait3A_106 = tpu.memref_slice %arg12[%dma_wait3A_104, %dma_wait3A_105] : memref<2x80xi32, #tpu.memory_space<vmem>> -> memref<1x80xi32, #tpu.memory_space<vmem>>
    %dma_wait3A_107 = tpu.memref_squeeze %dma_wait3A_106 : memref<1x80xi32, #tpu.memory_space<vmem>> -> memref<80xi32, #tpu.memory_space<vmem>>
    %dma_wait3A_108 = arith.constant 0 : i32
    %dma_wait3A_109 = tpu.memref_slice %arg3[%dma_wait3A_103, %dma_wait3A_108] : memref<2x320000xi32, #tpu.memory_space<hbm>> -> memref<1x80xi32, #tpu.memory_space<hbm>>
    %dma_wait3A_110 = tpu.memref_squeeze %dma_wait3A_109 : memref<1x80xi32, #tpu.memory_space<hbm>> -> memref<80xi32, #tpu.memory_space<hbm>>
    %dma_wait3A_111 = arith.constant 0 : i32
    %dma_wait3A_112 = tpu.memref_slice %arg12[%dma_wait3A_104, %dma_wait3A_111] : memref<2x80xi32, #tpu.memory_space<vmem>> -> memref<1x80xi32, #tpu.memory_space<vmem>>
    %dma_wait3A_113 = tpu.memref_squeeze %dma_wait3A_112 : memref<1x80xi32, #tpu.memory_space<vmem>> -> memref<80xi32, #tpu.memory_space<vmem>>
    %dma_wait3A_114 = arith.constant 0 : i32
    %dma_wait3A_115 = tpu.memref_slice %arg3[%dma_wait3A_103, %dma_wait3A_114] : memref<2x320000xi32, #tpu.memory_space<hbm>> -> memref<1x80xi32, #tpu.memory_space<hbm>>
    %dma_wait3A_116 = tpu.memref_squeeze %dma_wait3A_115 : memref<1x80xi32, #tpu.memory_space<hbm>> -> memref<80xi32, #tpu.memory_space<hbm>>
    tpu.wait_dma2 semaphore(%arg21 : memref<!tpu.dma_semaphore, #tpu.memory_space<semaphore_mem>>) src(%dma_wait3A_116 : memref<80xi32, #tpu.memory_space<hbm>>) dst(%dma_wait3A_113 : memref<80xi32, #tpu.memory_space<vmem>>)
    %dma_start3A_117 = arith.constant 0 : i32
    %dma_start3A_118 = arith.constant 0 : i32
    %dma_start3A_119 = tpu.memref_slice %arg12[%dma_start3A_117, %dma_start3A_118] : memref<2x80xi32, #tpu.memory_space<vmem>> -> memref<1x80xi32, #tpu.memory_space<vmem>>
    %dma_start3A_120 = tpu.memref_squeeze %dma_start3A_119 : memref<1x80xi32, #tpu.memory_space<vmem>> -> memref<80xi32, #tpu.memory_space<vmem>>
    %dma_start3A_121 = arith.constant 0 : i32
    %dma_start3A_122 = arith.constant 0 : i32
    %dma_start3A_123 = tpu.memref_slice %arg2[%dma_start3A_121, %dma_start3A_122] : memref<10000x128xf32, #tpu.memory_space<hbm>> -> memref<10000x128xf32, #tpu.memory_space<hbm>>
    tpu.enqueue_indirect_dma source(%dma_start3A_123 : memref<10000x128xf32, #tpu.memory_space<hbm>>) target(%arg9 : memref<80x128xf32, #tpu.memory_space<vmem>>) offsets(%dma_start3A_120 : memref<80xi32, #tpu.memory_space<vmem>>) semaphore(%arg18 : memref<!tpu.dma_semaphore, #tpu.memory_space<semaphore_mem>>)
    %mul3A_124 = arith.constant 625 : i32
    %mul3A_125 = arith.muli %arg1, %mul3A_124 : i32
    %mul3A_126 = arith.constant 625 : i32
    %mul3A_127 = arith.muli %arg1, %mul3A_126 : i32
    "tpu.region"() ({
      %run_scoped3A = tpu.sem_alloc : memref<!tpu.dma_semaphore, #tpu.memory_space<semaphore_mem>>
      %dma_start3A_527 = arith.constant 0 : i32
      %dma_start3A_528 = tpu.memref_slice %arg7[%mul3A_127, %dma_start3A_527] : memref<10000x128xf32, #tpu.memory_space<vmem_shared>> -> memref<625x128xf32, #tpu.memory_space<vmem_shared>>
      %dma_start3A_529 = arith.constant 0 : i32
      %dma_start3A_530 = tpu.memref_slice %arg4[%mul3A_125, %dma_start3A_529] : memref<10000x128xf32, #tpu.memory_space<hbm>> -> memref<625x128xf32, #tpu.memory_space<hbm>>
      tpu.enqueue_dma source(%dma_start3A_530 : memref<625x128xf32, #tpu.memory_space<hbm>>) target(%dma_start3A_528 : memref<625x128xf32, #tpu.memory_space<vmem_shared>>) target_semaphore(%run_scoped3A : memref<!tpu.dma_semaphore, #tpu.memory_space<semaphore_mem>>)
      %dma_wait3A_531 = arith.constant 0 : i32
      %dma_wait3A_532 = tpu.memref_slice %arg7[%mul3A_127, %dma_wait3A_531] : memref<10000x128xf32, #tpu.memory_space<vmem_shared>> -> memref<625x128xf32, #tpu.memory_space<vmem_shared>>
      %dma_wait3A_533 = arith.constant 0 : i32
      %dma_wait3A_534 = tpu.memref_slice %arg4[%mul3A_125, %dma_wait3A_533] : memref<10000x128xf32, #tpu.memory_space<hbm>> -> memref<625x128xf32, #tpu.memory_space<hbm>>
      tpu.wait_dma2 semaphore(%run_scoped3A : memref<!tpu.dma_semaphore, #tpu.memory_space<semaphore_mem>>) src(%dma_wait3A_534 : memref<625x128xf32, #tpu.memory_space<hbm>>) dst(%dma_wait3A_532 : memref<625x128xf32, #tpu.memory_space<vmem_shared>>)
      tpu.yield
    }) : () -> ()
    %barrier3A = arith.constant 0 : index
    tpu.barrier barrier_id(%barrier3A)
    %dma_wait3A_128 = arith.constant 0 : i32
    %dma_wait3A_129 = arith.constant 0 : i32
    %dma_wait3A_130 = tpu.memref_slice %arg2[%dma_wait3A_128, %dma_wait3A_129] : memref<10000x128xf32, #tpu.memory_space<hbm>> -> memref<80x128xf32, #tpu.memory_space<hbm>>
    %dma_wait3A_131 = arith.constant 0 : i32
    %dma_wait3A_132 = arith.constant 0 : i32
    %dma_wait3A_133 = tpu.memref_slice %arg2[%dma_wait3A_131, %dma_wait3A_132] : memref<10000x128xf32, #tpu.memory_space<hbm>> -> memref<80x128xf32, #tpu.memory_space<hbm>>
    tpu.wait_dma2 semaphore(%arg18 : memref<!tpu.dma_semaphore, #tpu.memory_space<semaphore_mem>>) src(%dma_wait3A_133 : memref<80x128xf32, #tpu.memory_space<hbm>>) dst(%arg9 : memref<80x128xf32, #tpu.memory_space<vmem>>)
    %dma_start3A_134 = arith.constant 1 : i32
    %dma_start3A_135 = arith.constant 0 : i32
    %dma_start3A_136 = tpu.memref_slice %arg12[%dma_start3A_134, %dma_start3A_135] : memref<2x80xi32, #tpu.memory_space<vmem>> -> memref<1x80xi32, #tpu.memory_space<vmem>>
    %dma_start3A_137 = tpu.memref_squeeze %dma_start3A_136 : memref<1x80xi32, #tpu.memory_space<vmem>> -> memref<80xi32, #tpu.memory_space<vmem>>
    %dma_start3A_138 = arith.constant 0 : i32
    %dma_start3A_139 = arith.constant 0 : i32
    %dma_start3A_140 = tpu.memref_slice %arg7[%dma_start3A_138, %dma_start3A_139] : memref<10000x128xf32, #tpu.memory_space<vmem_shared>> -> memref<10000x128xf32, #tpu.memory_space<vmem_shared>>
    tpu.enqueue_indirect_dma source(%arg9 : memref<80x128xf32, #tpu.memory_space<vmem>>) target(%dma_start3A_140 : memref<10000x128xf32, #tpu.memory_space<vmem_shared>>) offsets(%dma_start3A_137 : memref<80xi32, #tpu.memory_space<vmem>>) semaphore(%arg18 : memref<!tpu.dma_semaphore, #tpu.memory_space<semaphore_mem>>) {add = true}
    %get3A = arith.constant 1 : i32
    %get3A_141 = arith.index_cast %get3A : i32 to index
    %get3A_142 = arith.constant 0 : index
    %get3A_143 = tpu.vector_load %arg12[%get3A_141, %get3A_142] {strides = array<i32>} : memref<2x80xi32, #tpu.memory_space<vmem>>, vector<16xi32>,
    tpu.vector_store_idx %arg8[%get3A_143], %broadcast_in_dim3A_3 {add = true} : memref<10000xf32, #tpu.memory_space<vmem>>[vector<16xi32>], vector<16xf32>,
    %get3A_144 = arith.constant 1 : i32
    %get3A_145 = arith.index_cast %get3A_144 : i32 to index
    %get3A_146 = arith.constant 16 : index
    %get3A_147 = tpu.vector_load %arg12[%get3A_145, %get3A_146] {strides = array<i32>} : memref<2x80xi32, #tpu.memory_space<vmem>>, vector<16xi32>,
    tpu.vector_store_idx %arg8[%get3A_147], %broadcast_in_dim3A_3 {add = true} : memref<10000xf32, #tpu.memory_space<vmem>>[vector<16xi32>], vector<16xf32>,
    %get3A_148 = arith.constant 1 : i32
    %get3A_149 = arith.index_cast %get3A_148 : i32 to index
    %get3A_150 = arith.constant 32 : index
    %get3A_151 = tpu.vector_load %arg12[%get3A_149, %get3A_150] {strides = array<i32>} : memref<2x80xi32, #tpu.memory_space<vmem>>, vector<16xi32>,
    tpu.vector_store_idx %arg8[%get3A_151], %broadcast_in_dim3A_3 {add = true} : memref<10000xf32, #tpu.memory_space<vmem>>[vector<16xi32>], vector<16xf32>,
    %get3A_152 = arith.constant 1 : i32
    %get3A_153 = arith.index_cast %get3A_152 : i32 to index
    %get3A_154 = arith.constant 48 : index
    %get3A_155 = tpu.vector_load %arg12[%get3A_153, %get3A_154] {strides = array<i32>} : memref<2x80xi32, #tpu.memory_space<vmem>>, vector<16xi32>,
    tpu.vector_store_idx %arg8[%get3A_155], %broadcast_in_dim3A_3 {add = true} : memref<10000xf32, #tpu.memory_space<vmem>>[vector<16xi32>], vector<16xf32>,
    %get3A_156 = arith.constant 1 : i32
    %get3A_157 = arith.index_cast %get3A_156 : i32 to index
    %get3A_158 = arith.constant 64 : index
    %get3A_159 = tpu.vector_load %arg12[%get3A_157, %get3A_158] {strides = array<i32>} : memref<2x80xi32, #tpu.memory_space<vmem>>, vector<16xi32>,
    tpu.vector_store_idx %arg8[%get3A_159], %broadcast_in_dim3A_3 {add = true} : memref<10000xf32, #tpu.memory_space<vmem>>[vector<16xi32>], vector<16xf32>,
    %dma_wait3A_160 = arith.constant 0 : i32
    %dma_wait3A_161 = arith.constant 0 : i32
    %dma_wait3A_162 = arith.constant 0 : i32
    %dma_wait3A_163 = tpu.memref_slice %arg13[%dma_wait3A_161, %dma_wait3A_162] : memref<2x80xi32, #tpu.memory_space<vmem>> -> memref<1x80xi32, #tpu.memory_space<vmem>>
    %dma_wait3A_164 = tpu.memref_squeeze %dma_wait3A_163 : memref<1x80xi32, #tpu.memory_space<vmem>> -> memref<80xi32, #tpu.memory_space<vmem>>
    %dma_wait3A_165 = arith.constant 0 : i32
    %dma_wait3A_166 = tpu.memref_slice %arg3[%dma_wait3A_160, %dma_wait3A_165] : memref<2x320000xi32, #tpu.memory_space<hbm>> -> memref<1x80xi32, #tpu.memory_space<hbm>>
    %dma_wait3A_167 = tpu.memref_squeeze %dma_wait3A_166 : memref<1x80xi32, #tpu.memory_space<hbm>> -> memref<80xi32, #tpu.memory_space<hbm>>
    %dma_wait3A_168 = arith.constant 0 : i32
    %dma_wait3A_169 = tpu.memref_slice %arg13[%dma_wait3A_161, %dma_wait3A_168] : memref<2x80xi32, #tpu.memory_space<vmem>> -> memref<1x80xi32, #tpu.memory_space<vmem>>
    %dma_wait3A_170 = tpu.memref_squeeze %dma_wait3A_169 : memref<1x80xi32, #tpu.memory_space<vmem>> -> memref<80xi32, #tpu.memory_space<vmem>>
    %dma_wait3A_171 = arith.constant 0 : i32
    %dma_wait3A_172 = tpu.memref_slice %arg3[%dma_wait3A_160, %dma_wait3A_171] : memref<2x320000xi32, #tpu.memory_space<hbm>> -> memref<1x80xi32, #tpu.memory_space<hbm>>
    %dma_wait3A_173 = tpu.memref_squeeze %dma_wait3A_172 : memref<1x80xi32, #tpu.memory_space<hbm>> -> memref<80xi32, #tpu.memory_space<hbm>>
    tpu.wait_dma2 semaphore(%arg22 : memref<!tpu.dma_semaphore, #tpu.memory_space<semaphore_mem>>) src(%dma_wait3A_173 : memref<80xi32, #tpu.memory_space<hbm>>) dst(%dma_wait3A_170 : memref<80xi32, #tpu.memory_space<vmem>>)
    %dma_wait3A_174 = arith.constant 0 : i32
    %dma_wait3A_175 = arith.constant 0 : i32
    %dma_wait3A_176 = arith.constant 0 : i32
    %dma_wait3A_177 = tpu.memref_slice %arg13[%dma_wait3A_175, %dma_wait3A_176] : memref<2x80xi32, #tpu.memory_space<vmem>> -> memref<1x80xi32, #tpu.memory_space<vmem>>
    %dma_wait3A_178 = tpu.memref_squeeze %dma_wait3A_177 : memref<1x80xi32, #tpu.memory_space<vmem>> -> memref<80xi32, #tpu.memory_space<vmem>>
    %dma_wait3A_179 = arith.constant 0 : i32
    %dma_wait3A_180 = tpu.memref_slice %arg3[%dma_wait3A_174, %dma_wait3A_179] : memref<2x320000xi32, #tpu.memory_space<hbm>> -> memref<1x80xi32, #tpu.memory_space<hbm>>
    %dma_wait3A_181 = tpu.memref_squeeze %dma_wait3A_180 : memref<1x80xi32, #tpu.memory_space<hbm>> -> memref<80xi32, #tpu.memory_space<hbm>>
    %dma_wait3A_182 = arith.constant 0 : i32
    %dma_wait3A_183 = tpu.memref_slice %arg13[%dma_wait3A_175, %dma_wait3A_182] : memref<2x80xi32, #tpu.memory_space<vmem>> -> memref<1x80xi32, #tpu.memory_space<vmem>>
    %dma_wait3A_184 = tpu.memref_squeeze %dma_wait3A_183 : memref<1x80xi32, #tpu.memory_space<vmem>> -> memref<80xi32, #tpu.memory_space<vmem>>
    %dma_wait3A_185 = arith.constant 0 : i32
    %dma_wait3A_186 = tpu.memref_slice %arg3[%dma_wait3A_174, %dma_wait3A_185] : memref<2x320000xi32, #tpu.memory_space<hbm>> -> memref<1x80xi32, #tpu.memory_space<hbm>>
    %dma_wait3A_187 = tpu.memref_squeeze %dma_wait3A_186 : memref<1x80xi32, #tpu.memory_space<hbm>> -> memref<80xi32, #tpu.memory_space<hbm>>
    tpu.wait_dma2 semaphore(%arg22 : memref<!tpu.dma_semaphore, #tpu.memory_space<semaphore_mem>>) src(%dma_wait3A_187 : memref<80xi32, #tpu.memory_space<hbm>>) dst(%dma_wait3A_184 : memref<80xi32, #tpu.memory_space<vmem>>)
    %dma_start3A_188 = arith.constant 0 : i32
    %dma_start3A_189 = arith.constant 0 : i32
    %dma_start3A_190 = tpu.memref_slice %arg13[%dma_start3A_188, %dma_start3A_189] : memref<2x80xi32, #tpu.memory_space<vmem>> -> memref<1x80xi32, #tpu.memory_space<vmem>>
    %dma_start3A_191 = tpu.memref_squeeze %dma_start3A_190 : memref<1x80xi32, #tpu.memory_space<vmem>> -> memref<80xi32, #tpu.memory_space<vmem>>
    %dma_start3A_192 = arith.constant 0 : i32
    %dma_start3A_193 = arith.constant 0 : i32
    %dma_start3A_194 = tpu.memref_slice %arg2[%dma_start3A_192, %dma_start3A_193] : memref<10000x128xf32, #tpu.memory_space<hbm>> -> memref<10000x128xf32, #tpu.memory_space<hbm>>
    tpu.enqueue_indirect_dma source(%dma_start3A_194 : memref<10000x128xf32, #tpu.memory_space<hbm>>) target(%arg10 : memref<80x128xf32, #tpu.memory_space<vmem>>) offsets(%dma_start3A_191 : memref<80xi32, #tpu.memory_space<vmem>>) semaphore(%arg19 : memref<!tpu.dma_semaphore, #tpu.memory_space<semaphore_mem>>)
    %add3A_195 = arith.constant 240 : i32
    %add3A_196 = arith.addi %mul3A_2, %add3A_195 : i32
    %multiple_of3A_197 = tpu.assume_multiple %add3A_196, 8 : i32
    %dma_start3A_198 = arith.constant 0 : i32
    %dma_start3A_199 = arith.constant 0 : i32
    %dma_start3A_200 = arith.constant 0 : i32
    %dma_start3A_201 = tpu.memref_slice %arg15[%dma_start3A_199, %dma_start3A_200] : memref<2x80xi32, #tpu.memory_space<vmem>> -> memref<1x80xi32, #tpu.memory_space<vmem>>
    %dma_start3A_202 = tpu.memref_squeeze %dma_start3A_201 : memref<1x80xi32, #tpu.memory_space<vmem>> -> memref<80xi32, #tpu.memory_space<vmem>>
    %dma_start3A_203 = tpu.memref_slice %arg3[%dma_start3A_198, %multiple_of3A_197] : memref<2x320000xi32, #tpu.memory_space<hbm>> -> memref<1x80xi32, #tpu.memory_space<hbm>>
    %dma_start3A_204 = tpu.memref_squeeze %dma_start3A_203 : memref<1x80xi32, #tpu.memory_space<hbm>> -> memref<80xi32, #tpu.memory_space<hbm>>
    %dma_start3A_205 = arith.constant 0 : i32
    %dma_start3A_206 = tpu.memref_slice %arg15[%dma_start3A_199, %dma_start3A_205] : memref<2x80xi32, #tpu.memory_space<vmem>> -> memref<1x80xi32, #tpu.memory_space<vmem>>
    %dma_start3A_207 = tpu.memref_squeeze %dma_start3A_206 : memref<1x80xi32, #tpu.memory_space<vmem>> -> memref<80xi32, #tpu.memory_space<vmem>>
    %dma_start3A_208 = tpu.memref_slice %arg3[%dma_start3A_198, %multiple_of3A_197] : memref<2x320000xi32, #tpu.memory_space<hbm>> -> memref<1x80xi32, #tpu.memory_space<hbm>>
    %dma_start3A_209 = tpu.memref_squeeze %dma_start3A_208 : memref<1x80xi32, #tpu.memory_space<hbm>> -> memref<80xi32, #tpu.memory_space<hbm>>
    tpu.enqueue_dma source(%dma_start3A_209 : memref<80xi32, #tpu.memory_space<hbm>>) target(%dma_start3A_207 : memref<80xi32, #tpu.memory_space<vmem>>) target_semaphore(%arg24 : memref<!tpu.dma_semaphore, #tpu.memory_space<semaphore_mem>>)
    %dma_start3A_210 = arith.constant 1 : i32
    %dma_start3A_211 = arith.constant 1 : i32
    %dma_start3A_212 = arith.constant 0 : i32
    %dma_start3A_213 = tpu.memref_slice %arg15[%dma_start3A_211, %dma_start3A_212] : memref<2x80xi32, #tpu.memory_space<vmem>> -> memref<1x80xi32, #tpu.memory_space<vmem>>
    %dma_start3A_214 = tpu.memref_squeeze %dma_start3A_213 : memref<1x80xi32, #tpu.memory_space<vmem>> -> memref<80xi32, #tpu.memory_space<vmem>>
    %dma_start3A_215 = tpu.memref_slice %arg3[%dma_start3A_210, %multiple_of3A_197] : memref<2x320000xi32, #tpu.memory_space<hbm>> -> memref<1x80xi32, #tpu.memory_space<hbm>>
    %dma_start3A_216 = tpu.memref_squeeze %dma_start3A_215 : memref<1x80xi32, #tpu.memory_space<hbm>> -> memref<80xi32, #tpu.memory_space<hbm>>
    %dma_start3A_217 = arith.constant 0 : i32
    %dma_start3A_218 = tpu.memref_slice %arg15[%dma_start3A_211, %dma_start3A_217] : memref<2x80xi32, #tpu.memory_space<vmem>> -> memref<1x80xi32, #tpu.memory_space<vmem>>
    %dma_start3A_219 = tpu.memref_squeeze %dma_start3A_218 : memref<1x80xi32, #tpu.memory_space<vmem>> -> memref<80xi32, #tpu.memory_space<vmem>>
    %dma_start3A_220 = tpu.memref_slice %arg3[%dma_start3A_210, %multiple_of3A_197] : memref<2x320000xi32, #tpu.memory_space<hbm>> -> memref<1x80xi32, #tpu.memory_space<hbm>>
    %dma_start3A_221 = tpu.memref_squeeze %dma_start3A_220 : memref<1x80xi32, #tpu.memory_space<hbm>> -> memref<80xi32, #tpu.memory_space<hbm>>
    tpu.enqueue_dma source(%dma_start3A_221 : memref<80xi32, #tpu.memory_space<hbm>>) target(%dma_start3A_219 : memref<80xi32, #tpu.memory_space<vmem>>) target_semaphore(%arg24 : memref<!tpu.dma_semaphore, #tpu.memory_space<semaphore_mem>>)
    %dma_wait3A_222 = arith.constant 0 : i32
    %dma_wait3A_223 = arith.constant 0 : i32
    %dma_wait3A_224 = tpu.memref_slice %arg2[%dma_wait3A_222, %dma_wait3A_223] : memref<10000x128xf32, #tpu.memory_space<hbm>> -> memref<80x128xf32, #tpu.memory_space<hbm>>
    %dma_wait3A_225 = arith.constant 0 : i32
    %dma_wait3A_226 = arith.constant 0 : i32
    %dma_wait3A_227 = tpu.memref_slice %arg2[%dma_wait3A_225, %dma_wait3A_226] : memref<10000x128xf32, #tpu.memory_space<hbm>> -> memref<80x128xf32, #tpu.memory_space<hbm>>
    tpu.wait_dma2 semaphore(%arg19 : memref<!tpu.dma_semaphore, #tpu.memory_space<semaphore_mem>>) src(%dma_wait3A_227 : memref<80x128xf32, #tpu.memory_space<hbm>>) dst(%arg10 : memref<80x128xf32, #tpu.memory_space<vmem>>)
    %dma_start3A_228 = arith.constant 1 : i32
    %dma_start3A_229 = arith.constant 0 : i32
    %dma_start3A_230 = tpu.memref_slice %arg13[%dma_start3A_228, %dma_start3A_229] : memref<2x80xi32, #tpu.memory_space<vmem>> -> memref<1x80xi32, #tpu.memory_space<vmem>>
    %dma_start3A_231 = tpu.memref_squeeze %dma_start3A_230 : memref<1x80xi32, #tpu.memory_space<vmem>> -> memref<80xi32, #tpu.memory_space<vmem>>
    %dma_start3A_232 = arith.constant 0 : i32
    %dma_start3A_233 = arith.constant 0 : i32
    %dma_start3A_234 = tpu.memref_slice %arg7[%dma_start3A_232, %dma_start3A_233] : memref<10000x128xf32, #tpu.memory_space<vmem_shared>> -> memref<10000x128xf32, #tpu.memory_space<vmem_shared>>
    tpu.enqueue_indirect_dma source(%arg10 : memref<80x128xf32, #tpu.memory_space<vmem>>) target(%dma_start3A_234 : memref<10000x128xf32, #tpu.memory_space<vmem_shared>>) offsets(%dma_start3A_231 : memref<80xi32, #tpu.memory_space<vmem>>) semaphore(%arg19 : memref<!tpu.dma_semaphore, #tpu.memory_space<semaphore_mem>>) {add = true}
    %get3A_235 = arith.constant 1 : i32
    %get3A_236 = arith.index_cast %get3A_235 : i32 to index
    %get3A_237 = arith.constant 0 : index
    %get3A_238 = tpu.vector_load %arg13[%get3A_236, %get3A_237] {strides = array<i32>} : memref<2x80xi32, #tpu.memory_space<vmem>>, vector<16xi32>,
    tpu.vector_store_idx %arg8[%get3A_238], %broadcast_in_dim3A_3 {add = true} : memref<10000xf32, #tpu.memory_space<vmem>>[vector<16xi32>], vector<16xf32>,
    %get3A_239 = arith.constant 1 : i32
    %get3A_240 = arith.index_cast %get3A_239 : i32 to index
    %get3A_241 = arith.constant 16 : index
    %get3A_242 = tpu.vector_load %arg13[%get3A_240, %get3A_241] {strides = array<i32>} : memref<2x80xi32, #tpu.memory_space<vmem>>, vector<16xi32>,
    tpu.vector_store_idx %arg8[%get3A_242], %broadcast_in_dim3A_3 {add = true} : memref<10000xf32, #tpu.memory_space<vmem>>[vector<16xi32>], vector<16xf32>,
    %get3A_243 = arith.constant 1 : i32
    %get3A_244 = arith.index_cast %get3A_243 : i32 to index
    %get3A_245 = arith.constant 32 : index
    %get3A_246 = tpu.vector_load %arg13[%get3A_244, %get3A_245] {strides = array<i32>} : memref<2x80xi32, #tpu.memory_space<vmem>>, vector<16xi32>,
    tpu.vector_store_idx %arg8[%get3A_246], %broadcast_in_dim3A_3 {add = true} : memref<10000xf32, #tpu.memory_space<vmem>>[vector<16xi32>], vector<16xf32>,
    %get3A_247 = arith.constant 1 : i32
    %get3A_248 = arith.index_cast %get3A_247 : i32 to index
    %get3A_249 = arith.constant 48 : index
    %get3A_250 = tpu.vector_load %arg13[%get3A_248, %get3A_249] {strides = array<i32>} : memref<2x80xi32, #tpu.memory_space<vmem>>, vector<16xi32>,
    tpu.vector_store_idx %arg8[%get3A_250], %broadcast_in_dim3A_3 {add = true} : memref<10000xf32, #tpu.memory_space<vmem>>[vector<16xi32>], vector<16xf32>,
    %get3A_251 = arith.constant 1 : i32
    %get3A_252 = arith.index_cast %get3A_251 : i32 to index
    %get3A_253 = arith.constant 64 : index
    %get3A_254 = tpu.vector_load %arg13[%get3A_252, %get3A_253] {strides = array<i32>} : memref<2x80xi32, #tpu.memory_space<vmem>>, vector<16xi32>,
    tpu.vector_store_idx %arg8[%get3A_254], %broadcast_in_dim3A_3 {add = true} : memref<10000xf32, #tpu.memory_space<vmem>>[vector<16xi32>], vector<16xf32>,
    %dma_wait3A_255 = arith.constant 0 : i32
    %dma_wait3A_256 = arith.constant 0 : i32
    %dma_wait3A_257 = arith.constant 0 : i32
    %dma_wait3A_258 = tpu.memref_slice %arg14[%dma_wait3A_256, %dma_wait3A_257] : memref<2x80xi32, #tpu.memory_space<vmem>> -> memref<1x80xi32, #tpu.memory_space<vmem>>
    %dma_wait3A_259 = tpu.memref_squeeze %dma_wait3A_258 : memref<1x80xi32, #tpu.memory_space<vmem>> -> memref<80xi32, #tpu.memory_space<vmem>>
    %dma_wait3A_260 = arith.constant 0 : i32
    %dma_wait3A_261 = tpu.memref_slice %arg3[%dma_wait3A_255, %dma_wait3A_260] : memref<2x320000xi32, #tpu.memory_space<hbm>> -> memref<1x80xi32, #tpu.memory_space<hbm>>
    %dma_wait3A_262 = tpu.memref_squeeze %dma_wait3A_261 : memref<1x80xi32, #tpu.memory_space<hbm>> -> memref<80xi32, #tpu.memory_space<hbm>>
    %dma_wait3A_263 = arith.constant 0 : i32
    %dma_wait3A_264 = tpu.memref_slice %arg14[%dma_wait3A_256, %dma_wait3A_263] : memref<2x80xi32, #tpu.memory_space<vmem>> -> memref<1x80xi32, #tpu.memory_space<vmem>>
    %dma_wait3A_265 = tpu.memref_squeeze %dma_wait3A_264 : memref<1x80xi32, #tpu.memory_space<vmem>> -> memref<80xi32, #tpu.memory_space<vmem>>
    %dma_wait3A_266 = arith.constant 0 : i32
    %dma_wait3A_267 = tpu.memref_slice %arg3[%dma_wait3A_255, %dma_wait3A_266] : memref<2x320000xi32, #tpu.memory_space<hbm>> -> memref<1x80xi32, #tpu.memory_space<hbm>>
    %dma_wait3A_268 = tpu.memref_squeeze %dma_wait3A_267 : memref<1x80xi32, #tpu.memory_space<hbm>> -> memref<80xi32, #tpu.memory_space<hbm>>
    tpu.wait_dma2 semaphore(%arg23 : memref<!tpu.dma_semaphore, #tpu.memory_space<semaphore_mem>>) src(%dma_wait3A_268 : memref<80xi32, #tpu.memory_space<hbm>>) dst(%dma_wait3A_265 : memref<80xi32, #tpu.memory_space<vmem>>)
    %dma_wait3A_269 = arith.constant 0 : i32
    %dma_wait3A_270 = arith.constant 0 : i32
    %dma_wait3A_271 = arith.constant 0 : i32
    %dma_wait3A_272 = tpu.memref_slice %arg14[%dma_wait3A_270, %dma_wait3A_271] : memref<2x80xi32, #tpu.memory_space<vmem>> -> memref<1x80xi32, #tpu.memory_space<vmem>>
    %dma_wait3A_273 = tpu.memref_squeeze %dma_wait3A_272 : memref<1x80xi32, #tpu.memory_space<vmem>> -> memref<80xi32, #tpu.memory_space<vmem>>
    %dma_wait3A_274 = arith.constant 0 : i32
    %dma_wait3A_275 = tpu.memref_slice %arg3[%dma_wait3A_269, %dma_wait3A_274] : memref<2x320000xi32, #tpu.memory_space<hbm>> -> memref<1x80xi32, #tpu.memory_space<hbm>>
    %dma_wait3A_276 = tpu.memref_squeeze %dma_wait3A_275 : memref<1x80xi32, #tpu.memory_space<hbm>> -> memref<80xi32, #tpu.memory_space<hbm>>
    %dma_wait3A_277 = arith.constant 0 : i32
    %dma_wait3A_278 = tpu.memref_slice %arg14[%dma_wait3A_270, %dma_wait3A_277] : memref<2x80xi32, #tpu.memory_space<vmem>> -> memref<1x80xi32, #tpu.memory_space<vmem>>
    %dma_wait3A_279 = tpu.memref_squeeze %dma_wait3A_278 : memref<1x80xi32, #tpu.memory_space<vmem>> -> memref<80xi32, #tpu.memory_space<vmem>>
    %dma_wait3A_280 = arith.constant 0 : i32
    %dma_wait3A_281 = tpu.memref_slice %arg3[%dma_wait3A_269, %dma_wait3A_280] : memref<2x320000xi32, #tpu.memory_space<hbm>> -> memref<1x80xi32, #tpu.memory_space<hbm>>
    %dma_wait3A_282 = tpu.memref_squeeze %dma_wait3A_281 : memref<1x80xi32, #tpu.memory_space<hbm>> -> memref<80xi32, #tpu.memory_space<hbm>>
    tpu.wait_dma2 semaphore(%arg23 : memref<!tpu.dma_semaphore, #tpu.memory_space<semaphore_mem>>) src(%dma_wait3A_282 : memref<80xi32, #tpu.memory_space<hbm>>) dst(%dma_wait3A_279 : memref<80xi32, #tpu.memory_space<vmem>>)
    %dma_start3A_283 = arith.constant 0 : i32
    %dma_start3A_284 = arith.constant 0 : i32
    %dma_start3A_285 = tpu.memref_slice %arg14[%dma_start3A_283, %dma_start3A_284] : memref<2x80xi32, #tpu.memory_space<vmem>> -> memref<1x80xi32, #tpu.memory_space<vmem>>
    %dma_start3A_286 = tpu.memref_squeeze %dma_start3A_285 : memref<1x80xi32, #tpu.memory_space<vmem>> -> memref<80xi32, #tpu.memory_space<vmem>>
    %dma_start3A_287 = arith.constant 0 : i32
    %dma_start3A_288 = arith.constant 0 : i32
    %dma_start3A_289 = tpu.memref_slice %arg2[%dma_start3A_287, %dma_start3A_288] : memref<10000x128xf32, #tpu.memory_space<hbm>> -> memref<10000x128xf32, #tpu.memory_space<hbm>>
    tpu.enqueue_indirect_dma source(%dma_start3A_289 : memref<10000x128xf32, #tpu.memory_space<hbm>>) target(%arg11 : memref<80x128xf32, #tpu.memory_space<vmem>>) offsets(%dma_start3A_286 : memref<80xi32, #tpu.memory_space<vmem>>) semaphore(%arg20 : memref<!tpu.dma_semaphore, #tpu.memory_space<semaphore_mem>>)
    %add3A_290 = arith.constant 320 : i32
    %add3A_291 = arith.addi %mul3A_2, %add3A_290 : i32
    %multiple_of3A_292 = tpu.assume_multiple %add3A_291, 8 : i32
    %dma_start3A_293 = arith.constant 0 : i32
    %dma_start3A_294 = arith.constant 0 : i32
    %dma_start3A_295 = arith.constant 0 : i32
    %dma_start3A_296 = tpu.memref_slice %arg16[%dma_start3A_294, %dma_start3A_295] : memref<2x80xi32, #tpu.memory_space<vmem>> -> memref<1x80xi32, #tpu.memory_space<vmem>>
    %dma_start3A_297 = tpu.memref_squeeze %dma_start3A_296 : memref<1x80xi32, #tpu.memory_space<vmem>> -> memref<80xi32, #tpu.memory_space<vmem>>
    %dma_start3A_298 = tpu.memref_slice %arg3[%dma_start3A_293, %multiple_of3A_292] : memref<2x320000xi32, #tpu.memory_space<hbm>> -> memref<1x80xi32, #tpu.memory_space<hbm>>
    %dma_start3A_299 = tpu.memref_squeeze %dma_start3A_298 : memref<1x80xi32, #tpu.memory_space<hbm>> -> memref<80xi32, #tpu.memory_space<hbm>>
    %dma_start3A_300 = arith.constant 0 : i32
    %dma_start3A_301 = tpu.memref_slice %arg16[%dma_start3A_294, %dma_start3A_300] : memref<2x80xi32, #tpu.memory_space<vmem>> -> memref<1x80xi32, #tpu.memory_space<vmem>>
    %dma_start3A_302 = tpu.memref_squeeze %dma_start3A_301 : memref<1x80xi32, #tpu.memory_space<vmem>> -> memref<80xi32, #tpu.memory_space<vmem>>
    %dma_start3A_303 = tpu.memref_slice %arg3[%dma_start3A_293, %multiple_of3A_292] : memref<2x320000xi32, #tpu.memory_space<hbm>> -> memref<1x80xi32, #tpu.memory_space<hbm>>
    %dma_start3A_304 = tpu.memref_squeeze %dma_start3A_303 : memref<1x80xi32, #tpu.memory_space<hbm>> -> memref<80xi32, #tpu.memory_space<hbm>>
    tpu.enqueue_dma source(%dma_start3A_304 : memref<80xi32, #tpu.memory_space<hbm>>) target(%dma_start3A_302 : memref<80xi32, #tpu.memory_space<vmem>>) target_semaphore(%arg25 : memref<!tpu.dma_semaphore, #tpu.memory_space<semaphore_mem>>)
    %dma_start3A_305 = arith.constant 1 : i32
    %dma_start3A_306 = arith.constant 1 : i32
    %dma_start3A_307 = arith.constant 0 : i32
    %dma_start3A_308 = tpu.memref_slice %arg16[%dma_start3A_306, %dma_start3A_307] : memref<2x80xi32, #tpu.memory_space<vmem>> -> memref<1x80xi32, #tpu.memory_space<vmem>>
    %dma_start3A_309 = tpu.memref_squeeze %dma_start3A_308 : memref<1x80xi32, #tpu.memory_space<vmem>> -> memref<80xi32, #tpu.memory_space<vmem>>
    %dma_start3A_310 = tpu.memref_slice %arg3[%dma_start3A_305, %multiple_of3A_292] : memref<2x320000xi32, #tpu.memory_space<hbm>> -> memref<1x80xi32, #tpu.memory_space<hbm>>
    %dma_start3A_311 = tpu.memref_squeeze %dma_start3A_310 : memref<1x80xi32, #tpu.memory_space<hbm>> -> memref<80xi32, #tpu.memory_space<hbm>>
    %dma_start3A_312 = arith.constant 0 : i32
    %dma_start3A_313 = tpu.memref_slice %arg16[%dma_start3A_306, %dma_start3A_312] : memref<2x80xi32, #tpu.memory_space<vmem>> -> memref<1x80xi32, #tpu.memory_space<vmem>>
    %dma_start3A_314 = tpu.memref_squeeze %dma_start3A_313 : memref<1x80xi32, #tpu.memory_space<vmem>> -> memref<80xi32, #tpu.memory_space<vmem>>
    %dma_start3A_315 = tpu.memref_slice %arg3[%dma_start3A_305, %multiple_of3A_292] : memref<2x320000xi32, #tpu.memory_space<hbm>> -> memref<1x80xi32, #tpu.memory_space<hbm>>
    %dma_start3A_316 = tpu.memref_squeeze %dma_start3A_315 : memref<1x80xi32, #tpu.memory_space<hbm>> -> memref<80xi32, #tpu.memory_space<hbm>>
    tpu.enqueue_dma source(%dma_start3A_316 : memref<80xi32, #tpu.memory_space<hbm>>) target(%dma_start3A_314 : memref<80xi32, #tpu.memory_space<vmem>>) target_semaphore(%arg25 : memref<!tpu.dma_semaphore, #tpu.memory_space<semaphore_mem>>)
    %scan3A_317 = arith.constant 0 : i32
    %scan3A_318 = arith.constant 0 : i32
    %scan3A_319 = arith.constant 20 : i32
    %scan3A_320 = arith.addi %scan3A_318, %scan3A_319 : i32
    %scan3A_321 = arith.constant 1 : i32
    scf.for %scan3A_527 = %scan3A_318 to %scan3A_320 step %scan3A_321  : i32 {
      %mul3A_528 = arith.constant 6 : i32
      %mul3A_529 = arith.muli %mul3A_528, %scan3A_527 : i32
      %add3A_530 = arith.constant 2 : i32
      %add3A_531 = arith.addi %add3A_530, %mul3A_529 : i32
      %add3A_532 = arith.constant 0 : i32
      %add3A_533 = arith.addi %add3A_531, %add3A_532 : i32
      %dma_wait3A_534 = arith.constant 0 : i32
      %dma_wait3A_535 = arith.constant 0 : i32
      %dma_wait3A_536 = tpu.memref_slice %arg2[%dma_wait3A_534, %dma_wait3A_535] : memref<10000x128xf32, #tpu.memory_space<hbm>> -> memref<80x128xf32, #tpu.memory_space<hbm>>
      %dma_wait3A_537 = arith.constant 0 : i32
      %dma_wait3A_538 = arith.constant 0 : i32
      %dma_wait3A_539 = tpu.memref_slice %arg2[%dma_wait3A_537, %dma_wait3A_538] : memref<10000x128xf32, #tpu.memory_space<hbm>> -> memref<80x128xf32, #tpu.memory_space<hbm>>
      tpu.wait_dma2 semaphore(%arg20 : memref<!tpu.dma_semaphore, #tpu.memory_space<semaphore_mem>>) src(%dma_wait3A_539 : memref<80x128xf32, #tpu.memory_space<hbm>>) dst(%arg11 : memref<80x128xf32, #tpu.memory_space<vmem>>)
      %dma_start3A_540 = arith.constant 1 : i32
      %dma_start3A_541 = arith.constant 0 : i32
      %dma_start3A_542 = tpu.memref_slice %arg14[%dma_start3A_540, %dma_start3A_541] : memref<2x80xi32, #tpu.memory_space<vmem>> -> memref<1x80xi32, #tpu.memory_space<vmem>>
      %dma_start3A_543 = tpu.memref_squeeze %dma_start3A_542 : memref<1x80xi32, #tpu.memory_space<vmem>> -> memref<80xi32, #tpu.memory_space<vmem>>
      %dma_start3A_544 = arith.constant 0 : i32
      %dma_start3A_545 = arith.constant 0 : i32
      %dma_start3A_546 = tpu.memref_slice %arg7[%dma_start3A_544, %dma_start3A_545] : memref<10000x128xf32, #tpu.memory_space<vmem_shared>> -> memref<10000x128xf32, #tpu.memory_space<vmem_shared>>
      tpu.enqueue_indirect_dma source(%arg11 : memref<80x128xf32, #tpu.memory_space<vmem>>) target(%dma_start3A_546 : memref<10000x128xf32, #tpu.memory_space<vmem_shared>>) offsets(%dma_start3A_543 : memref<80xi32, #tpu.memory_space<vmem>>) semaphore(%arg20 : memref<!tpu.dma_semaphore, #tpu.memory_space<semaphore_mem>>) {add = true}
      %get3A_547 = arith.constant 1 : i32
      %get3A_548 = arith.index_cast %get3A_547 : i32 to index
      %get3A_549 = arith.constant 0 : index
      %get3A_550 = tpu.vector_load %arg14[%get3A_548, %get3A_549] {strides = array<i32>} : memref<2x80xi32, #tpu.memory_space<vmem>>, vector<16xi32>,
      tpu.vector_store_idx %arg8[%get3A_550], %broadcast_in_dim3A_3 {add = true} : memref<10000xf32, #tpu.memory_space<vmem>>[vector<16xi32>], vector<16xf32>,
      %get3A_551 = arith.constant 1 : i32
      %get3A_552 = arith.index_cast %get3A_551 : i32 to index
      %get3A_553 = arith.constant 16 : index
      %get3A_554 = tpu.vector_load %arg14[%get3A_552, %get3A_553] {strides = array<i32>} : memref<2x80xi32, #tpu.memory_space<vmem>>, vector<16xi32>,
      tpu.vector_store_idx %arg8[%get3A_554], %broadcast_in_dim3A_3 {add = true} : memref<10000xf32, #tpu.memory_space<vmem>>[vector<16xi32>], vector<16xf32>,
      %get3A_555 = arith.constant 1 : i32
      %get3A_556 = arith.index_cast %get3A_555 : i32 to index
      %get3A_557 = arith.constant 32 : index
      %get3A_558 = tpu.vector_load %arg14[%get3A_556, %get3A_557] {strides = array<i32>} : memref<2x80xi32, #tpu.memory_space<vmem>>, vector<16xi32>,
      tpu.vector_store_idx %arg8[%get3A_558], %broadcast_in_dim3A_3 {add = true} : memref<10000xf32, #tpu.memory_space<vmem>>[vector<16xi32>], vector<16xf32>,
      %get3A_559 = arith.constant 1 : i32
      %get3A_560 = arith.index_cast %get3A_559 : i32 to index
      %get3A_561 = arith.constant 48 : index
      %get3A_562 = tpu.vector_load %arg14[%get3A_560, %get3A_561] {strides = array<i32>} : memref<2x80xi32, #tpu.memory_space<vmem>>, vector<16xi32>,
      tpu.vector_store_idx %arg8[%get3A_562], %broadcast_in_dim3A_3 {add = true} : memref<10000xf32, #tpu.memory_space<vmem>>[vector<16xi32>], vector<16xf32>,
      %get3A_563 = arith.constant 1 : i32
      %get3A_564 = arith.index_cast %get3A_563 : i32 to index
      %get3A_565 = arith.constant 64 : index
      %get3A_566 = tpu.vector_load %arg14[%get3A_564, %get3A_565] {strides = array<i32>} : memref<2x80xi32, #tpu.memory_space<vmem>>, vector<16xi32>,
      tpu.vector_store_idx %arg8[%get3A_566], %broadcast_in_dim3A_3 {add = true} : memref<10000xf32, #tpu.memory_space<vmem>>[vector<16xi32>], vector<16xf32>,
      %dma_wait3A_567 = arith.constant 0 : i32
      %dma_wait3A_568 = arith.constant 0 : i32
      %dma_wait3A_569 = arith.constant 0 : i32
      %dma_wait3A_570 = tpu.memref_slice %arg15[%dma_wait3A_568, %dma_wait3A_569] : memref<2x80xi32, #tpu.memory_space<vmem>> -> memref<1x80xi32, #tpu.memory_space<vmem>>
      %dma_wait3A_571 = tpu.memref_squeeze %dma_wait3A_570 : memref<1x80xi32, #tpu.memory_space<vmem>> -> memref<80xi32, #tpu.memory_space<vmem>>
      %dma_wait3A_572 = arith.constant 0 : i32
      %dma_wait3A_573 = tpu.memref_slice %arg3[%dma_wait3A_567, %dma_wait3A_572] : memref<2x320000xi32, #tpu.memory_space<hbm>> -> memref<1x80xi32, #tpu.memory_space<hbm>>
      %dma_wait3A_574 = tpu.memref_squeeze %dma_wait3A_573 : memref<1x80xi32, #tpu.memory_space<hbm>> -> memref<80xi32, #tpu.memory_space<hbm>>
      %dma_wait3A_575 = arith.constant 0 : i32
      %dma_wait3A_576 = tpu.memref_slice %arg15[%dma_wait3A_568, %dma_wait3A_575] : memref<2x80xi32, #tpu.memory_space<vmem>> -> memref<1x80xi32, #tpu.memory_space<vmem>>
      %dma_wait3A_577 = tpu.memref_squeeze %dma_wait3A_576 : memref<1x80xi32, #tpu.memory_space<vmem>> -> memref<80xi32, #tpu.memory_space<vmem>>
      %dma_wait3A_578 = arith.constant 0 : i32
      %dma_wait3A_579 = tpu.memref_slice %arg3[%dma_wait3A_567, %dma_wait3A_578] : memref<2x320000xi32, #tpu.memory_space<hbm>> -> memref<1x80xi32, #tpu.memory_space<hbm>>
      %dma_wait3A_580 = tpu.memref_squeeze %dma_wait3A_579 : memref<1x80xi32, #tpu.memory_space<hbm>> -> memref<80xi32, #tpu.memory_space<hbm>>
      tpu.wait_dma2 semaphore(%arg24 : memref<!tpu.dma_semaphore, #tpu.memory_space<semaphore_mem>>) src(%dma_wait3A_580 : memref<80xi32, #tpu.memory_space<hbm>>) dst(%dma_wait3A_577 : memref<80xi32, #tpu.memory_space<vmem>>)
      %dma_wait3A_581 = arith.constant 0 : i32
      %dma_wait3A_582 = arith.constant 0 : i32
      %dma_wait3A_583 = arith.constant 0 : i32
      %dma_wait3A_584 = tpu.memref_slice %arg15[%dma_wait3A_582, %dma_wait3A_583] : memref<2x80xi32, #tpu.memory_space<vmem>> -> memref<1x80xi32, #tpu.memory_space<vmem>>
      %dma_wait3A_585 = tpu.memref_squeeze %dma_wait3A_584 : memref<1x80xi32, #tpu.memory_space<vmem>> -> memref<80xi32, #tpu.memory_space<vmem>>
      %dma_wait3A_586 = arith.constant 0 : i32
      %dma_wait3A_587 = tpu.memref_slice %arg3[%dma_wait3A_581, %dma_wait3A_586] : memref<2x320000xi32, #tpu.memory_space<hbm>> -> memref<1x80xi32, #tpu.memory_space<hbm>>
      %dma_wait3A_588 = tpu.memref_squeeze %dma_wait3A_587 : memref<1x80xi32, #tpu.memory_space<hbm>> -> memref<80xi32, #tpu.memory_space<hbm>>
      %dma_wait3A_589 = arith.constant 0 : i32
      %dma_wait3A_590 = tpu.memref_slice %arg15[%dma_wait3A_582, %dma_wait3A_589] : memref<2x80xi32, #tpu.memory_space<vmem>> -> memref<1x80xi32, #tpu.memory_space<vmem>>
      %dma_wait3A_591 = tpu.memref_squeeze %dma_wait3A_590 : memref<1x80xi32, #tpu.memory_space<vmem>> -> memref<80xi32, #tpu.memory_space<vmem>>
      %dma_wait3A_592 = arith.constant 0 : i32
      %dma_wait3A_593 = tpu.memref_slice %arg3[%dma_wait3A_581, %dma_wait3A_592] : memref<2x320000xi32, #tpu.memory_space<hbm>> -> memref<1x80xi32, #tpu.memory_space<hbm>>
      %dma_wait3A_594 = tpu.memref_squeeze %dma_wait3A_593 : memref<1x80xi32, #tpu.memory_space<hbm>> -> memref<80xi32, #tpu.memory_space<hbm>>
      tpu.wait_dma2 semaphore(%arg24 : memref<!tpu.dma_semaphore, #tpu.memory_space<semaphore_mem>>) src(%dma_wait3A_594 : memref<80xi32, #tpu.memory_space<hbm>>) dst(%dma_wait3A_591 : memref<80xi32, #tpu.memory_space<vmem>>)
      %dma_wait3A_595 = arith.constant 0 : i32
      %dma_wait3A_596 = arith.constant 0 : i32
      %dma_wait3A_597 = tpu.memref_slice %arg7[%dma_wait3A_595, %dma_wait3A_596] : memref<10000x128xf32, #tpu.memory_space<vmem_shared>> -> memref<80x128xf32, #tpu.memory_space<vmem_shared>>
      %dma_wait3A_598 = arith.constant 0 : i32
      %dma_wait3A_599 = arith.constant 0 : i32
      %dma_wait3A_600 = tpu.memref_slice %arg7[%dma_wait3A_598, %dma_wait3A_599] : memref<10000x128xf32, #tpu.memory_space<vmem_shared>> -> memref<80x128xf32, #tpu.memory_space<vmem_shared>>
      tpu.wait_dma2 semaphore(%arg18 : memref<!tpu.dma_semaphore, #tpu.memory_space<semaphore_mem>>) src(%arg9 : memref<80x128xf32, #tpu.memory_space<vmem>>) dst(%dma_wait3A_600 : memref<80x128xf32, #tpu.memory_space<vmem_shared>>)
      %add3A_601 = arith.constant 1 : i32
      %add3A_602 = arith.addi %add3A_533, %add3A_601 : i32
      %dma_start3A_603 = arith.constant 0 : i32
      %dma_start3A_604 = arith.constant 0 : i32
      %dma_start3A_605 = tpu.memref_slice %arg15[%dma_start3A_603, %dma_start3A_604] : memref<2x80xi32, #tpu.memory_space<vmem>> -> memref<1x80xi32, #tpu.memory_space<vmem>>
      %dma_start3A_606 = tpu.memref_squeeze %dma_start3A_605 : memref<1x80xi32, #tpu.memory_space<vmem>> -> memref<80xi32, #tpu.memory_space<vmem>>
      %dma_start3A_607 = arith.constant 0 : i32
      %dma_start3A_608 = arith.constant 0 : i32
      %dma_start3A_609 = tpu.memref_slice %arg2[%dma_start3A_607, %dma_start3A_608] : memref<10000x128xf32, #tpu.memory_space<hbm>> -> memref<10000x128xf32, #tpu.memory_space<hbm>>
      tpu.enqueue_indirect_dma source(%dma_start3A_609 : memref<10000x128xf32, #tpu.memory_space<hbm>>) target(%arg9 : memref<80x128xf32, #tpu.memory_space<vmem>>) offsets(%dma_start3A_606 : memref<80xi32, #tpu.memory_space<vmem>>) semaphore(%arg18 : memref<!tpu.dma_semaphore, #tpu.memory_space<semaphore_mem>>)
      %add3A_610 = arith.constant 3 : i32
      %add3A_611 = arith.addi %add3A_533, %add3A_610 : i32
      %mul3A_612 = arith.constant 80 : i32
      %mul3A_613 = arith.muli %add3A_611, %mul3A_612 : i32
      %add3A_614 = arith.addi %mul3A_2, %mul3A_613 : i32
      %multiple_of3A_615 = tpu.assume_multiple %add3A_614, 8 : i32
      %dma_start3A_616 = arith.constant 0 : i32
      %dma_start3A_617 = arith.constant 0 : i32
      %dma_start3A_618 = arith.constant 0 : i32
      %dma_start3A_619 = tpu.memref_slice %arg17[%dma_start3A_617, %dma_start3A_618] : memref<2x80xi32, #tpu.memory_space<vmem>> -> memref<1x80xi32, #tpu.memory_space<vmem>>
      %dma_start3A_620 = tpu.memref_squeeze %dma_start3A_619 : memref<1x80xi32, #tpu.memory_space<vmem>> -> memref<80xi32, #tpu.memory_space<vmem>>
      %dma_start3A_621 = tpu.memref_slice %arg3[%dma_start3A_616, %multiple_of3A_615] : memref<2x320000xi32, #tpu.memory_space<hbm>> -> memref<1x80xi32, #tpu.memory_space<hbm>>
      %dma_start3A_622 = tpu.memref_squeeze %dma_start3A_621 : memref<1x80xi32, #tpu.memory_space<hbm>> -> memref<80xi32, #tpu.memory_space<hbm>>
      %dma_start3A_623 = arith.constant 0 : i32
      %dma_start3A_624 = tpu.memref_slice %arg17[%dma_start3A_617, %dma_start3A_623] : memref<2x80xi32, #tpu.memory_space<vmem>> -> memref<1x80xi32, #tpu.memory_space<vmem>>
      %dma_start3A_625 = tpu.memref_squeeze %dma_start3A_624 : memref<1x80xi32, #tpu.memory_space<vmem>> -> memref<80xi32, #tpu.memory_space<vmem>>
      %dma_start3A_626 = tpu.memref_slice %arg3[%dma_start3A_616, %multiple_of3A_615] : memref<2x320000xi32, #tpu.memory_space<hbm>> -> memref<1x80xi32, #tpu.memory_space<hbm>>
      %dma_start3A_627 = tpu.memref_squeeze %dma_start3A_626 : memref<1x80xi32, #tpu.memory_space<hbm>> -> memref<80xi32, #tpu.memory_space<hbm>>
      tpu.enqueue_dma source(%dma_start3A_627 : memref<80xi32, #tpu.memory_space<hbm>>) target(%dma_start3A_625 : memref<80xi32, #tpu.memory_space<vmem>>) target_semaphore(%arg26 : memref<!tpu.dma_semaphore, #tpu.memory_space<semaphore_mem>>)
      %dma_start3A_628 = arith.constant 1 : i32
      %dma_start3A_629 = arith.constant 1 : i32
      %dma_start3A_630 = arith.constant 0 : i32
      %dma_start3A_631 = tpu.memref_slice %arg17[%dma_start3A_629, %dma_start3A_630] : memref<2x80xi32, #tpu.memory_space<vmem>> -> memref<1x80xi32, #tpu.memory_space<vmem>>
      %dma_start3A_632 = tpu.memref_squeeze %dma_start3A_631 : memref<1x80xi32, #tpu.memory_space<vmem>> -> memref<80xi32, #tpu.memory_space<vmem>>
      %dma_start3A_633 = tpu.memref_slice %arg3[%dma_start3A_628, %multiple_of3A_615] : memref<2x320000xi32, #tpu.memory_space<hbm>> -> memref<1x80xi32, #tpu.memory_space<hbm>>
      %dma_start3A_634 = tpu.memref_squeeze %dma_start3A_633 : memref<1x80xi32, #tpu.memory_space<hbm>> -> memref<80xi32, #tpu.memory_space<hbm>>
      %dma_start3A_635 = arith.constant 0 : i32
      %dma_start3A_636 = tpu.memref_slice %arg17[%dma_start3A_629, %dma_start3A_635] : memref<2x80xi32, #tpu.memory_space<vmem>> -> memref<1x80xi32, #tpu.memory_space<vmem>>
      %dma_start3A_637 = tpu.memref_squeeze %dma_start3A_636 : memref<1x80xi32, #tpu.memory_space<vmem>> -> memref<80xi32, #tpu.memory_space<vmem>>
      %dma_start3A_638 = tpu.memref_slice %arg3[%dma_start3A_628, %multiple_of3A_615] : memref<2x320000xi32, #tpu.memory_space<hbm>> -> memref<1x80xi32, #tpu.memory_space<hbm>>
      %dma_start3A_639 = tpu.memref_squeeze %dma_start3A_638 : memref<1x80xi32, #tpu.memory_space<hbm>> -> memref<80xi32, #tpu.memory_space<hbm>>
      tpu.enqueue_dma source(%dma_start3A_639 : memref<80xi32, #tpu.memory_space<hbm>>) target(%dma_start3A_637 : memref<80xi32, #tpu.memory_space<vmem>>) target_semaphore(%arg26 : memref<!tpu.dma_semaphore, #tpu.memory_space<semaphore_mem>>)
      %add3A_640 = arith.constant 1 : i32
      %add3A_641 = arith.addi %add3A_531, %add3A_640 : i32
      %dma_wait3A_642 = arith.constant 0 : i32
      %dma_wait3A_643 = arith.constant 0 : i32
      %dma_wait3A_644 = tpu.memref_slice %arg2[%dma_wait3A_642, %dma_wait3A_643] : memref<10000x128xf32, #tpu.memory_space<hbm>> -> memref<80x128xf32, #tpu.memory_space<hbm>>
      %dma_wait3A_645 = arith.constant 0 : i32
      %dma_wait3A_646 = arith.constant 0 : i32
      %dma_wait3A_647 = tpu.memref_slice %arg2[%dma_wait3A_645, %dma_wait3A_646] : memref<10000x128xf32, #tpu.memory_space<hbm>> -> memref<80x128xf32, #tpu.memory_space<hbm>>
      tpu.wait_dma2 semaphore(%arg18 : memref<!tpu.dma_semaphore, #tpu.memory_space<semaphore_mem>>) src(%dma_wait3A_647 : memref<80x128xf32, #tpu.memory_space<hbm>>) dst(%arg9 : memref<80x128xf32, #tpu.memory_space<vmem>>)
      %dma_start3A_648 = arith.constant 1 : i32
      %dma_start3A_649 = arith.constant 0 : i32
      %dma_start3A_650 = tpu.memref_slice %arg15[%dma_start3A_648, %dma_start3A_649] : memref<2x80xi32, #tpu.memory_space<vmem>> -> memref<1x80xi32, #tpu.memory_space<vmem>>
      %dma_start3A_651 = tpu.memref_squeeze %dma_start3A_650 : memref<1x80xi32, #tpu.memory_space<vmem>> -> memref<80xi32, #tpu.memory_space<vmem>>
      %dma_start3A_652 = arith.constant 0 : i32
      %dma_start3A_653 = arith.constant 0 : i32
      %dma_start3A_654 = tpu.memref_slice %arg7[%dma_start3A_652, %dma_start3A_653] : memref<10000x128xf32, #tpu.memory_space<vmem_shared>> -> memref<10000x128xf32, #tpu.memory_space<vmem_shared>>
      tpu.enqueue_indirect_dma source(%arg9 : memref<80x128xf32, #tpu.memory_space<vmem>>) target(%dma_start3A_654 : memref<10000x128xf32, #tpu.memory_space<vmem_shared>>) offsets(%dma_start3A_651 : memref<80xi32, #tpu.memory_space<vmem>>) semaphore(%arg18 : memref<!tpu.dma_semaphore, #tpu.memory_space<semaphore_mem>>) {add = true}
      %get3A_655 = arith.constant 1 : i32
      %get3A_656 = arith.index_cast %get3A_655 : i32 to index
      %get3A_657 = arith.constant 0 : index
      %get3A_658 = tpu.vector_load %arg15[%get3A_656, %get3A_657] {strides = array<i32>} : memref<2x80xi32, #tpu.memory_space<vmem>>, vector<16xi32>,
      tpu.vector_store_idx %arg8[%get3A_658], %broadcast_in_dim3A_3 {add = true} : memref<10000xf32, #tpu.memory_space<vmem>>[vector<16xi32>], vector<16xf32>,
      %get3A_659 = arith.constant 1 : i32
      %get3A_660 = arith.index_cast %get3A_659 : i32 to index
      %get3A_661 = arith.constant 16 : index
      %get3A_662 = tpu.vector_load %arg15[%get3A_660, %get3A_661] {strides = array<i32>} : memref<2x80xi32, #tpu.memory_space<vmem>>, vector<16xi32>,
      tpu.vector_store_idx %arg8[%get3A_662], %broadcast_in_dim3A_3 {add = true} : memref<10000xf32, #tpu.memory_space<vmem>>[vector<16xi32>], vector<16xf32>,
      %get3A_663 = arith.constant 1 : i32
      %get3A_664 = arith.index_cast %get3A_663 : i32 to index
      %get3A_665 = arith.constant 32 : index
      %get3A_666 = tpu.vector_load %arg15[%get3A_664, %get3A_665] {strides = array<i32>} : memref<2x80xi32, #tpu.memory_space<vmem>>, vector<16xi32>,
      tpu.vector_store_idx %arg8[%get3A_666], %broadcast_in_dim3A_3 {add = true} : memref<10000xf32, #tpu.memory_space<vmem>>[vector<16xi32>], vector<16xf32>,
      %get3A_667 = arith.constant 1 : i32
      %get3A_668 = arith.index_cast %get3A_667 : i32 to index
      %get3A_669 = arith.constant 48 : index
      %get3A_670 = tpu.vector_load %arg15[%get3A_668, %get3A_669] {strides = array<i32>} : memref<2x80xi32, #tpu.memory_space<vmem>>, vector<16xi32>,
      tpu.vector_store_idx %arg8[%get3A_670], %broadcast_in_dim3A_3 {add = true} : memref<10000xf32, #tpu.memory_space<vmem>>[vector<16xi32>], vector<16xf32>,
      %get3A_671 = arith.constant 1 : i32
      %get3A_672 = arith.index_cast %get3A_671 : i32 to index
      %get3A_673 = arith.constant 64 : index
      %get3A_674 = tpu.vector_load %arg15[%get3A_672, %get3A_673] {strides = array<i32>} : memref<2x80xi32, #tpu.memory_space<vmem>>, vector<16xi32>,
      tpu.vector_store_idx %arg8[%get3A_674], %broadcast_in_dim3A_3 {add = true} : memref<10000xf32, #tpu.memory_space<vmem>>[vector<16xi32>], vector<16xf32>,
      %dma_wait3A_675 = arith.constant 0 : i32
      %dma_wait3A_676 = arith.constant 0 : i32
      %dma_wait3A_677 = arith.constant 0 : i32
      %dma_wait3A_678 = tpu.memref_slice %arg16[%dma_wait3A_676, %dma_wait3A_677] : memref<2x80xi32, #tpu.memory_space<vmem>> -> memref<1x80xi32, #tpu.memory_space<vmem>>
      %dma_wait3A_679 = tpu.memref_squeeze %dma_wait3A_678 : memref<1x80xi32, #tpu.memory_space<vmem>> -> memref<80xi32, #tpu.memory_space<vmem>>
      %dma_wait3A_680 = arith.constant 0 : i32
      %dma_wait3A_681 = tpu.memref_slice %arg3[%dma_wait3A_675, %dma_wait3A_680] : memref<2x320000xi32, #tpu.memory_space<hbm>> -> memref<1x80xi32, #tpu.memory_space<hbm>>
      %dma_wait3A_682 = tpu.memref_squeeze %dma_wait3A_681 : memref<1x80xi32, #tpu.memory_space<hbm>> -> memref<80xi32, #tpu.memory_space<hbm>>
      %dma_wait3A_683 = arith.constant 0 : i32
      %dma_wait3A_684 = tpu.memref_slice %arg16[%dma_wait3A_676, %dma_wait3A_683] : memref<2x80xi32, #tpu.memory_space<vmem>> -> memref<1x80xi32, #tpu.memory_space<vmem>>
      %dma_wait3A_685 = tpu.memref_squeeze %dma_wait3A_684 : memref<1x80xi32, #tpu.memory_space<vmem>> -> memref<80xi32, #tpu.memory_space<vmem>>
      %dma_wait3A_686 = arith.constant 0 : i32
      %dma_wait3A_687 = tpu.memref_slice %arg3[%dma_wait3A_675, %dma_wait3A_686] : memref<2x320000xi32, #tpu.memory_space<hbm>> -> memref<1x80xi32, #tpu.memory_space<hbm>>
      %dma_wait3A_688 = tpu.memref_squeeze %dma_wait3A_687 : memref<1x80xi32, #tpu.memory_space<hbm>> -> memref<80xi32, #tpu.memory_space<hbm>>
      tpu.wait_dma2 semaphore(%arg25 : memref<!tpu.dma_semaphore, #tpu.memory_space<semaphore_mem>>) src(%dma_wait3A_688 : memref<80xi32, #tpu.memory_space<hbm>>) dst(%dma_wait3A_685 : memref<80xi32, #tpu.memory_space<vmem>>)
      %dma_wait3A_689 = arith.constant 0 : i32
      %dma_wait3A_690 = arith.constant 0 : i32
      %dma_wait3A_691 = arith.constant 0 : i32
      %dma_wait3A_692 = tpu.memref_slice %arg16[%dma_wait3A_690, %dma_wait3A_691] : memref<2x80xi32, #tpu.memory_space<vmem>> -> memref<1x80xi32, #tpu.memory_space<vmem>>
      %dma_wait3A_693 = tpu.memref_squeeze %dma_wait3A_692 : memref<1x80xi32, #tpu.memory_space<vmem>> -> memref<80xi32, #tpu.memory_space<vmem>>
      %dma_wait3A_694 = arith.constant 0 : i32
      %dma_wait3A_695 = tpu.memref_slice %arg3[%dma_wait3A_689, %dma_wait3A_694] : memref<2x320000xi32, #tpu.memory_space<hbm>> -> memref<1x80xi32, #tpu.memory_space<hbm>>
      %dma_wait3A_696 = tpu.memref_squeeze %dma_wait3A_695 : memref<1x80xi32, #tpu.memory_space<hbm>> -> memref<80xi32, #tpu.memory_space<hbm>>
      %dma_wait3A_697 = arith.constant 0 : i32
      %dma_wait3A_698 = tpu.memref_slice %arg16[%dma_wait3A_690, %dma_wait3A_697] : memref<2x80xi32, #tpu.memory_space<vmem>> -> memref<1x80xi32, #tpu.memory_space<vmem>>
      %dma_wait3A_699 = tpu.memref_squeeze %dma_wait3A_698 : memref<1x80xi32, #tpu.memory_space<vmem>> -> memref<80xi32, #tpu.memory_space<vmem>>
      %dma_wait3A_700 = arith.constant 0 : i32
      %dma_wait3A_701 = tpu.memref_slice %arg3[%dma_wait3A_689, %dma_wait3A_700] : memref<2x320000xi32, #tpu.memory_space<hbm>> -> memref<1x80xi32, #tpu.memory_space<hbm>>
      %dma_wait3A_702 = tpu.memref_squeeze %dma_wait3A_701 : memref<1x80xi32, #tpu.memory_space<hbm>> -> memref<80xi32, #tpu.memory_space<hbm>>
      tpu.wait_dma2 semaphore(%arg25 : memref<!tpu.dma_semaphore, #tpu.memory_space<semaphore_mem>>) src(%dma_wait3A_702 : memref<80xi32, #tpu.memory_space<hbm>>) dst(%dma_wait3A_699 : memref<80xi32, #tpu.memory_space<vmem>>)
      %dma_wait3A_703 = arith.constant 0 : i32
      %dma_wait3A_704 = arith.constant 0 : i32
      %dma_wait3A_705 = tpu.memref_slice %arg7[%dma_wait3A_703, %dma_wait3A_704] : memref<10000x128xf32, #tpu.memory_space<vmem_shared>> -> memref<80x128xf32, #tpu.memory_space<vmem_shared>>
      %dma_wait3A_706 = arith.constant 0 : i32
      %dma_wait3A_707 = arith.constant 0 : i32
      %dma_wait3A_708 = tpu.memref_slice %arg7[%dma_wait3A_706, %dma_wait3A_707] : memref<10000x128xf32, #tpu.memory_space<vmem_shared>> -> memref<80x128xf32, #tpu.memory_space<vmem_shared>>
      tpu.wait_dma2 semaphore(%arg19 : memref<!tpu.dma_semaphore, #tpu.memory_space<semaphore_mem>>) src(%arg10 : memref<80x128xf32, #tpu.memory_space<vmem>>) dst(%dma_wait3A_708 : memref<80x128xf32, #tpu.memory_space<vmem_shared>>)
      %add3A_709 = arith.constant 1 : i32
      %add3A_710 = arith.addi %add3A_641, %add3A_709 : i32
      %dma_start3A_711 = arith.constant 0 : i32
      %dma_start3A_712 = arith.constant 0 : i32
      %dma_start3A_713 = tpu.memref_slice %arg16[%dma_start3A_711, %dma_start3A_712] : memref<2x80xi32, #tpu.memory_space<vmem>> -> memref<1x80xi32, #tpu.memory_space<vmem>>
      %dma_start3A_714 = tpu.memref_squeeze %dma_start3A_713 : memref<1x80xi32, #tpu.memory_space<vmem>> -> memref<80xi32, #tpu.memory_space<vmem>>
      %dma_start3A_715 = arith.constant 0 : i32
      %dma_start3A_716 = arith.constant 0 : i32
      %dma_start3A_717 = tpu.memref_slice %arg2[%dma_start3A_715, %dma_start3A_716] : memref<10000x128xf32, #tpu.memory_space<hbm>> -> memref<10000x128xf32, #tpu.memory_space<hbm>>
      tpu.enqueue_indirect_dma source(%dma_start3A_717 : memref<10000x128xf32, #tpu.memory_space<hbm>>) target(%arg10 : memref<80x128xf32, #tpu.memory_space<vmem>>) offsets(%dma_start3A_714 : memref<80xi32, #tpu.memory_space<vmem>>) semaphore(%arg19 : memref<!tpu.dma_semaphore, #tpu.memory_space<semaphore_mem>>)
      %add3A_718 = arith.constant 3 : i32
      %add3A_719 = arith.addi %add3A_641, %add3A_718 : i32
      %mul3A_720 = arith.constant 80 : i32
      %mul3A_721 = arith.muli %add3A_719, %mul3A_720 : i32
      %add3A_722 = arith.addi %mul3A_2, %mul3A_721 : i32
      %multiple_of3A_723 = tpu.assume_multiple %add3A_722, 8 : i32
      %dma_start3A_724 = arith.constant 0 : i32
      %dma_start3A_725 = arith.constant 0 : i32
      %dma_start3A_726 = arith.constant 0 : i32
      %dma_start3A_727 = tpu.memref_slice %arg12[%dma_start3A_725, %dma_start3A_726] : memref<2x80xi32, #tpu.memory_space<vmem>> -> memref<1x80xi32, #tpu.memory_space<vmem>>
      %dma_start3A_728 = tpu.memref_squeeze %dma_start3A_727 : memref<1x80xi32, #tpu.memory_space<vmem>> -> memref<80xi32, #tpu.memory_space<vmem>>
      %dma_start3A_729 = tpu.memref_slice %arg3[%dma_start3A_724, %multiple_of3A_723] : memref<2x320000xi32, #tpu.memory_space<hbm>> -> memref<1x80xi32, #tpu.memory_space<hbm>>
      %dma_start3A_730 = tpu.memref_squeeze %dma_start3A_729 : memref<1x80xi32, #tpu.memory_space<hbm>> -> memref<80xi32, #tpu.memory_space<hbm>>
      %dma_start3A_731 = arith.constant 0 : i32
      %dma_start3A_732 = tpu.memref_slice %arg12[%dma_start3A_725, %dma_start3A_731] : memref<2x80xi32, #tpu.memory_space<vmem>> -> memref<1x80xi32, #tpu.memory_space<vmem>>
      %dma_start3A_733 = tpu.memref_squeeze %dma_start3A_732 : memref<1x80xi32, #tpu.memory_space<vmem>> -> memref<80xi32, #tpu.memory_space<vmem>>
      %dma_start3A_734 = tpu.memref_slice %arg3[%dma_start3A_724, %multiple_of3A_723] : memref<2x320000xi32, #tpu.memory_space<hbm>> -> memref<1x80xi32, #tpu.memory_space<hbm>>
      %dma_start3A_735 = tpu.memref_squeeze %dma_start3A_734 : memref<1x80xi32, #tpu.memory_space<hbm>> -> memref<80xi32, #tpu.memory_space<hbm>>
      tpu.enqueue_dma source(%dma_start3A_735 : memref<80xi32, #tpu.memory_space<hbm>>) target(%dma_start3A_733 : memref<80xi32, #tpu.memory_space<vmem>>) target_semaphore(%arg21 : memref<!tpu.dma_semaphore, #tpu.memory_space<semaphore_mem>>)
      %dma_start3A_736 = arith.constant 1 : i32
      %dma_start3A_737 = arith.constant 1 : i32
      %dma_start3A_738 = arith.constant 0 : i32
      %dma_start3A_739 = tpu.memref_slice %arg12[%dma_start3A_737, %dma_start3A_738] : memref<2x80xi32, #tpu.memory_space<vmem>> -> memref<1x80xi32, #tpu.memory_space<vmem>>
      %dma_start3A_740 = tpu.memref_squeeze %dma_start3A_739 : memref<1x80xi32, #tpu.memory_space<vmem>> -> memref<80xi32, #tpu.memory_space<vmem>>
      %dma_start3A_741 = tpu.memref_slice %arg3[%dma_start3A_736, %multiple_of3A_723] : memref<2x320000xi32, #tpu.memory_space<hbm>> -> memref<1x80xi32, #tpu.memory_space<hbm>>
      %dma_start3A_742 = tpu.memref_squeeze %dma_start3A_741 : memref<1x80xi32, #tpu.memory_space<hbm>> -> memref<80xi32, #tpu.memory_space<hbm>>
      %dma_start3A_743 = arith.constant 0 : i32
      %dma_start3A_744 = tpu.memref_slice %arg12[%dma_start3A_737, %dma_start3A_743] : memref<2x80xi32, #tpu.memory_space<vmem>> -> memref<1x80xi32, #tpu.memory_space<vmem>>
      %dma_start3A_745 = tpu.memref_squeeze %dma_start3A_744 : memref<1x80xi32, #tpu.memory_space<vmem>> -> memref<80xi32, #tpu.memory_space<vmem>>
      %dma_start3A_746 = tpu.memref_slice %arg3[%dma_start3A_736, %multiple_of3A_723] : memref<2x320000xi32, #tpu.memory_space<hbm>> -> memref<1x80xi32, #tpu.memory_space<hbm>>
      %dma_start3A_747 = tpu.memref_squeeze %dma_start3A_746 : memref<1x80xi32, #tpu.memory_space<hbm>> -> memref<80xi32, #tpu.memory_space<hbm>>
      tpu.enqueue_dma source(%dma_start3A_747 : memref<80xi32, #tpu.memory_space<hbm>>) target(%dma_start3A_745 : memref<80xi32, #tpu.memory_space<vmem>>) target_semaphore(%arg21 : memref<!tpu.dma_semaphore, #tpu.memory_space<semaphore_mem>>)
      %add3A_748 = arith.constant 2 : i32
      %add3A_749 = arith.addi %add3A_531, %add3A_748 : i32
      %dma_wait3A_750 = arith.constant 0 : i32
      %dma_wait3A_751 = arith.constant 0 : i32
      %dma_wait3A_752 = tpu.memref_slice %arg2[%dma_wait3A_750, %dma_wait3A_751] : memref<10000x128xf32, #tpu.memory_space<hbm>> -> memref<80x128xf32, #tpu.memory_space<hbm>>
      %dma_wait3A_753 = arith.constant 0 : i32
      %dma_wait3A_754 = arith.constant 0 : i32
      %dma_wait3A_755 = tpu.memref_slice %arg2[%dma_wait3A_753, %dma_wait3A_754] : memref<10000x128xf32, #tpu.memory_space<hbm>> -> memref<80x128xf32, #tpu.memory_space<hbm>>
      tpu.wait_dma2 semaphore(%arg19 : memref<!tpu.dma_semaphore, #tpu.memory_space<semaphore_mem>>) src(%dma_wait3A_755 : memref<80x128xf32, #tpu.memory_space<hbm>>) dst(%arg10 : memref<80x128xf32, #tpu.memory_space<vmem>>)
      %dma_start3A_756 = arith.constant 1 : i32
      %dma_start3A_757 = arith.constant 0 : i32
      %dma_start3A_758 = tpu.memref_slice %arg16[%dma_start3A_756, %dma_start3A_757] : memref<2x80xi32, #tpu.memory_space<vmem>> -> memref<1x80xi32, #tpu.memory_space<vmem>>
      %dma_start3A_759 = tpu.memref_squeeze %dma_start3A_758 : memref<1x80xi32, #tpu.memory_space<vmem>> -> memref<80xi32, #tpu.memory_space<vmem>>
      %dma_start3A_760 = arith.constant 0 : i32
      %dma_start3A_761 = arith.constant 0 : i32
      %dma_start3A_762 = tpu.memref_slice %arg7[%dma_start3A_760, %dma_start3A_761] : memref<10000x128xf32, #tpu.memory_space<vmem_shared>> -> memref<10000x128xf32, #tpu.memory_space<vmem_shared>>
      tpu.enqueue_indirect_dma source(%arg10 : memref<80x128xf32, #tpu.memory_space<vmem>>) target(%dma_start3A_762 : memref<10000x128xf32, #tpu.memory_space<vmem_shared>>) offsets(%dma_start3A_759 : memref<80xi32, #tpu.memory_space<vmem>>) semaphore(%arg19 : memref<!tpu.dma_semaphore, #tpu.memory_space<semaphore_mem>>) {add = true}
      %get3A_763 = arith.constant 1 : i32
      %get3A_764 = arith.index_cast %get3A_763 : i32 to index
      %get3A_765 = arith.constant 0 : index
      %get3A_766 = tpu.vector_load %arg16[%get3A_764, %get3A_765] {strides = array<i32>} : memref<2x80xi32, #tpu.memory_space<vmem>>, vector<16xi32>,
      tpu.vector_store_idx %arg8[%get3A_766], %broadcast_in_dim3A_3 {add = true} : memref<10000xf32, #tpu.memory_space<vmem>>[vector<16xi32>], vector<16xf32>,
      %get3A_767 = arith.constant 1 : i32
      %get3A_768 = arith.index_cast %get3A_767 : i32 to index
      %get3A_769 = arith.constant 16 : index
      %get3A_770 = tpu.vector_load %arg16[%get3A_768, %get3A_769] {strides = array<i32>} : memref<2x80xi32, #tpu.memory_space<vmem>>, vector<16xi32>,
      tpu.vector_store_idx %arg8[%get3A_770], %broadcast_in_dim3A_3 {add = true} : memref<10000xf32, #tpu.memory_space<vmem>>[vector<16xi32>], vector<16xf32>,
      %get3A_771 = arith.constant 1 : i32
      %get3A_772 = arith.index_cast %get3A_771 : i32 to index
      %get3A_773 = arith.constant 32 : index
      %get3A_774 = tpu.vector_load %arg16[%get3A_772, %get3A_773] {strides = array<i32>} : memref<2x80xi32, #tpu.memory_space<vmem>>, vector<16xi32>,
      tpu.vector_store_idx %arg8[%get3A_774], %broadcast_in_dim3A_3 {add = true} : memref<10000xf32, #tpu.memory_space<vmem>>[vector<16xi32>], vector<16xf32>,
      %get3A_775 = arith.constant 1 : i32
      %get3A_776 = arith.index_cast %get3A_775 : i32 to index
      %get3A_777 = arith.constant 48 : index
      %get3A_778 = tpu.vector_load %arg16[%get3A_776, %get3A_777] {strides = array<i32>} : memref<2x80xi32, #tpu.memory_space<vmem>>, vector<16xi32>,
      tpu.vector_store_idx %arg8[%get3A_778], %broadcast_in_dim3A_3 {add = true} : memref<10000xf32, #tpu.memory_space<vmem>>[vector<16xi32>], vector<16xf32>,
      %get3A_779 = arith.constant 1 : i32
      %get3A_780 = arith.index_cast %get3A_779 : i32 to index
      %get3A_781 = arith.constant 64 : index
      %get3A_782 = tpu.vector_load %arg16[%get3A_780, %get3A_781] {strides = array<i32>} : memref<2x80xi32, #tpu.memory_space<vmem>>, vector<16xi32>,
      tpu.vector_store_idx %arg8[%get3A_782], %broadcast_in_dim3A_3 {add = true} : memref<10000xf32, #tpu.memory_space<vmem>>[vector<16xi32>], vector<16xf32>,
      %dma_wait3A_783 = arith.constant 0 : i32
      %dma_wait3A_784 = arith.constant 0 : i32
      %dma_wait3A_785 = arith.constant 0 : i32
      %dma_wait3A_786 = tpu.memref_slice %arg17[%dma_wait3A_784, %dma_wait3A_785] : memref<2x80xi32, #tpu.memory_space<vmem>> -> memref<1x80xi32, #tpu.memory_space<vmem>>
      %dma_wait3A_787 = tpu.memref_squeeze %dma_wait3A_786 : memref<1x80xi32, #tpu.memory_space<vmem>> -> memref<80xi32, #tpu.memory_space<vmem>>
      %dma_wait3A_788 = arith.constant 0 : i32
      %dma_wait3A_789 = tpu.memref_slice %arg3[%dma_wait3A_783, %dma_wait3A_788] : memref<2x320000xi32, #tpu.memory_space<hbm>> -> memref<1x80xi32, #tpu.memory_space<hbm>>
      %dma_wait3A_790 = tpu.memref_squeeze %dma_wait3A_789 : memref<1x80xi32, #tpu.memory_space<hbm>> -> memref<80xi32, #tpu.memory_space<hbm>>
      %dma_wait3A_791 = arith.constant 0 : i32
      %dma_wait3A_792 = tpu.memref_slice %arg17[%dma_wait3A_784, %dma_wait3A_791] : memref<2x80xi32, #tpu.memory_space<vmem>> -> memref<1x80xi32, #tpu.memory_space<vmem>>
      %dma_wait3A_793 = tpu.memref_squeeze %dma_wait3A_792 : memref<1x80xi32, #tpu.memory_space<vmem>> -> memref<80xi32, #tpu.memory_space<vmem>>
      %dma_wait3A_794 = arith.constant 0 : i32
      %dma_wait3A_795 = tpu.memref_slice %arg3[%dma_wait3A_783, %dma_wait3A_794] : memref<2x320000xi32, #tpu.memory_space<hbm>> -> memref<1x80xi32, #tpu.memory_space<hbm>>
      %dma_wait3A_796 = tpu.memref_squeeze %dma_wait3A_795 : memref<1x80xi32, #tpu.memory_space<hbm>> -> memref<80xi32, #tpu.memory_space<hbm>>
      tpu.wait_dma2 semaphore(%arg26 : memref<!tpu.dma_semaphore, #tpu.memory_space<semaphore_mem>>) src(%dma_wait3A_796 : memref<80xi32, #tpu.memory_space<hbm>>) dst(%dma_wait3A_793 : memref<80xi32, #tpu.memory_space<vmem>>)
      %dma_wait3A_797 = arith.constant 0 : i32
      %dma_wait3A_798 = arith.constant 0 : i32
      %dma_wait3A_799 = arith.constant 0 : i32
      %dma_wait3A_800 = tpu.memref_slice %arg17[%dma_wait3A_798, %dma_wait3A_799] : memref<2x80xi32, #tpu.memory_space<vmem>> -> memref<1x80xi32, #tpu.memory_space<vmem>>
      %dma_wait3A_801 = tpu.memref_squeeze %dma_wait3A_800 : memref<1x80xi32, #tpu.memory_space<vmem>> -> memref<80xi32, #tpu.memory_space<vmem>>
      %dma_wait3A_802 = arith.constant 0 : i32
      %dma_wait3A_803 = tpu.memref_slice %arg3[%dma_wait3A_797, %dma_wait3A_802] : memref<2x320000xi32, #tpu.memory_space<hbm>> -> memref<1x80xi32, #tpu.memory_space<hbm>>
      %dma_wait3A_804 = tpu.memref_squeeze %dma_wait3A_803 : memref<1x80xi32, #tpu.memory_space<hbm>> -> memref<80xi32, #tpu.memory_space<hbm>>
      %dma_wait3A_805 = arith.constant 0 : i32
      %dma_wait3A_806 = tpu.memref_slice %arg17[%dma_wait3A_798, %dma_wait3A_805] : memref<2x80xi32, #tpu.memory_space<vmem>> -> memref<1x80xi32, #tpu.memory_space<vmem>>
      %dma_wait3A_807 = tpu.memref_squeeze %dma_wait3A_806 : memref<1x80xi32, #tpu.memory_space<vmem>> -> memref<80xi32, #tpu.memory_space<vmem>>
      %dma_wait3A_808 = arith.constant 0 : i32
      %dma_wait3A_809 = tpu.memref_slice %arg3[%dma_wait3A_797, %dma_wait3A_808] : memref<2x320000xi32, #tpu.memory_space<hbm>> -> memref<1x80xi32, #tpu.memory_space<hbm>>
      %dma_wait3A_810 = tpu.memref_squeeze %dma_wait3A_809 : memref<1x80xi32, #tpu.memory_space<hbm>> -> memref<80xi32, #tpu.memory_space<hbm>>
      tpu.wait_dma2 semaphore(%arg26 : memref<!tpu.dma_semaphore, #tpu.memory_space<semaphore_mem>>) src(%dma_wait3A_810 : memref<80xi32, #tpu.memory_space<hbm>>) dst(%dma_wait3A_807 : memref<80xi32, #tpu.memory_space<vmem>>)
      %dma_wait3A_811 = arith.constant 0 : i32
      %dma_wait3A_812 = arith.constant 0 : i32
      %dma_wait3A_813 = tpu.memref_slice %arg7[%dma_wait3A_811, %dma_wait3A_812] : memref<10000x128xf32, #tpu.memory_space<vmem_shared>> -> memref<80x128xf32, #tpu.memory_space<vmem_shared>>
      %dma_wait3A_814 = arith.constant 0 : i32
      %dma_wait3A_815 = arith.constant 0 : i32
      %dma_wait3A_816 = tpu.memref_slice %arg7[%dma_wait3A_814, %dma_wait3A_815] : memref<10000x128xf32, #tpu.memory_space<vmem_shared>> -> memref<80x128xf32, #tpu.memory_space<vmem_shared>>
      tpu.wait_dma2 semaphore(%arg20 : memref<!tpu.dma_semaphore, #tpu.memory_space<semaphore_mem>>) src(%arg11 : memref<80x128xf32, #tpu.memory_space<vmem>>) dst(%dma_wait3A_816 : memref<80x128xf32, #tpu.memory_space<vmem_shared>>)
      %add3A_817 = arith.constant 1 : i32
      %add3A_818 = arith.addi %add3A_749, %add3A_817 : i32
      %dma_start3A_819 = arith.constant 0 : i32
      %dma_start3A_820 = arith.constant 0 : i32
      %dma_start3A_821 = tpu.memref_slice %arg17[%dma_start3A_819, %dma_start3A_820] : memref<2x80xi32, #tpu.memory_space<vmem>> -> memref<1x80xi32, #tpu.memory_space<vmem>>
      %dma_start3A_822 = tpu.memref_squeeze %dma_start3A_821 : memref<1x80xi32, #tpu.memory_space<vmem>> -> memref<80xi32, #tpu.memory_space<vmem>>
      %dma_start3A_823 = arith.constant 0 : i32
      %dma_start3A_824 = arith.constant 0 : i32
      %dma_start3A_825 = tpu.memref_slice %arg2[%dma_start3A_823, %dma_start3A_824] : memref<10000x128xf32, #tpu.memory_space<hbm>> -> memref<10000x128xf32, #tpu.memory_space<hbm>>
      tpu.enqueue_indirect_dma source(%dma_start3A_825 : memref<10000x128xf32, #tpu.memory_space<hbm>>) target(%arg11 : memref<80x128xf32, #tpu.memory_space<vmem>>) offsets(%dma_start3A_822 : memref<80xi32, #tpu.memory_space<vmem>>) semaphore(%arg20 : memref<!tpu.dma_semaphore, #tpu.memory_space<semaphore_mem>>)
      %add3A_826 = arith.constant 3 : i32
      %add3A_827 = arith.addi %add3A_749, %add3A_826 : i32
      %mul3A_828 = arith.constant 80 : i32
      %mul3A_829 = arith.muli %add3A_827, %mul3A_828 : i32
      %add3A_830 = arith.addi %mul3A_2, %mul3A_829 : i32
      %multiple_of3A_831 = tpu.assume_multiple %add3A_830, 8 : i32
      %dma_start3A_832 = arith.constant 0 : i32
      %dma_start3A_833 = arith.constant 0 : i32
      %dma_start3A_834 = arith.constant 0 : i32
      %dma_start3A_835 = tpu.memref_slice %arg13[%dma_start3A_833, %dma_start3A_834] : memref<2x80xi32, #tpu.memory_space<vmem>> -> memref<1x80xi32, #tpu.memory_space<vmem>>
      %dma_start3A_836 = tpu.memref_squeeze %dma_start3A_835 : memref<1x80xi32, #tpu.memory_space<vmem>> -> memref<80xi32, #tpu.memory_space<vmem>>
      %dma_start3A_837 = tpu.memref_slice %arg3[%dma_start3A_832, %multiple_of3A_831] : memref<2x320000xi32, #tpu.memory_space<hbm>> -> memref<1x80xi32, #tpu.memory_space<hbm>>
      %dma_start3A_838 = tpu.memref_squeeze %dma_start3A_837 : memref<1x80xi32, #tpu.memory_space<hbm>> -> memref<80xi32, #tpu.memory_space<hbm>>
      %dma_start3A_839 = arith.constant 0 : i32
      %dma_start3A_840 = tpu.memref_slice %arg13[%dma_start3A_833, %dma_start3A_839] : memref<2x80xi32, #tpu.memory_space<vmem>> -> memref<1x80xi32, #tpu.memory_space<vmem>>
      %dma_start3A_841 = tpu.memref_squeeze %dma_start3A_840 : memref<1x80xi32, #tpu.memory_space<vmem>> -> memref<80xi32, #tpu.memory_space<vmem>>
      %dma_start3A_842 = tpu.memref_slice %arg3[%dma_start3A_832, %multiple_of3A_831] : memref<2x320000xi32, #tpu.memory_space<hbm>> -> memref<1x80xi32, #tpu.memory_space<hbm>>
      %dma_start3A_843 = tpu.memref_squeeze %dma_start3A_842 : memref<1x80xi32, #tpu.memory_space<hbm>> -> memref<80xi32, #tpu.memory_space<hbm>>
      tpu.enqueue_dma source(%dma_start3A_843 : memref<80xi32, #tpu.memory_space<hbm>>) target(%dma_start3A_841 : memref<80xi32, #tpu.memory_space<vmem>>) target_semaphore(%arg22 : memref<!tpu.dma_semaphore, #tpu.memory_space<semaphore_mem>>)
      %dma_start3A_844 = arith.constant 1 : i32
      %dma_start3A_845 = arith.constant 1 : i32
      %dma_start3A_846 = arith.constant 0 : i32
      %dma_start3A_847 = tpu.memref_slice %arg13[%dma_start3A_845, %dma_start3A_846] : memref<2x80xi32, #tpu.memory_space<vmem>> -> memref<1x80xi32, #tpu.memory_space<vmem>>
      %dma_start3A_848 = tpu.memref_squeeze %dma_start3A_847 : memref<1x80xi32, #tpu.memory_space<vmem>> -> memref<80xi32, #tpu.memory_space<vmem>>
      %dma_start3A_849 = tpu.memref_slice %arg3[%dma_start3A_844, %multiple_of3A_831] : memref<2x320000xi32, #tpu.memory_space<hbm>> -> memref<1x80xi32, #tpu.memory_space<hbm>>
      %dma_start3A_850 = tpu.memref_squeeze %dma_start3A_849 : memref<1x80xi32, #tpu.memory_space<hbm>> -> memref<80xi32, #tpu.memory_space<hbm>>
      %dma_start3A_851 = arith.constant 0 : i32
      %dma_start3A_852 = tpu.memref_slice %arg13[%dma_start3A_845, %dma_start3A_851] : memref<2x80xi32, #tpu.memory_space<vmem>> -> memref<1x80xi32, #tpu.memory_space<vmem>>
      %dma_start3A_853 = tpu.memref_squeeze %dma_start3A_852 : memref<1x80xi32, #tpu.memory_space<vmem>> -> memref<80xi32, #tpu.memory_space<vmem>>
      %dma_start3A_854 = tpu.memref_slice %arg3[%dma_start3A_844, %multiple_of3A_831] : memref<2x320000xi32, #tpu.memory_space<hbm>> -> memref<1x80xi32, #tpu.memory_space<hbm>>
      %dma_start3A_855 = tpu.memref_squeeze %dma_start3A_854 : memref<1x80xi32, #tpu.memory_space<hbm>> -> memref<80xi32, #tpu.memory_space<hbm>>
      tpu.enqueue_dma source(%dma_start3A_855 : memref<80xi32, #tpu.memory_space<hbm>>) target(%dma_start3A_853 : memref<80xi32, #tpu.memory_space<vmem>>) target_semaphore(%arg22 : memref<!tpu.dma_semaphore, #tpu.memory_space<semaphore_mem>>)
      %add3A_856 = arith.constant 3 : i32
      %add3A_857 = arith.addi %add3A_531, %add3A_856 : i32
      %dma_wait3A_858 = arith.constant 0 : i32
      %dma_wait3A_859 = arith.constant 0 : i32
      %dma_wait3A_860 = tpu.memref_slice %arg2[%dma_wait3A_858, %dma_wait3A_859] : memref<10000x128xf32, #tpu.memory_space<hbm>> -> memref<80x128xf32, #tpu.memory_space<hbm>>
      %dma_wait3A_861 = arith.constant 0 : i32
      %dma_wait3A_862 = arith.constant 0 : i32
      %dma_wait3A_863 = tpu.memref_slice %arg2[%dma_wait3A_861, %dma_wait3A_862] : memref<10000x128xf32, #tpu.memory_space<hbm>> -> memref<80x128xf32, #tpu.memory_space<hbm>>
      tpu.wait_dma2 semaphore(%arg20 : memref<!tpu.dma_semaphore, #tpu.memory_space<semaphore_mem>>) src(%dma_wait3A_863 : memref<80x128xf32, #tpu.memory_space<hbm>>) dst(%arg11 : memref<80x128xf32, #tpu.memory_space<vmem>>)
      %dma_start3A_864 = arith.constant 1 : i32
      %dma_start3A_865 = arith.constant 0 : i32
      %dma_start3A_866 = tpu.memref_slice %arg17[%dma_start3A_864, %dma_start3A_865] : memref<2x80xi32, #tpu.memory_space<vmem>> -> memref<1x80xi32, #tpu.memory_space<vmem>>
      %dma_start3A_867 = tpu.memref_squeeze %dma_start3A_866 : memref<1x80xi32, #tpu.memory_space<vmem>> -> memref<80xi32, #tpu.memory_space<vmem>>
      %dma_start3A_868 = arith.constant 0 : i32
      %dma_start3A_869 = arith.constant 0 : i32
      %dma_start3A_870 = tpu.memref_slice %arg7[%dma_start3A_868, %dma_start3A_869] : memref<10000x128xf32, #tpu.memory_space<vmem_shared>> -> memref<10000x128xf32, #tpu.memory_space<vmem_shared>>
      tpu.enqueue_indirect_dma source(%arg11 : memref<80x128xf32, #tpu.memory_space<vmem>>) target(%dma_start3A_870 : memref<10000x128xf32, #tpu.memory_space<vmem_shared>>) offsets(%dma_start3A_867 : memref<80xi32, #tpu.memory_space<vmem>>) semaphore(%arg20 : memref<!tpu.dma_semaphore, #tpu.memory_space<semaphore_mem>>) {add = true}
      %get3A_871 = arith.constant 1 : i32
      %get3A_872 = arith.index_cast %get3A_871 : i32 to index
      %get3A_873 = arith.constant 0 : index
      %get3A_874 = tpu.vector_load %arg17[%get3A_872, %get3A_873] {strides = array<i32>} : memref<2x80xi32, #tpu.memory_space<vmem>>, vector<16xi32>,
      tpu.vector_store_idx %arg8[%get3A_874], %broadcast_in_dim3A_3 {add = true} : memref<10000xf32, #tpu.memory_space<vmem>>[vector<16xi32>], vector<16xf32>,
      %get3A_875 = arith.constant 1 : i32
      %get3A_876 = arith.index_cast %get3A_875 : i32 to index
      %get3A_877 = arith.constant 16 : index
      %get3A_878 = tpu.vector_load %arg17[%get3A_876, %get3A_877] {strides = array<i32>} : memref<2x80xi32, #tpu.memory_space<vmem>>, vector<16xi32>,
      tpu.vector_store_idx %arg8[%get3A_878], %broadcast_in_dim3A_3 {add = true} : memref<10000xf32, #tpu.memory_space<vmem>>[vector<16xi32>], vector<16xf32>,
      %get3A_879 = arith.constant 1 : i32
      %get3A_880 = arith.index_cast %get3A_879 : i32 to index
      %get3A_881 = arith.constant 32 : index
      %get3A_882 = tpu.vector_load %arg17[%get3A_880, %get3A_881] {strides = array<i32>} : memref<2x80xi32, #tpu.memory_space<vmem>>, vector<16xi32>,
      tpu.vector_store_idx %arg8[%get3A_882], %broadcast_in_dim3A_3 {add = true} : memref<10000xf32, #tpu.memory_space<vmem>>[vector<16xi32>], vector<16xf32>,
      %get3A_883 = arith.constant 1 : i32
      %get3A_884 = arith.index_cast %get3A_883 : i32 to index
      %get3A_885 = arith.constant 48 : index
      %get3A_886 = tpu.vector_load %arg17[%get3A_884, %get3A_885] {strides = array<i32>} : memref<2x80xi32, #tpu.memory_space<vmem>>, vector<16xi32>,
      tpu.vector_store_idx %arg8[%get3A_886], %broadcast_in_dim3A_3 {add = true} : memref<10000xf32, #tpu.memory_space<vmem>>[vector<16xi32>], vector<16xf32>,
      %get3A_887 = arith.constant 1 : i32
      %get3A_888 = arith.index_cast %get3A_887 : i32 to index
      %get3A_889 = arith.constant 64 : index
      %get3A_890 = tpu.vector_load %arg17[%get3A_888, %get3A_889] {strides = array<i32>} : memref<2x80xi32, #tpu.memory_space<vmem>>, vector<16xi32>,
      tpu.vector_store_idx %arg8[%get3A_890], %broadcast_in_dim3A_3 {add = true} : memref<10000xf32, #tpu.memory_space<vmem>>[vector<16xi32>], vector<16xf32>,
      %dma_wait3A_891 = arith.constant 0 : i32
      %dma_wait3A_892 = arith.constant 0 : i32
      %dma_wait3A_893 = arith.constant 0 : i32
      %dma_wait3A_894 = tpu.memref_slice %arg12[%dma_wait3A_892, %dma_wait3A_893] : memref<2x80xi32, #tpu.memory_space<vmem>> -> memref<1x80xi32, #tpu.memory_space<vmem>>
      %dma_wait3A_895 = tpu.memref_squeeze %dma_wait3A_894 : memref<1x80xi32, #tpu.memory_space<vmem>> -> memref<80xi32, #tpu.memory_space<vmem>>
      %dma_wait3A_896 = arith.constant 0 : i32
      %dma_wait3A_897 = tpu.memref_slice %arg3[%dma_wait3A_891, %dma_wait3A_896] : memref<2x320000xi32, #tpu.memory_space<hbm>> -> memref<1x80xi32, #tpu.memory_space<hbm>>
      %dma_wait3A_898 = tpu.memref_squeeze %dma_wait3A_897 : memref<1x80xi32, #tpu.memory_space<hbm>> -> memref<80xi32, #tpu.memory_space<hbm>>
      %dma_wait3A_899 = arith.constant 0 : i32
      %dma_wait3A_900 = tpu.memref_slice %arg12[%dma_wait3A_892, %dma_wait3A_899] : memref<2x80xi32, #tpu.memory_space<vmem>> -> memref<1x80xi32, #tpu.memory_space<vmem>>
      %dma_wait3A_901 = tpu.memref_squeeze %dma_wait3A_900 : memref<1x80xi32, #tpu.memory_space<vmem>> -> memref<80xi32, #tpu.memory_space<vmem>>
      %dma_wait3A_902 = arith.constant 0 : i32
      %dma_wait3A_903 = tpu.memref_slice %arg3[%dma_wait3A_891, %dma_wait3A_902] : memref<2x320000xi32, #tpu.memory_space<hbm>> -> memref<1x80xi32, #tpu.memory_space<hbm>>
      %dma_wait3A_904 = tpu.memref_squeeze %dma_wait3A_903 : memref<1x80xi32, #tpu.memory_space<hbm>> -> memref<80xi32, #tpu.memory_space<hbm>>
      tpu.wait_dma2 semaphore(%arg21 : memref<!tpu.dma_semaphore, #tpu.memory_space<semaphore_mem>>) src(%dma_wait3A_904 : memref<80xi32, #tpu.memory_space<hbm>>) dst(%dma_wait3A_901 : memref<80xi32, #tpu.memory_space<vmem>>)
      %dma_wait3A_905 = arith.constant 0 : i32
      %dma_wait3A_906 = arith.constant 0 : i32
      %dma_wait3A_907 = arith.constant 0 : i32
      %dma_wait3A_908 = tpu.memref_slice %arg12[%dma_wait3A_906, %dma_wait3A_907] : memref<2x80xi32, #tpu.memory_space<vmem>> -> memref<1x80xi32, #tpu.memory_space<vmem>>
      %dma_wait3A_909 = tpu.memref_squeeze %dma_wait3A_908 : memref<1x80xi32, #tpu.memory_space<vmem>> -> memref<80xi32, #tpu.memory_space<vmem>>
      %dma_wait3A_910 = arith.constant 0 : i32
      %dma_wait3A_911 = tpu.memref_slice %arg3[%dma_wait3A_905, %dma_wait3A_910] : memref<2x320000xi32, #tpu.memory_space<hbm>> -> memref<1x80xi32, #tpu.memory_space<hbm>>
      %dma_wait3A_912 = tpu.memref_squeeze %dma_wait3A_911 : memref<1x80xi32, #tpu.memory_space<hbm>> -> memref<80xi32, #tpu.memory_space<hbm>>
      %dma_wait3A_913 = arith.constant 0 : i32
      %dma_wait3A_914 = tpu.memref_slice %arg12[%dma_wait3A_906, %dma_wait3A_913] : memref<2x80xi32, #tpu.memory_space<vmem>> -> memref<1x80xi32, #tpu.memory_space<vmem>>
      %dma_wait3A_915 = tpu.memref_squeeze %dma_wait3A_914 : memref<1x80xi32, #tpu.memory_space<vmem>> -> memref<80xi32, #tpu.memory_space<vmem>>
      %dma_wait3A_916 = arith.constant 0 : i32
      %dma_wait3A_917 = tpu.memref_slice %arg3[%dma_wait3A_905, %dma_wait3A_916] : memref<2x320000xi32, #tpu.memory_space<hbm>> -> memref<1x80xi32, #tpu.memory_space<hbm>>
      %dma_wait3A_918 = tpu.memref_squeeze %dma_wait3A_917 : memref<1x80xi32, #tpu.memory_space<hbm>> -> memref<80xi32, #tpu.memory_space<hbm>>
      tpu.wait_dma2 semaphore(%arg21 : memref<!tpu.dma_semaphore, #tpu.memory_space<semaphore_mem>>) src(%dma_wait3A_918 : memref<80xi32, #tpu.memory_space<hbm>>) dst(%dma_wait3A_915 : memref<80xi32, #tpu.memory_space<vmem>>)
      %dma_wait3A_919 = arith.constant 0 : i32
      %dma_wait3A_920 = arith.constant 0 : i32
      %dma_wait3A_921 = tpu.memref_slice %arg7[%dma_wait3A_919, %dma_wait3A_920] : memref<10000x128xf32, #tpu.memory_space<vmem_shared>> -> memref<80x128xf32, #tpu.memory_space<vmem_shared>>
      %dma_wait3A_922 = arith.constant 0 : i32
      %dma_wait3A_923 = arith.constant 0 : i32
      %dma_wait3A_924 = tpu.memref_slice %arg7[%dma_wait3A_922, %dma_wait3A_923] : memref<10000x128xf32, #tpu.memory_space<vmem_shared>> -> memref<80x128xf32, #tpu.memory_space<vmem_shared>>
      tpu.wait_dma2 semaphore(%arg18 : memref<!tpu.dma_semaphore, #tpu.memory_space<semaphore_mem>>) src(%arg9 : memref<80x128xf32, #tpu.memory_space<vmem>>) dst(%dma_wait3A_924 : memref<80x128xf32, #tpu.memory_space<vmem_shared>>)
      %add3A_925 = arith.constant 1 : i32
      %add3A_926 = arith.addi %add3A_857, %add3A_925 : i32
      %dma_start3A_927 = arith.constant 0 : i32
      %dma_start3A_928 = arith.constant 0 : i32
      %dma_start3A_929 = tpu.memref_slice %arg12[%dma_start3A_927, %dma_start3A_928] : memref<2x80xi32, #tpu.memory_space<vmem>> -> memref<1x80xi32, #tpu.memory_space<vmem>>
      %dma_start3A_930 = tpu.memref_squeeze %dma_start3A_929 : memref<1x80xi32, #tpu.memory_space<vmem>> -> memref<80xi32, #tpu.memory_space<vmem>>
      %dma_start3A_931 = arith.constant 0 : i32
      %dma_start3A_932 = arith.constant 0 : i32
      %dma_start3A_933 = tpu.memref_slice %arg2[%dma_start3A_931, %dma_start3A_932] : memref<10000x128xf32, #tpu.memory_space<hbm>> -> memref<10000x128xf32, #tpu.memory_space<hbm>>
      tpu.enqueue_indirect_dma source(%dma_start3A_933 : memref<10000x128xf32, #tpu.memory_space<hbm>>) target(%arg9 : memref<80x128xf32, #tpu.memory_space<vmem>>) offsets(%dma_start3A_930 : memref<80xi32, #tpu.memory_space<vmem>>) semaphore(%arg18 : memref<!tpu.dma_semaphore, #tpu.memory_space<semaphore_mem>>)
      %add3A_934 = arith.constant 3 : i32
      %add3A_935 = arith.addi %add3A_857, %add3A_934 : i32
      %mul3A_936 = arith.constant 80 : i32
      %mul3A_937 = arith.muli %add3A_935, %mul3A_936 : i32
      %add3A_938 = arith.addi %mul3A_2, %mul3A_937 : i32
      %multiple_of3A_939 = tpu.assume_multiple %add3A_938, 8 : i32
      %dma_start3A_940 = arith.constant 0 : i32
      %dma_start3A_941 = arith.constant 0 : i32
      %dma_start3A_942 = arith.constant 0 : i32
      %dma_start3A_943 = tpu.memref_slice %arg14[%dma_start3A_941, %dma_start3A_942] : memref<2x80xi32, #tpu.memory_space<vmem>> -> memref<1x80xi32, #tpu.memory_space<vmem>>
      %dma_start3A_944 = tpu.memref_squeeze %dma_start3A_943 : memref<1x80xi32, #tpu.memory_space<vmem>> -> memref<80xi32, #tpu.memory_space<vmem>>
      %dma_start3A_945 = tpu.memref_slice %arg3[%dma_start3A_940, %multiple_of3A_939] : memref<2x320000xi32, #tpu.memory_space<hbm>> -> memref<1x80xi32, #tpu.memory_space<hbm>>
      %dma_start3A_946 = tpu.memref_squeeze %dma_start3A_945 : memref<1x80xi32, #tpu.memory_space<hbm>> -> memref<80xi32, #tpu.memory_space<hbm>>
      %dma_start3A_947 = arith.constant 0 : i32
      %dma_start3A_948 = tpu.memref_slice %arg14[%dma_start3A_941, %dma_start3A_947] : memref<2x80xi32, #tpu.memory_space<vmem>> -> memref<1x80xi32, #tpu.memory_space<vmem>>
      %dma_start3A_949 = tpu.memref_squeeze %dma_start3A_948 : memref<1x80xi32, #tpu.memory_space<vmem>> -> memref<80xi32, #tpu.memory_space<vmem>>
      %dma_start3A_950 = tpu.memref_slice %arg3[%dma_start3A_940, %multiple_of3A_939] : memref<2x320000xi32, #tpu.memory_space<hbm>> -> memref<1x80xi32, #tpu.memory_space<hbm>>
      %dma_start3A_951 = tpu.memref_squeeze %dma_start3A_950 : memref<1x80xi32, #tpu.memory_space<hbm>> -> memref<80xi32, #tpu.memory_space<hbm>>
      tpu.enqueue_dma source(%dma_start3A_951 : memref<80xi32, #tpu.memory_space<hbm>>) target(%dma_start3A_949 : memref<80xi32, #tpu.memory_space<vmem>>) target_semaphore(%arg23 : memref<!tpu.dma_semaphore, #tpu.memory_space<semaphore_mem>>)
      %dma_start3A_952 = arith.constant 1 : i32
      %dma_start3A_953 = arith.constant 1 : i32
      %dma_start3A_954 = arith.constant 0 : i32
      %dma_start3A_955 = tpu.memref_slice %arg14[%dma_start3A_953, %dma_start3A_954] : memref<2x80xi32, #tpu.memory_space<vmem>> -> memref<1x80xi32, #tpu.memory_space<vmem>>
      %dma_start3A_956 = tpu.memref_squeeze %dma_start3A_955 : memref<1x80xi32, #tpu.memory_space<vmem>> -> memref<80xi32, #tpu.memory_space<vmem>>
      %dma_start3A_957 = tpu.memref_slice %arg3[%dma_start3A_952, %multiple_of3A_939] : memref<2x320000xi32, #tpu.memory_space<hbm>> -> memref<1x80xi32, #tpu.memory_space<hbm>>
      %dma_start3A_958 = tpu.memref_squeeze %dma_start3A_957 : memref<1x80xi32, #tpu.memory_space<hbm>> -> memref<80xi32, #tpu.memory_space<hbm>>
      %dma_start3A_959 = arith.constant 0 : i32
      %dma_start3A_960 = tpu.memref_slice %arg14[%dma_start3A_953, %dma_start3A_959] : memref<2x80xi32, #tpu.memory_space<vmem>> -> memref<1x80xi32, #tpu.memory_space<vmem>>
      %dma_start3A_961 = tpu.memref_squeeze %dma_start3A_960 : memref<1x80xi32, #tpu.memory_space<vmem>> -> memref<80xi32, #tpu.memory_space<vmem>>
      %dma_start3A_962 = tpu.memref_slice %arg3[%dma_start3A_952, %multiple_of3A_939] : memref<2x320000xi32, #tpu.memory_space<hbm>> -> memref<1x80xi32, #tpu.memory_space<hbm>>
      %dma_start3A_963 = tpu.memref_squeeze %dma_start3A_962 : memref<1x80xi32, #tpu.memory_space<hbm>> -> memref<80xi32, #tpu.memory_space<hbm>>
      tpu.enqueue_dma source(%dma_start3A_963 : memref<80xi32, #tpu.memory_space<hbm>>) target(%dma_start3A_961 : memref<80xi32, #tpu.memory_space<vmem>>) target_semaphore(%arg23 : memref<!tpu.dma_semaphore, #tpu.memory_space<semaphore_mem>>)
      %add3A_964 = arith.constant 4 : i32
      %add3A_965 = arith.addi %add3A_531, %add3A_964 : i32
      %dma_wait3A_966 = arith.constant 0 : i32
      %dma_wait3A_967 = arith.constant 0 : i32
      %dma_wait3A_968 = tpu.memref_slice %arg2[%dma_wait3A_966, %dma_wait3A_967] : memref<10000x128xf32, #tpu.memory_space<hbm>> -> memref<80x128xf32, #tpu.memory_space<hbm>>
      %dma_wait3A_969 = arith.constant 0 : i32
      %dma_wait3A_970 = arith.constant 0 : i32
      %dma_wait3A_971 = tpu.memref_slice %arg2[%dma_wait3A_969, %dma_wait3A_970] : memref<10000x128xf32, #tpu.memory_space<hbm>> -> memref<80x128xf32, #tpu.memory_space<hbm>>
      tpu.wait_dma2 semaphore(%arg18 : memref<!tpu.dma_semaphore, #tpu.memory_space<semaphore_mem>>) src(%dma_wait3A_971 : memref<80x128xf32, #tpu.memory_space<hbm>>) dst(%arg9 : memref<80x128xf32, #tpu.memory_space<vmem>>)
      %dma_start3A_972 = arith.constant 1 : i32
      %dma_start3A_973 = arith.constant 0 : i32
      %dma_start3A_974 = tpu.memref_slice %arg12[%dma_start3A_972, %dma_start3A_973] : memref<2x80xi32, #tpu.memory_space<vmem>> -> memref<1x80xi32, #tpu.memory_space<vmem>>
      %dma_start3A_975 = tpu.memref_squeeze %dma_start3A_974 : memref<1x80xi32, #tpu.memory_space<vmem>> -> memref<80xi32, #tpu.memory_space<vmem>>
      %dma_start3A_976 = arith.constant 0 : i32
      %dma_start3A_977 = arith.constant 0 : i32
      %dma_start3A_978 = tpu.memref_slice %arg7[%dma_start3A_976, %dma_start3A_977] : memref<10000x128xf32, #tpu.memory_space<vmem_shared>> -> memref<10000x128xf32, #tpu.memory_space<vmem_shared>>
      tpu.enqueue_indirect_dma source(%arg9 : memref<80x128xf32, #tpu.memory_space<vmem>>) target(%dma_start3A_978 : memref<10000x128xf32, #tpu.memory_space<vmem_shared>>) offsets(%dma_start3A_975 : memref<80xi32, #tpu.memory_space<vmem>>) semaphore(%arg18 : memref<!tpu.dma_semaphore, #tpu.memory_space<semaphore_mem>>) {add = true}
      %get3A_979 = arith.constant 1 : i32
      %get3A_980 = arith.index_cast %get3A_979 : i32 to index
      %get3A_981 = arith.constant 0 : index
      %get3A_982 = tpu.vector_load %arg12[%get3A_980, %get3A_981] {strides = array<i32>} : memref<2x80xi32, #tpu.memory_space<vmem>>, vector<16xi32>,
      tpu.vector_store_idx %arg8[%get3A_982], %broadcast_in_dim3A_3 {add = true} : memref<10000xf32, #tpu.memory_space<vmem>>[vector<16xi32>], vector<16xf32>,
      %get3A_983 = arith.constant 1 : i32
      %get3A_984 = arith.index_cast %get3A_983 : i32 to index
      %get3A_985 = arith.constant 16 : index
      %get3A_986 = tpu.vector_load %arg12[%get3A_984, %get3A_985] {strides = array<i32>} : memref<2x80xi32, #tpu.memory_space<vmem>>, vector<16xi32>,
      tpu.vector_store_idx %arg8[%get3A_986], %broadcast_in_dim3A_3 {add = true} : memref<10000xf32, #tpu.memory_space<vmem>>[vector<16xi32>], vector<16xf32>,
      %get3A_987 = arith.constant 1 : i32
      %get3A_988 = arith.index_cast %get3A_987 : i32 to index
      %get3A_989 = arith.constant 32 : index
      %get3A_990 = tpu.vector_load %arg12[%get3A_988, %get3A_989] {strides = array<i32>} : memref<2x80xi32, #tpu.memory_space<vmem>>, vector<16xi32>,
      tpu.vector_store_idx %arg8[%get3A_990], %broadcast_in_dim3A_3 {add = true} : memref<10000xf32, #tpu.memory_space<vmem>>[vector<16xi32>], vector<16xf32>,
      %get3A_991 = arith.constant 1 : i32
      %get3A_992 = arith.index_cast %get3A_991 : i32 to index
      %get3A_993 = arith.constant 48 : index
      %get3A_994 = tpu.vector_load %arg12[%get3A_992, %get3A_993] {strides = array<i32>} : memref<2x80xi32, #tpu.memory_space<vmem>>, vector<16xi32>,
      tpu.vector_store_idx %arg8[%get3A_994], %broadcast_in_dim3A_3 {add = true} : memref<10000xf32, #tpu.memory_space<vmem>>[vector<16xi32>], vector<16xf32>,
      %get3A_995 = arith.constant 1 : i32
      %get3A_996 = arith.index_cast %get3A_995 : i32 to index
      %get3A_997 = arith.constant 64 : index
      %get3A_998 = tpu.vector_load %arg12[%get3A_996, %get3A_997] {strides = array<i32>} : memref<2x80xi32, #tpu.memory_space<vmem>>, vector<16xi32>,
      tpu.vector_store_idx %arg8[%get3A_998], %broadcast_in_dim3A_3 {add = true} : memref<10000xf32, #tpu.memory_space<vmem>>[vector<16xi32>], vector<16xf32>,
      %dma_wait3A_999 = arith.constant 0 : i32
      %dma_wait3A_1000 = arith.constant 0 : i32
      %dma_wait3A_1001 = arith.constant 0 : i32
      %dma_wait3A_1002 = tpu.memref_slice %arg13[%dma_wait3A_1000, %dma_wait3A_1001] : memref<2x80xi32, #tpu.memory_space<vmem>> -> memref<1x80xi32, #tpu.memory_space<vmem>>
      %dma_wait3A_1003 = tpu.memref_squeeze %dma_wait3A_1002 : memref<1x80xi32, #tpu.memory_space<vmem>> -> memref<80xi32, #tpu.memory_space<vmem>>
      %dma_wait3A_1004 = arith.constant 0 : i32
      %dma_wait3A_1005 = tpu.memref_slice %arg3[%dma_wait3A_999, %dma_wait3A_1004] : memref<2x320000xi32, #tpu.memory_space<hbm>> -> memref<1x80xi32, #tpu.memory_space<hbm>>
      %dma_wait3A_1006 = tpu.memref_squeeze %dma_wait3A_1005 : memref<1x80xi32, #tpu.memory_space<hbm>> -> memref<80xi32, #tpu.memory_space<hbm>>
      %dma_wait3A_1007 = arith.constant 0 : i32
      %dma_wait3A_1008 = tpu.memref_slice %arg13[%dma_wait3A_1000, %dma_wait3A_1007] : memref<2x80xi32, #tpu.memory_space<vmem>> -> memref<1x80xi32, #tpu.memory_space<vmem>>
      %dma_wait3A_1009 = tpu.memref_squeeze %dma_wait3A_1008 : memref<1x80xi32, #tpu.memory_space<vmem>> -> memref<80xi32, #tpu.memory_space<vmem>>
      %dma_wait3A_1010 = arith.constant 0 : i32
      %dma_wait3A_1011 = tpu.memref_slice %arg3[%dma_wait3A_999, %dma_wait3A_1010] : memref<2x320000xi32, #tpu.memory_space<hbm>> -> memref<1x80xi32, #tpu.memory_space<hbm>>
      %dma_wait3A_1012 = tpu.memref_squeeze %dma_wait3A_1011 : memref<1x80xi32, #tpu.memory_space<hbm>> -> memref<80xi32, #tpu.memory_space<hbm>>
      tpu.wait_dma2 semaphore(%arg22 : memref<!tpu.dma_semaphore, #tpu.memory_space<semaphore_mem>>) src(%dma_wait3A_1012 : memref<80xi32, #tpu.memory_space<hbm>>) dst(%dma_wait3A_1009 : memref<80xi32, #tpu.memory_space<vmem>>)
      %dma_wait3A_1013 = arith.constant 0 : i32
      %dma_wait3A_1014 = arith.constant 0 : i32
      %dma_wait3A_1015 = arith.constant 0 : i32
      %dma_wait3A_1016 = tpu.memref_slice %arg13[%dma_wait3A_1014, %dma_wait3A_1015] : memref<2x80xi32, #tpu.memory_space<vmem>> -> memref<1x80xi32, #tpu.memory_space<vmem>>
      %dma_wait3A_1017 = tpu.memref_squeeze %dma_wait3A_1016 : memref<1x80xi32, #tpu.memory_space<vmem>> -> memref<80xi32, #tpu.memory_space<vmem>>
      %dma_wait3A_1018 = arith.constant 0 : i32
      %dma_wait3A_1019 = tpu.memref_slice %arg3[%dma_wait3A_1013, %dma_wait3A_1018] : memref<2x320000xi32, #tpu.memory_space<hbm>> -> memref<1x80xi32, #tpu.memory_space<hbm>>
      %dma_wait3A_1020 = tpu.memref_squeeze %dma_wait3A_1019 : memref<1x80xi32, #tpu.memory_space<hbm>> -> memref<80xi32, #tpu.memory_space<hbm>>
      %dma_wait3A_1021 = arith.constant 0 : i32
      %dma_wait3A_1022 = tpu.memref_slice %arg13[%dma_wait3A_1014, %dma_wait3A_1021] : memref<2x80xi32, #tpu.memory_space<vmem>> -> memref<1x80xi32, #tpu.memory_space<vmem>>
      %dma_wait3A_1023 = tpu.memref_squeeze %dma_wait3A_1022 : memref<1x80xi32, #tpu.memory_space<vmem>> -> memref<80xi32, #tpu.memory_space<vmem>>
      %dma_wait3A_1024 = arith.constant 0 : i32
      %dma_wait3A_1025 = tpu.memref_slice %arg3[%dma_wait3A_1013, %dma_wait3A_1024] : memref<2x320000xi32, #tpu.memory_space<hbm>> -> memref<1x80xi32, #tpu.memory_space<hbm>>
      %dma_wait3A_1026 = tpu.memref_squeeze %dma_wait3A_1025 : memref<1x80xi32, #tpu.memory_space<hbm>> -> memref<80xi32, #tpu.memory_space<hbm>>
      tpu.wait_dma2 semaphore(%arg22 : memref<!tpu.dma_semaphore, #tpu.memory_space<semaphore_mem>>) src(%dma_wait3A_1026 : memref<80xi32, #tpu.memory_space<hbm>>) dst(%dma_wait3A_1023 : memref<80xi32, #tpu.memory_space<vmem>>)
      %dma_wait3A_1027 = arith.constant 0 : i32
      %dma_wait3A_1028 = arith.constant 0 : i32
      %dma_wait3A_1029 = tpu.memref_slice %arg7[%dma_wait3A_1027, %dma_wait3A_1028] : memref<10000x128xf32, #tpu.memory_space<vmem_shared>> -> memref<80x128xf32, #tpu.memory_space<vmem_shared>>
      %dma_wait3A_1030 = arith.constant 0 : i32
      %dma_wait3A_1031 = arith.constant 0 : i32
      %dma_wait3A_1032 = tpu.memref_slice %arg7[%dma_wait3A_1030, %dma_wait3A_1031] : memref<10000x128xf32, #tpu.memory_space<vmem_shared>> -> memref<80x128xf32, #tpu.memory_space<vmem_shared>>
      tpu.wait_dma2 semaphore(%arg19 : memref<!tpu.dma_semaphore, #tpu.memory_space<semaphore_mem>>) src(%arg10 : memref<80x128xf32, #tpu.memory_space<vmem>>) dst(%dma_wait3A_1032 : memref<80x128xf32, #tpu.memory_space<vmem_shared>>)
      %add3A_1033 = arith.constant 1 : i32
      %add3A_1034 = arith.addi %add3A_965, %add3A_1033 : i32
      %dma_start3A_1035 = arith.constant 0 : i32
      %dma_start3A_1036 = arith.constant 0 : i32
      %dma_start3A_1037 = tpu.memref_slice %arg13[%dma_start3A_1035, %dma_start3A_1036] : memref<2x80xi32, #tpu.memory_space<vmem>> -> memref<1x80xi32, #tpu.memory_space<vmem>>
      %dma_start3A_1038 = tpu.memref_squeeze %dma_start3A_1037 : memref<1x80xi32, #tpu.memory_space<vmem>> -> memref<80xi32, #tpu.memory_space<vmem>>
      %dma_start3A_1039 = arith.constant 0 : i32
      %dma_start3A_1040 = arith.constant 0 : i32
      %dma_start3A_1041 = tpu.memref_slice %arg2[%dma_start3A_1039, %dma_start3A_1040] : memref<10000x128xf32, #tpu.memory_space<hbm>> -> memref<10000x128xf32, #tpu.memory_space<hbm>>
      tpu.enqueue_indirect_dma source(%dma_start3A_1041 : memref<10000x128xf32, #tpu.memory_space<hbm>>) target(%arg10 : memref<80x128xf32, #tpu.memory_space<vmem>>) offsets(%dma_start3A_1038 : memref<80xi32, #tpu.memory_space<vmem>>) semaphore(%arg19 : memref<!tpu.dma_semaphore, #tpu.memory_space<semaphore_mem>>)
      %add3A_1042 = arith.constant 3 : i32
      %add3A_1043 = arith.addi %add3A_965, %add3A_1042 : i32
      %mul3A_1044 = arith.constant 80 : i32
      %mul3A_1045 = arith.muli %add3A_1043, %mul3A_1044 : i32
      %add3A_1046 = arith.addi %mul3A_2, %mul3A_1045 : i32
      %multiple_of3A_1047 = tpu.assume_multiple %add3A_1046, 8 : i32
      %dma_start3A_1048 = arith.constant 0 : i32
      %dma_start3A_1049 = arith.constant 0 : i32
      %dma_start3A_1050 = arith.constant 0 : i32
      %dma_start3A_1051 = tpu.memref_slice %arg15[%dma_start3A_1049, %dma_start3A_1050] : memref<2x80xi32, #tpu.memory_space<vmem>> -> memref<1x80xi32, #tpu.memory_space<vmem>>
      %dma_start3A_1052 = tpu.memref_squeeze %dma_start3A_1051 : memref<1x80xi32, #tpu.memory_space<vmem>> -> memref<80xi32, #tpu.memory_space<vmem>>
      %dma_start3A_1053 = tpu.memref_slice %arg3[%dma_start3A_1048, %multiple_of3A_1047] : memref<2x320000xi32, #tpu.memory_space<hbm>> -> memref<1x80xi32, #tpu.memory_space<hbm>>
      %dma_start3A_1054 = tpu.memref_squeeze %dma_start3A_1053 : memref<1x80xi32, #tpu.memory_space<hbm>> -> memref<80xi32, #tpu.memory_space<hbm>>
      %dma_start3A_1055 = arith.constant 0 : i32
      %dma_start3A_1056 = tpu.memref_slice %arg15[%dma_start3A_1049, %dma_start3A_1055] : memref<2x80xi32, #tpu.memory_space<vmem>> -> memref<1x80xi32, #tpu.memory_space<vmem>>
      %dma_start3A_1057 = tpu.memref_squeeze %dma_start3A_1056 : memref<1x80xi32, #tpu.memory_space<vmem>> -> memref<80xi32, #tpu.memory_space<vmem>>
      %dma_start3A_1058 = tpu.memref_slice %arg3[%dma_start3A_1048, %multiple_of3A_1047] : memref<2x320000xi32, #tpu.memory_space<hbm>> -> memref<1x80xi32, #tpu.memory_space<hbm>>
      %dma_start3A_1059 = tpu.memref_squeeze %dma_start3A_1058 : memref<1x80xi32, #tpu.memory_space<hbm>> -> memref<80xi32, #tpu.memory_space<hbm>>
      tpu.enqueue_dma source(%dma_start3A_1059 : memref<80xi32, #tpu.memory_space<hbm>>) target(%dma_start3A_1057 : memref<80xi32, #tpu.memory_space<vmem>>) target_semaphore(%arg24 : memref<!tpu.dma_semaphore, #tpu.memory_space<semaphore_mem>>)
      %dma_start3A_1060 = arith.constant 1 : i32
      %dma_start3A_1061 = arith.constant 1 : i32
      %dma_start3A_1062 = arith.constant 0 : i32
      %dma_start3A_1063 = tpu.memref_slice %arg15[%dma_start3A_1061, %dma_start3A_1062] : memref<2x80xi32, #tpu.memory_space<vmem>> -> memref<1x80xi32, #tpu.memory_space<vmem>>
      %dma_start3A_1064 = tpu.memref_squeeze %dma_start3A_1063 : memref<1x80xi32, #tpu.memory_space<vmem>> -> memref<80xi32, #tpu.memory_space<vmem>>
      %dma_start3A_1065 = tpu.memref_slice %arg3[%dma_start3A_1060, %multiple_of3A_1047] : memref<2x320000xi32, #tpu.memory_space<hbm>> -> memref<1x80xi32, #tpu.memory_space<hbm>>
      %dma_start3A_1066 = tpu.memref_squeeze %dma_start3A_1065 : memref<1x80xi32, #tpu.memory_space<hbm>> -> memref<80xi32, #tpu.memory_space<hbm>>
      %dma_start3A_1067 = arith.constant 0 : i32
      %dma_start3A_1068 = tpu.memref_slice %arg15[%dma_start3A_1061, %dma_start3A_1067] : memref<2x80xi32, #tpu.memory_space<vmem>> -> memref<1x80xi32, #tpu.memory_space<vmem>>
      %dma_start3A_1069 = tpu.memref_squeeze %dma_start3A_1068 : memref<1x80xi32, #tpu.memory_space<vmem>> -> memref<80xi32, #tpu.memory_space<vmem>>
      %dma_start3A_1070 = tpu.memref_slice %arg3[%dma_start3A_1060, %multiple_of3A_1047] : memref<2x320000xi32, #tpu.memory_space<hbm>> -> memref<1x80xi32, #tpu.memory_space<hbm>>
      %dma_start3A_1071 = tpu.memref_squeeze %dma_start3A_1070 : memref<1x80xi32, #tpu.memory_space<hbm>> -> memref<80xi32, #tpu.memory_space<hbm>>
      tpu.enqueue_dma source(%dma_start3A_1071 : memref<80xi32, #tpu.memory_space<hbm>>) target(%dma_start3A_1069 : memref<80xi32, #tpu.memory_space<vmem>>) target_semaphore(%arg24 : memref<!tpu.dma_semaphore, #tpu.memory_space<semaphore_mem>>)
      %add3A_1072 = arith.constant 5 : i32
      %add3A_1073 = arith.addi %add3A_531, %add3A_1072 : i32
      %dma_wait3A_1074 = arith.constant 0 : i32
      %dma_wait3A_1075 = arith.constant 0 : i32
      %dma_wait3A_1076 = tpu.memref_slice %arg2[%dma_wait3A_1074, %dma_wait3A_1075] : memref<10000x128xf32, #tpu.memory_space<hbm>> -> memref<80x128xf32, #tpu.memory_space<hbm>>
      %dma_wait3A_1077 = arith.constant 0 : i32
      %dma_wait3A_1078 = arith.constant 0 : i32
      %dma_wait3A_1079 = tpu.memref_slice %arg2[%dma_wait3A_1077, %dma_wait3A_1078] : memref<10000x128xf32, #tpu.memory_space<hbm>> -> memref<80x128xf32, #tpu.memory_space<hbm>>
      tpu.wait_dma2 semaphore(%arg19 : memref<!tpu.dma_semaphore, #tpu.memory_space<semaphore_mem>>) src(%dma_wait3A_1079 : memref<80x128xf32, #tpu.memory_space<hbm>>) dst(%arg10 : memref<80x128xf32, #tpu.memory_space<vmem>>)
      %dma_start3A_1080 = arith.constant 1 : i32
      %dma_start3A_1081 = arith.constant 0 : i32
      %dma_start3A_1082 = tpu.memref_slice %arg13[%dma_start3A_1080, %dma_start3A_1081] : memref<2x80xi32, #tpu.memory_space<vmem>> -> memref<1x80xi32, #tpu.memory_space<vmem>>
      %dma_start3A_1083 = tpu.memref_squeeze %dma_start3A_1082 : memref<1x80xi32, #tpu.memory_space<vmem>> -> memref<80xi32, #tpu.memory_space<vmem>>
      %dma_start3A_1084 = arith.constant 0 : i32
      %dma_start3A_1085 = arith.constant 0 : i32
      %dma_start3A_1086 = tpu.memref_slice %arg7[%dma_start3A_1084, %dma_start3A_1085] : memref<10000x128xf32, #tpu.memory_space<vmem_shared>> -> memref<10000x128xf32, #tpu.memory_space<vmem_shared>>
      tpu.enqueue_indirect_dma source(%arg10 : memref<80x128xf32, #tpu.memory_space<vmem>>) target(%dma_start3A_1086 : memref<10000x128xf32, #tpu.memory_space<vmem_shared>>) offsets(%dma_start3A_1083 : memref<80xi32, #tpu.memory_space<vmem>>) semaphore(%arg19 : memref<!tpu.dma_semaphore, #tpu.memory_space<semaphore_mem>>) {add = true}
      %get3A_1087 = arith.constant 1 : i32
      %get3A_1088 = arith.index_cast %get3A_1087 : i32 to index
      %get3A_1089 = arith.constant 0 : index
      %get3A_1090 = tpu.vector_load %arg13[%get3A_1088, %get3A_1089] {strides = array<i32>} : memref<2x80xi32, #tpu.memory_space<vmem>>, vector<16xi32>,
      tpu.vector_store_idx %arg8[%get3A_1090], %broadcast_in_dim3A_3 {add = true} : memref<10000xf32, #tpu.memory_space<vmem>>[vector<16xi32>], vector<16xf32>,
      %get3A_1091 = arith.constant 1 : i32
      %get3A_1092 = arith.index_cast %get3A_1091 : i32 to index
      %get3A_1093 = arith.constant 16 : index
      %get3A_1094 = tpu.vector_load %arg13[%get3A_1092, %get3A_1093] {strides = array<i32>} : memref<2x80xi32, #tpu.memory_space<vmem>>, vector<16xi32>,
      tpu.vector_store_idx %arg8[%get3A_1094], %broadcast_in_dim3A_3 {add = true} : memref<10000xf32, #tpu.memory_space<vmem>>[vector<16xi32>], vector<16xf32>,
      %get3A_1095 = arith.constant 1 : i32
      %get3A_1096 = arith.index_cast %get3A_1095 : i32 to index
      %get3A_1097 = arith.constant 32 : index
      %get3A_1098 = tpu.vector_load %arg13[%get3A_1096, %get3A_1097] {strides = array<i32>} : memref<2x80xi32, #tpu.memory_space<vmem>>, vector<16xi32>,
      tpu.vector_store_idx %arg8[%get3A_1098], %broadcast_in_dim3A_3 {add = true} : memref<10000xf32, #tpu.memory_space<vmem>>[vector<16xi32>], vector<16xf32>,
      %get3A_1099 = arith.constant 1 : i32
      %get3A_1100 = arith.index_cast %get3A_1099 : i32 to index
      %get3A_1101 = arith.constant 48 : index
      %get3A_1102 = tpu.vector_load %arg13[%get3A_1100, %get3A_1101] {strides = array<i32>} : memref<2x80xi32, #tpu.memory_space<vmem>>, vector<16xi32>,
      tpu.vector_store_idx %arg8[%get3A_1102], %broadcast_in_dim3A_3 {add = true} : memref<10000xf32, #tpu.memory_space<vmem>>[vector<16xi32>], vector<16xf32>,
      %get3A_1103 = arith.constant 1 : i32
      %get3A_1104 = arith.index_cast %get3A_1103 : i32 to index
      %get3A_1105 = arith.constant 64 : index
      %get3A_1106 = tpu.vector_load %arg13[%get3A_1104, %get3A_1105] {strides = array<i32>} : memref<2x80xi32, #tpu.memory_space<vmem>>, vector<16xi32>,
      tpu.vector_store_idx %arg8[%get3A_1106], %broadcast_in_dim3A_3 {add = true} : memref<10000xf32, #tpu.memory_space<vmem>>[vector<16xi32>], vector<16xf32>,
      %dma_wait3A_1107 = arith.constant 0 : i32
      %dma_wait3A_1108 = arith.constant 0 : i32
      %dma_wait3A_1109 = arith.constant 0 : i32
      %dma_wait3A_1110 = tpu.memref_slice %arg14[%dma_wait3A_1108, %dma_wait3A_1109] : memref<2x80xi32, #tpu.memory_space<vmem>> -> memref<1x80xi32, #tpu.memory_space<vmem>>
      %dma_wait3A_1111 = tpu.memref_squeeze %dma_wait3A_1110 : memref<1x80xi32, #tpu.memory_space<vmem>> -> memref<80xi32, #tpu.memory_space<vmem>>
      %dma_wait3A_1112 = arith.constant 0 : i32
      %dma_wait3A_1113 = tpu.memref_slice %arg3[%dma_wait3A_1107, %dma_wait3A_1112] : memref<2x320000xi32, #tpu.memory_space<hbm>> -> memref<1x80xi32, #tpu.memory_space<hbm>>
      %dma_wait3A_1114 = tpu.memref_squeeze %dma_wait3A_1113 : memref<1x80xi32, #tpu.memory_space<hbm>> -> memref<80xi32, #tpu.memory_space<hbm>>
      %dma_wait3A_1115 = arith.constant 0 : i32
      %dma_wait3A_1116 = tpu.memref_slice %arg14[%dma_wait3A_1108, %dma_wait3A_1115] : memref<2x80xi32, #tpu.memory_space<vmem>> -> memref<1x80xi32, #tpu.memory_space<vmem>>
      %dma_wait3A_1117 = tpu.memref_squeeze %dma_wait3A_1116 : memref<1x80xi32, #tpu.memory_space<vmem>> -> memref<80xi32, #tpu.memory_space<vmem>>
      %dma_wait3A_1118 = arith.constant 0 : i32
      %dma_wait3A_1119 = tpu.memref_slice %arg3[%dma_wait3A_1107, %dma_wait3A_1118] : memref<2x320000xi32, #tpu.memory_space<hbm>> -> memref<1x80xi32, #tpu.memory_space<hbm>>
      %dma_wait3A_1120 = tpu.memref_squeeze %dma_wait3A_1119 : memref<1x80xi32, #tpu.memory_space<hbm>> -> memref<80xi32, #tpu.memory_space<hbm>>
      tpu.wait_dma2 semaphore(%arg23 : memref<!tpu.dma_semaphore, #tpu.memory_space<semaphore_mem>>) src(%dma_wait3A_1120 : memref<80xi32, #tpu.memory_space<hbm>>) dst(%dma_wait3A_1117 : memref<80xi32, #tpu.memory_space<vmem>>)
      %dma_wait3A_1121 = arith.constant 0 : i32
      %dma_wait3A_1122 = arith.constant 0 : i32
      %dma_wait3A_1123 = arith.constant 0 : i32
      %dma_wait3A_1124 = tpu.memref_slice %arg14[%dma_wait3A_1122, %dma_wait3A_1123] : memref<2x80xi32, #tpu.memory_space<vmem>> -> memref<1x80xi32, #tpu.memory_space<vmem>>
      %dma_wait3A_1125 = tpu.memref_squeeze %dma_wait3A_1124 : memref<1x80xi32, #tpu.memory_space<vmem>> -> memref<80xi32, #tpu.memory_space<vmem>>
      %dma_wait3A_1126 = arith.constant 0 : i32
      %dma_wait3A_1127 = tpu.memref_slice %arg3[%dma_wait3A_1121, %dma_wait3A_1126] : memref<2x320000xi32, #tpu.memory_space<hbm>> -> memref<1x80xi32, #tpu.memory_space<hbm>>
      %dma_wait3A_1128 = tpu.memref_squeeze %dma_wait3A_1127 : memref<1x80xi32, #tpu.memory_space<hbm>> -> memref<80xi32, #tpu.memory_space<hbm>>
      %dma_wait3A_1129 = arith.constant 0 : i32
      %dma_wait3A_1130 = tpu.memref_slice %arg14[%dma_wait3A_1122, %dma_wait3A_1129] : memref<2x80xi32, #tpu.memory_space<vmem>> -> memref<1x80xi32, #tpu.memory_space<vmem>>
      %dma_wait3A_1131 = tpu.memref_squeeze %dma_wait3A_1130 : memref<1x80xi32, #tpu.memory_space<vmem>> -> memref<80xi32, #tpu.memory_space<vmem>>
      %dma_wait3A_1132 = arith.constant 0 : i32
      %dma_wait3A_1133 = tpu.memref_slice %arg3[%dma_wait3A_1121, %dma_wait3A_1132] : memref<2x320000xi32, #tpu.memory_space<hbm>> -> memref<1x80xi32, #tpu.memory_space<hbm>>
      %dma_wait3A_1134 = tpu.memref_squeeze %dma_wait3A_1133 : memref<1x80xi32, #tpu.memory_space<hbm>> -> memref<80xi32, #tpu.memory_space<hbm>>
      tpu.wait_dma2 semaphore(%arg23 : memref<!tpu.dma_semaphore, #tpu.memory_space<semaphore_mem>>) src(%dma_wait3A_1134 : memref<80xi32, #tpu.memory_space<hbm>>) dst(%dma_wait3A_1131 : memref<80xi32, #tpu.memory_space<vmem>>)
      %dma_wait3A_1135 = arith.constant 0 : i32
      %dma_wait3A_1136 = arith.constant 0 : i32
      %dma_wait3A_1137 = tpu.memref_slice %arg7[%dma_wait3A_1135, %dma_wait3A_1136] : memref<10000x128xf32, #tpu.memory_space<vmem_shared>> -> memref<80x128xf32, #tpu.memory_space<vmem_shared>>
      %dma_wait3A_1138 = arith.constant 0 : i32
      %dma_wait3A_1139 = arith.constant 0 : i32
      %dma_wait3A_1140 = tpu.memref_slice %arg7[%dma_wait3A_1138, %dma_wait3A_1139] : memref<10000x128xf32, #tpu.memory_space<vmem_shared>> -> memref<80x128xf32, #tpu.memory_space<vmem_shared>>
      tpu.wait_dma2 semaphore(%arg20 : memref<!tpu.dma_semaphore, #tpu.memory_space<semaphore_mem>>) src(%arg11 : memref<80x128xf32, #tpu.memory_space<vmem>>) dst(%dma_wait3A_1140 : memref<80x128xf32, #tpu.memory_space<vmem_shared>>)
      %add3A_1141 = arith.constant 1 : i32
      %add3A_1142 = arith.addi %add3A_1073, %add3A_1141 : i32
      %dma_start3A_1143 = arith.constant 0 : i32
      %dma_start3A_1144 = arith.constant 0 : i32
      %dma_start3A_1145 = tpu.memref_slice %arg14[%dma_start3A_1143, %dma_start3A_1144] : memref<2x80xi32, #tpu.memory_space<vmem>> -> memref<1x80xi32, #tpu.memory_space<vmem>>
      %dma_start3A_1146 = tpu.memref_squeeze %dma_start3A_1145 : memref<1x80xi32, #tpu.memory_space<vmem>> -> memref<80xi32, #tpu.memory_space<vmem>>
      %dma_start3A_1147 = arith.constant 0 : i32
      %dma_start3A_1148 = arith.constant 0 : i32
      %dma_start3A_1149 = tpu.memref_slice %arg2[%dma_start3A_1147, %dma_start3A_1148] : memref<10000x128xf32, #tpu.memory_space<hbm>> -> memref<10000x128xf32, #tpu.memory_space<hbm>>
      tpu.enqueue_indirect_dma source(%dma_start3A_1149 : memref<10000x128xf32, #tpu.memory_space<hbm>>) target(%arg11 : memref<80x128xf32, #tpu.memory_space<vmem>>) offsets(%dma_start3A_1146 : memref<80xi32, #tpu.memory_space<vmem>>) semaphore(%arg20 : memref<!tpu.dma_semaphore, #tpu.memory_space<semaphore_mem>>)
      %add3A_1150 = arith.constant 3 : i32
      %add3A_1151 = arith.addi %add3A_1073, %add3A_1150 : i32
      %mul3A_1152 = arith.constant 80 : i32
      %mul3A_1153 = arith.muli %add3A_1151, %mul3A_1152 : i32
      %add3A_1154 = arith.addi %mul3A_2, %mul3A_1153 : i32
      %multiple_of3A_1155 = tpu.assume_multiple %add3A_1154, 8 : i32
      %dma_start3A_1156 = arith.constant 0 : i32
      %dma_start3A_1157 = arith.constant 0 : i32
      %dma_start3A_1158 = arith.constant 0 : i32
      %dma_start3A_1159 = tpu.memref_slice %arg16[%dma_start3A_1157, %dma_start3A_1158] : memref<2x80xi32, #tpu.memory_space<vmem>> -> memref<1x80xi32, #tpu.memory_space<vmem>>
      %dma_start3A_1160 = tpu.memref_squeeze %dma_start3A_1159 : memref<1x80xi32, #tpu.memory_space<vmem>> -> memref<80xi32, #tpu.memory_space<vmem>>
      %dma_start3A_1161 = tpu.memref_slice %arg3[%dma_start3A_1156, %multiple_of3A_1155] : memref<2x320000xi32, #tpu.memory_space<hbm>> -> memref<1x80xi32, #tpu.memory_space<hbm>>
      %dma_start3A_1162 = tpu.memref_squeeze %dma_start3A_1161 : memref<1x80xi32, #tpu.memory_space<hbm>> -> memref<80xi32, #tpu.memory_space<hbm>>
      %dma_start3A_1163 = arith.constant 0 : i32
      %dma_start3A_1164 = tpu.memref_slice %arg16[%dma_start3A_1157, %dma_start3A_1163] : memref<2x80xi32, #tpu.memory_space<vmem>> -> memref<1x80xi32, #tpu.memory_space<vmem>>
      %dma_start3A_1165 = tpu.memref_squeeze %dma_start3A_1164 : memref<1x80xi32, #tpu.memory_space<vmem>> -> memref<80xi32, #tpu.memory_space<vmem>>
      %dma_start3A_1166 = tpu.memref_slice %arg3[%dma_start3A_1156, %multiple_of3A_1155] : memref<2x320000xi32, #tpu.memory_space<hbm>> -> memref<1x80xi32, #tpu.memory_space<hbm>>
      %dma_start3A_1167 = tpu.memref_squeeze %dma_start3A_1166 : memref<1x80xi32, #tpu.memory_space<hbm>> -> memref<80xi32, #tpu.memory_space<hbm>>
      tpu.enqueue_dma source(%dma_start3A_1167 : memref<80xi32, #tpu.memory_space<hbm>>) target(%dma_start3A_1165 : memref<80xi32, #tpu.memory_space<vmem>>) target_semaphore(%arg25 : memref<!tpu.dma_semaphore, #tpu.memory_space<semaphore_mem>>)
      %dma_start3A_1168 = arith.constant 1 : i32
      %dma_start3A_1169 = arith.constant 1 : i32
      %dma_start3A_1170 = arith.constant 0 : i32
      %dma_start3A_1171 = tpu.memref_slice %arg16[%dma_start3A_1169, %dma_start3A_1170] : memref<2x80xi32, #tpu.memory_space<vmem>> -> memref<1x80xi32, #tpu.memory_space<vmem>>
      %dma_start3A_1172 = tpu.memref_squeeze %dma_start3A_1171 : memref<1x80xi32, #tpu.memory_space<vmem>> -> memref<80xi32, #tpu.memory_space<vmem>>
      %dma_start3A_1173 = tpu.memref_slice %arg3[%dma_start3A_1168, %multiple_of3A_1155] : memref<2x320000xi32, #tpu.memory_space<hbm>> -> memref<1x80xi32, #tpu.memory_space<hbm>>
      %dma_start3A_1174 = tpu.memref_squeeze %dma_start3A_1173 : memref<1x80xi32, #tpu.memory_space<hbm>> -> memref<80xi32, #tpu.memory_space<hbm>>
      %dma_start3A_1175 = arith.constant 0 : i32
      %dma_start3A_1176 = tpu.memref_slice %arg16[%dma_start3A_1169, %dma_start3A_1175] : memref<2x80xi32, #tpu.memory_space<vmem>> -> memref<1x80xi32, #tpu.memory_space<vmem>>
      %dma_start3A_1177 = tpu.memref_squeeze %dma_start3A_1176 : memref<1x80xi32, #tpu.memory_space<vmem>> -> memref<80xi32, #tpu.memory_space<vmem>>
      %dma_start3A_1178 = tpu.memref_slice %arg3[%dma_start3A_1168, %multiple_of3A_1155] : memref<2x320000xi32, #tpu.memory_space<hbm>> -> memref<1x80xi32, #tpu.memory_space<hbm>>
      %dma_start3A_1179 = tpu.memref_squeeze %dma_start3A_1178 : memref<1x80xi32, #tpu.memory_space<hbm>> -> memref<80xi32, #tpu.memory_space<hbm>>
      tpu.enqueue_dma source(%dma_start3A_1179 : memref<80xi32, #tpu.memory_space<hbm>>) target(%dma_start3A_1177 : memref<80xi32, #tpu.memory_space<vmem>>) target_semaphore(%arg25 : memref<!tpu.dma_semaphore, #tpu.memory_space<semaphore_mem>>)
    }
    %scan3A_322 = arith.constant 20 : i32
    %dma_wait3A_323 = arith.constant 0 : i32
    %dma_wait3A_324 = arith.constant 0 : i32
    %dma_wait3A_325 = tpu.memref_slice %arg2[%dma_wait3A_323, %dma_wait3A_324] : memref<10000x128xf32, #tpu.memory_space<hbm>> -> memref<80x128xf32, #tpu.memory_space<hbm>>
    %dma_wait3A_326 = arith.constant 0 : i32
    %dma_wait3A_327 = arith.constant 0 : i32
    %dma_wait3A_328 = tpu.memref_slice %arg2[%dma_wait3A_326, %dma_wait3A_327] : memref<10000x128xf32, #tpu.memory_space<hbm>> -> memref<80x128xf32, #tpu.memory_space<hbm>>
    tpu.wait_dma2 semaphore(%arg20 : memref<!tpu.dma_semaphore, #tpu.memory_space<semaphore_mem>>) src(%dma_wait3A_328 : memref<80x128xf32, #tpu.memory_space<hbm>>) dst(%arg11 : memref<80x128xf32, #tpu.memory_space<vmem>>)
    %dma_start3A_329 = arith.constant 1 : i32
    %dma_start3A_330 = arith.constant 0 : i32
    %dma_start3A_331 = tpu.memref_slice %arg14[%dma_start3A_329, %dma_start3A_330] : memref<2x80xi32, #tpu.memory_space<vmem>> -> memref<1x80xi32, #tpu.memory_space<vmem>>
    %dma_start3A_332 = tpu.memref_squeeze %dma_start3A_331 : memref<1x80xi32, #tpu.memory_space<vmem>> -> memref<80xi32, #tpu.memory_space<vmem>>
    %dma_start3A_333 = arith.constant 0 : i32
    %dma_start3A_334 = arith.constant 0 : i32
    %dma_start3A_335 = tpu.memref_slice %arg7[%dma_start3A_333, %dma_start3A_334] : memref<10000x128xf32, #tpu.memory_space<vmem_shared>> -> memref<10000x128xf32, #tpu.memory_space<vmem_shared>>
    tpu.enqueue_indirect_dma source(%arg11 : memref<80x128xf32, #tpu.memory_space<vmem>>) target(%dma_start3A_335 : memref<10000x128xf32, #tpu.memory_space<vmem_shared>>) offsets(%dma_start3A_332 : memref<80xi32, #tpu.memory_space<vmem>>) semaphore(%arg20 : memref<!tpu.dma_semaphore, #tpu.memory_space<semaphore_mem>>) {add = true}
    %get3A_336 = arith.constant 1 : i32
    %get3A_337 = arith.index_cast %get3A_336 : i32 to index
    %get3A_338 = arith.constant 0 : index
    %get3A_339 = tpu.vector_load %arg14[%get3A_337, %get3A_338] {strides = array<i32>} : memref<2x80xi32, #tpu.memory_space<vmem>>, vector<16xi32>,
    tpu.vector_store_idx %arg8[%get3A_339], %broadcast_in_dim3A_3 {add = true} : memref<10000xf32, #tpu.memory_space<vmem>>[vector<16xi32>], vector<16xf32>,
    %get3A_340 = arith.constant 1 : i32
    %get3A_341 = arith.index_cast %get3A_340 : i32 to index
    %get3A_342 = arith.constant 16 : index
    %get3A_343 = tpu.vector_load %arg14[%get3A_341, %get3A_342] {strides = array<i32>} : memref<2x80xi32, #tpu.memory_space<vmem>>, vector<16xi32>,
    tpu.vector_store_idx %arg8[%get3A_343], %broadcast_in_dim3A_3 {add = true} : memref<10000xf32, #tpu.memory_space<vmem>>[vector<16xi32>], vector<16xf32>,
    %get3A_344 = arith.constant 1 : i32
    %get3A_345 = arith.index_cast %get3A_344 : i32 to index
    %get3A_346 = arith.constant 32 : index
    %get3A_347 = tpu.vector_load %arg14[%get3A_345, %get3A_346] {strides = array<i32>} : memref<2x80xi32, #tpu.memory_space<vmem>>, vector<16xi32>,
    tpu.vector_store_idx %arg8[%get3A_347], %broadcast_in_dim3A_3 {add = true} : memref<10000xf32, #tpu.memory_space<vmem>>[vector<16xi32>], vector<16xf32>,
    %get3A_348 = arith.constant 1 : i32
    %get3A_349 = arith.index_cast %get3A_348 : i32 to index
    %get3A_350 = arith.constant 48 : index
    %get3A_351 = tpu.vector_load %arg14[%get3A_349, %get3A_350] {strides = array<i32>} : memref<2x80xi32, #tpu.memory_space<vmem>>, vector<16xi32>,
    tpu.vector_store_idx %arg8[%get3A_351], %broadcast_in_dim3A_3 {add = true} : memref<10000xf32, #tpu.memory_space<vmem>>[vector<16xi32>], vector<16xf32>,
    %get3A_352 = arith.constant 1 : i32
    %get3A_353 = arith.index_cast %get3A_352 : i32 to index
    %get3A_354 = arith.constant 64 : index
    %get3A_355 = tpu.vector_load %arg14[%get3A_353, %get3A_354] {strides = array<i32>} : memref<2x80xi32, #tpu.memory_space<vmem>>, vector<16xi32>,
    tpu.vector_store_idx %arg8[%get3A_355], %broadcast_in_dim3A_3 {add = true} : memref<10000xf32, #tpu.memory_space<vmem>>[vector<16xi32>], vector<16xf32>,
    %dma_wait3A_356 = arith.constant 0 : i32
    %dma_wait3A_357 = arith.constant 0 : i32
    %dma_wait3A_358 = arith.constant 0 : i32
    %dma_wait3A_359 = tpu.memref_slice %arg15[%dma_wait3A_357, %dma_wait3A_358] : memref<2x80xi32, #tpu.memory_space<vmem>> -> memref<1x80xi32, #tpu.memory_space<vmem>>
    %dma_wait3A_360 = tpu.memref_squeeze %dma_wait3A_359 : memref<1x80xi32, #tpu.memory_space<vmem>> -> memref<80xi32, #tpu.memory_space<vmem>>
    %dma_wait3A_361 = arith.constant 0 : i32
    %dma_wait3A_362 = tpu.memref_slice %arg3[%dma_wait3A_356, %dma_wait3A_361] : memref<2x320000xi32, #tpu.memory_space<hbm>> -> memref<1x80xi32, #tpu.memory_space<hbm>>
    %dma_wait3A_363 = tpu.memref_squeeze %dma_wait3A_362 : memref<1x80xi32, #tpu.memory_space<hbm>> -> memref<80xi32, #tpu.memory_space<hbm>>
    %dma_wait3A_364 = arith.constant 0 : i32
    %dma_wait3A_365 = tpu.memref_slice %arg15[%dma_wait3A_357, %dma_wait3A_364] : memref<2x80xi32, #tpu.memory_space<vmem>> -> memref<1x80xi32, #tpu.memory_space<vmem>>
    %dma_wait3A_366 = tpu.memref_squeeze %dma_wait3A_365 : memref<1x80xi32, #tpu.memory_space<vmem>> -> memref<80xi32, #tpu.memory_space<vmem>>
    %dma_wait3A_367 = arith.constant 0 : i32
    %dma_wait3A_368 = tpu.memref_slice %arg3[%dma_wait3A_356, %dma_wait3A_367] : memref<2x320000xi32, #tpu.memory_space<hbm>> -> memref<1x80xi32, #tpu.memory_space<hbm>>
    %dma_wait3A_369 = tpu.memref_squeeze %dma_wait3A_368 : memref<1x80xi32, #tpu.memory_space<hbm>> -> memref<80xi32, #tpu.memory_space<hbm>>
    tpu.wait_dma2 semaphore(%arg24 : memref<!tpu.dma_semaphore, #tpu.memory_space<semaphore_mem>>) src(%dma_wait3A_369 : memref<80xi32, #tpu.memory_space<hbm>>) dst(%dma_wait3A_366 : memref<80xi32, #tpu.memory_space<vmem>>)
    %dma_wait3A_370 = arith.constant 0 : i32
    %dma_wait3A_371 = arith.constant 0 : i32
    %dma_wait3A_372 = arith.constant 0 : i32
    %dma_wait3A_373 = tpu.memref_slice %arg15[%dma_wait3A_371, %dma_wait3A_372] : memref<2x80xi32, #tpu.memory_space<vmem>> -> memref<1x80xi32, #tpu.memory_space<vmem>>
    %dma_wait3A_374 = tpu.memref_squeeze %dma_wait3A_373 : memref<1x80xi32, #tpu.memory_space<vmem>> -> memref<80xi32, #tpu.memory_space<vmem>>
    %dma_wait3A_375 = arith.constant 0 : i32
    %dma_wait3A_376 = tpu.memref_slice %arg3[%dma_wait3A_370, %dma_wait3A_375] : memref<2x320000xi32, #tpu.memory_space<hbm>> -> memref<1x80xi32, #tpu.memory_space<hbm>>
    %dma_wait3A_377 = tpu.memref_squeeze %dma_wait3A_376 : memref<1x80xi32, #tpu.memory_space<hbm>> -> memref<80xi32, #tpu.memory_space<hbm>>
    %dma_wait3A_378 = arith.constant 0 : i32
    %dma_wait3A_379 = tpu.memref_slice %arg15[%dma_wait3A_371, %dma_wait3A_378] : memref<2x80xi32, #tpu.memory_space<vmem>> -> memref<1x80xi32, #tpu.memory_space<vmem>>
    %dma_wait3A_380 = tpu.memref_squeeze %dma_wait3A_379 : memref<1x80xi32, #tpu.memory_space<vmem>> -> memref<80xi32, #tpu.memory_space<vmem>>
    %dma_wait3A_381 = arith.constant 0 : i32
    %dma_wait3A_382 = tpu.memref_slice %arg3[%dma_wait3A_370, %dma_wait3A_381] : memref<2x320000xi32, #tpu.memory_space<hbm>> -> memref<1x80xi32, #tpu.memory_space<hbm>>
    %dma_wait3A_383 = tpu.memref_squeeze %dma_wait3A_382 : memref<1x80xi32, #tpu.memory_space<hbm>> -> memref<80xi32, #tpu.memory_space<hbm>>
    tpu.wait_dma2 semaphore(%arg24 : memref<!tpu.dma_semaphore, #tpu.memory_space<semaphore_mem>>) src(%dma_wait3A_383 : memref<80xi32, #tpu.memory_space<hbm>>) dst(%dma_wait3A_380 : memref<80xi32, #tpu.memory_space<vmem>>)
    %dma_wait3A_384 = arith.constant 0 : i32
    %dma_wait3A_385 = arith.constant 0 : i32
    %dma_wait3A_386 = tpu.memref_slice %arg7[%dma_wait3A_384, %dma_wait3A_385] : memref<10000x128xf32, #tpu.memory_space<vmem_shared>> -> memref<80x128xf32, #tpu.memory_space<vmem_shared>>
    %dma_wait3A_387 = arith.constant 0 : i32
    %dma_wait3A_388 = arith.constant 0 : i32
    %dma_wait3A_389 = tpu.memref_slice %arg7[%dma_wait3A_387, %dma_wait3A_388] : memref<10000x128xf32, #tpu.memory_space<vmem_shared>> -> memref<80x128xf32, #tpu.memory_space<vmem_shared>>
    tpu.wait_dma2 semaphore(%arg18 : memref<!tpu.dma_semaphore, #tpu.memory_space<semaphore_mem>>) src(%arg9 : memref<80x128xf32, #tpu.memory_space<vmem>>) dst(%dma_wait3A_389 : memref<80x128xf32, #tpu.memory_space<vmem_shared>>)
    %dma_start3A_390 = arith.constant 0 : i32
    %dma_start3A_391 = arith.constant 0 : i32
    %dma_start3A_392 = tpu.memref_slice %arg15[%dma_start3A_390, %dma_start3A_391] : memref<2x80xi32, #tpu.memory_space<vmem>> -> memref<1x80xi32, #tpu.memory_space<vmem>>
    %dma_start3A_393 = tpu.memref_squeeze %dma_start3A_392 : memref<1x80xi32, #tpu.memory_space<vmem>> -> memref<80xi32, #tpu.memory_space<vmem>>
    %dma_start3A_394 = arith.constant 0 : i32
    %dma_start3A_395 = arith.constant 0 : i32
    %dma_start3A_396 = tpu.memref_slice %arg2[%dma_start3A_394, %dma_start3A_395] : memref<10000x128xf32, #tpu.memory_space<hbm>> -> memref<10000x128xf32, #tpu.memory_space<hbm>>
    tpu.enqueue_indirect_dma source(%dma_start3A_396 : memref<10000x128xf32, #tpu.memory_space<hbm>>) target(%arg9 : memref<80x128xf32, #tpu.memory_space<vmem>>) offsets(%dma_start3A_393 : memref<80xi32, #tpu.memory_space<vmem>>) semaphore(%arg18 : memref<!tpu.dma_semaphore, #tpu.memory_space<semaphore_mem>>)
    %dma_wait3A_397 = arith.constant 0 : i32
    %dma_wait3A_398 = arith.constant 0 : i32
    %dma_wait3A_399 = tpu.memref_slice %arg2[%dma_wait3A_397, %dma_wait3A_398] : memref<10000x128xf32, #tpu.memory_space<hbm>> -> memref<80x128xf32, #tpu.memory_space<hbm>>
    %dma_wait3A_400 = arith.constant 0 : i32
    %dma_wait3A_401 = arith.constant 0 : i32
    %dma_wait3A_402 = tpu.memref_slice %arg2[%dma_wait3A_400, %dma_wait3A_401] : memref<10000x128xf32, #tpu.memory_space<hbm>> -> memref<80x128xf32, #tpu.memory_space<hbm>>
    tpu.wait_dma2 semaphore(%arg18 : memref<!tpu.dma_semaphore, #tpu.memory_space<semaphore_mem>>) src(%dma_wait3A_402 : memref<80x128xf32, #tpu.memory_space<hbm>>) dst(%arg9 : memref<80x128xf32, #tpu.memory_space<vmem>>)
    %dma_start3A_403 = arith.constant 1 : i32
    %dma_start3A_404 = arith.constant 0 : i32
    %dma_start3A_405 = tpu.memref_slice %arg15[%dma_start3A_403, %dma_start3A_404] : memref<2x80xi32, #tpu.memory_space<vmem>> -> memref<1x80xi32, #tpu.memory_space<vmem>>
    %dma_start3A_406 = tpu.memref_squeeze %dma_start3A_405 : memref<1x80xi32, #tpu.memory_space<vmem>> -> memref<80xi32, #tpu.memory_space<vmem>>
    %dma_start3A_407 = arith.constant 0 : i32
    %dma_start3A_408 = arith.constant 0 : i32
    %dma_start3A_409 = tpu.memref_slice %arg7[%dma_start3A_407, %dma_start3A_408] : memref<10000x128xf32, #tpu.memory_space<vmem_shared>> -> memref<10000x128xf32, #tpu.memory_space<vmem_shared>>
    tpu.enqueue_indirect_dma source(%arg9 : memref<80x128xf32, #tpu.memory_space<vmem>>) target(%dma_start3A_409 : memref<10000x128xf32, #tpu.memory_space<vmem_shared>>) offsets(%dma_start3A_406 : memref<80xi32, #tpu.memory_space<vmem>>) semaphore(%arg18 : memref<!tpu.dma_semaphore, #tpu.memory_space<semaphore_mem>>) {add = true}
    %get3A_410 = arith.constant 1 : i32
    %get3A_411 = arith.index_cast %get3A_410 : i32 to index
    %get3A_412 = arith.constant 0 : index
    %get3A_413 = tpu.vector_load %arg15[%get3A_411, %get3A_412] {strides = array<i32>} : memref<2x80xi32, #tpu.memory_space<vmem>>, vector<16xi32>,
    tpu.vector_store_idx %arg8[%get3A_413], %broadcast_in_dim3A_3 {add = true} : memref<10000xf32, #tpu.memory_space<vmem>>[vector<16xi32>], vector<16xf32>,
    %get3A_414 = arith.constant 1 : i32
    %get3A_415 = arith.index_cast %get3A_414 : i32 to index
    %get3A_416 = arith.constant 16 : index
    %get3A_417 = tpu.vector_load %arg15[%get3A_415, %get3A_416] {strides = array<i32>} : memref<2x80xi32, #tpu.memory_space<vmem>>, vector<16xi32>,
    tpu.vector_store_idx %arg8[%get3A_417], %broadcast_in_dim3A_3 {add = true} : memref<10000xf32, #tpu.memory_space<vmem>>[vector<16xi32>], vector<16xf32>,
    %get3A_418 = arith.constant 1 : i32
    %get3A_419 = arith.index_cast %get3A_418 : i32 to index
    %get3A_420 = arith.constant 32 : index
    %get3A_421 = tpu.vector_load %arg15[%get3A_419, %get3A_420] {strides = array<i32>} : memref<2x80xi32, #tpu.memory_space<vmem>>, vector<16xi32>,
    tpu.vector_store_idx %arg8[%get3A_421], %broadcast_in_dim3A_3 {add = true} : memref<10000xf32, #tpu.memory_space<vmem>>[vector<16xi32>], vector<16xf32>,
    %get3A_422 = arith.constant 1 : i32
    %get3A_423 = arith.index_cast %get3A_422 : i32 to index
    %get3A_424 = arith.constant 48 : index
    %get3A_425 = tpu.vector_load %arg15[%get3A_423, %get3A_424] {strides = array<i32>} : memref<2x80xi32, #tpu.memory_space<vmem>>, vector<16xi32>,
    tpu.vector_store_idx %arg8[%get3A_425], %broadcast_in_dim3A_3 {add = true} : memref<10000xf32, #tpu.memory_space<vmem>>[vector<16xi32>], vector<16xf32>,
    %get3A_426 = arith.constant 1 : i32
    %get3A_427 = arith.index_cast %get3A_426 : i32 to index
    %get3A_428 = arith.constant 64 : index
    %get3A_429 = tpu.vector_load %arg15[%get3A_427, %get3A_428] {strides = array<i32>} : memref<2x80xi32, #tpu.memory_space<vmem>>, vector<16xi32>,
    tpu.vector_store_idx %arg8[%get3A_429], %broadcast_in_dim3A_3 {add = true} : memref<10000xf32, #tpu.memory_space<vmem>>[vector<16xi32>], vector<16xf32>,
    %dma_wait3A_430 = arith.constant 0 : i32
    %dma_wait3A_431 = arith.constant 0 : i32
    %dma_wait3A_432 = arith.constant 0 : i32
    %dma_wait3A_433 = tpu.memref_slice %arg16[%dma_wait3A_431, %dma_wait3A_432] : memref<2x80xi32, #tpu.memory_space<vmem>> -> memref<1x80xi32, #tpu.memory_space<vmem>>
    %dma_wait3A_434 = tpu.memref_squeeze %dma_wait3A_433 : memref<1x80xi32, #tpu.memory_space<vmem>> -> memref<80xi32, #tpu.memory_space<vmem>>
    %dma_wait3A_435 = arith.constant 0 : i32
    %dma_wait3A_436 = tpu.memref_slice %arg3[%dma_wait3A_430, %dma_wait3A_435] : memref<2x320000xi32, #tpu.memory_space<hbm>> -> memref<1x80xi32, #tpu.memory_space<hbm>>
    %dma_wait3A_437 = tpu.memref_squeeze %dma_wait3A_436 : memref<1x80xi32, #tpu.memory_space<hbm>> -> memref<80xi32, #tpu.memory_space<hbm>>
    %dma_wait3A_438 = arith.constant 0 : i32
    %dma_wait3A_439 = tpu.memref_slice %arg16[%dma_wait3A_431, %dma_wait3A_438] : memref<2x80xi32, #tpu.memory_space<vmem>> -> memref<1x80xi32, #tpu.memory_space<vmem>>
    %dma_wait3A_440 = tpu.memref_squeeze %dma_wait3A_439 : memref<1x80xi32, #tpu.memory_space<vmem>> -> memref<80xi32, #tpu.memory_space<vmem>>
    %dma_wait3A_441 = arith.constant 0 : i32
    %dma_wait3A_442 = tpu.memref_slice %arg3[%dma_wait3A_430, %dma_wait3A_441] : memref<2x320000xi32, #tpu.memory_space<hbm>> -> memref<1x80xi32, #tpu.memory_space<hbm>>
    %dma_wait3A_443 = tpu.memref_squeeze %dma_wait3A_442 : memref<1x80xi32, #tpu.memory_space<hbm>> -> memref<80xi32, #tpu.memory_space<hbm>>
    tpu.wait_dma2 semaphore(%arg25 : memref<!tpu.dma_semaphore, #tpu.memory_space<semaphore_mem>>) src(%dma_wait3A_443 : memref<80xi32, #tpu.memory_space<hbm>>) dst(%dma_wait3A_440 : memref<80xi32, #tpu.memory_space<vmem>>)
    %dma_wait3A_444 = arith.constant 0 : i32
    %dma_wait3A_445 = arith.constant 0 : i32
    %dma_wait3A_446 = arith.constant 0 : i32
    %dma_wait3A_447 = tpu.memref_slice %arg16[%dma_wait3A_445, %dma_wait3A_446] : memref<2x80xi32, #tpu.memory_space<vmem>> -> memref<1x80xi32, #tpu.memory_space<vmem>>
    %dma_wait3A_448 = tpu.memref_squeeze %dma_wait3A_447 : memref<1x80xi32, #tpu.memory_space<vmem>> -> memref<80xi32, #tpu.memory_space<vmem>>
    %dma_wait3A_449 = arith.constant 0 : i32
    %dma_wait3A_450 = tpu.memref_slice %arg3[%dma_wait3A_444, %dma_wait3A_449] : memref<2x320000xi32, #tpu.memory_space<hbm>> -> memref<1x80xi32, #tpu.memory_space<hbm>>
    %dma_wait3A_451 = tpu.memref_squeeze %dma_wait3A_450 : memref<1x80xi32, #tpu.memory_space<hbm>> -> memref<80xi32, #tpu.memory_space<hbm>>
    %dma_wait3A_452 = arith.constant 0 : i32
    %dma_wait3A_453 = tpu.memref_slice %arg16[%dma_wait3A_445, %dma_wait3A_452] : memref<2x80xi32, #tpu.memory_space<vmem>> -> memref<1x80xi32, #tpu.memory_space<vmem>>
    %dma_wait3A_454 = tpu.memref_squeeze %dma_wait3A_453 : memref<1x80xi32, #tpu.memory_space<vmem>> -> memref<80xi32, #tpu.memory_space<vmem>>
    %dma_wait3A_455 = arith.constant 0 : i32
    %dma_wait3A_456 = tpu.memref_slice %arg3[%dma_wait3A_444, %dma_wait3A_455] : memref<2x320000xi32, #tpu.memory_space<hbm>> -> memref<1x80xi32, #tpu.memory_space<hbm>>
    %dma_wait3A_457 = tpu.memref_squeeze %dma_wait3A_456 : memref<1x80xi32, #tpu.memory_space<hbm>> -> memref<80xi32, #tpu.memory_space<hbm>>
    tpu.wait_dma2 semaphore(%arg25 : memref<!tpu.dma_semaphore, #tpu.memory_space<semaphore_mem>>) src(%dma_wait3A_457 : memref<80xi32, #tpu.memory_space<hbm>>) dst(%dma_wait3A_454 : memref<80xi32, #tpu.memory_space<vmem>>)
    %dma_wait3A_458 = arith.constant 0 : i32
    %dma_wait3A_459 = arith.constant 0 : i32
    %dma_wait3A_460 = tpu.memref_slice %arg7[%dma_wait3A_458, %dma_wait3A_459] : memref<10000x128xf32, #tpu.memory_space<vmem_shared>> -> memref<80x128xf32, #tpu.memory_space<vmem_shared>>
    %dma_wait3A_461 = arith.constant 0 : i32
    %dma_wait3A_462 = arith.constant 0 : i32
    %dma_wait3A_463 = tpu.memref_slice %arg7[%dma_wait3A_461, %dma_wait3A_462] : memref<10000x128xf32, #tpu.memory_space<vmem_shared>> -> memref<80x128xf32, #tpu.memory_space<vmem_shared>>
    tpu.wait_dma2 semaphore(%arg19 : memref<!tpu.dma_semaphore, #tpu.memory_space<semaphore_mem>>) src(%arg10 : memref<80x128xf32, #tpu.memory_space<vmem>>) dst(%dma_wait3A_463 : memref<80x128xf32, #tpu.memory_space<vmem_shared>>)
    %dma_start3A_464 = arith.constant 0 : i32
    %dma_start3A_465 = arith.constant 0 : i32
    %dma_start3A_466 = tpu.memref_slice %arg16[%dma_start3A_464, %dma_start3A_465] : memref<2x80xi32, #tpu.memory_space<vmem>> -> memref<1x80xi32, #tpu.memory_space<vmem>>
    %dma_start3A_467 = tpu.memref_squeeze %dma_start3A_466 : memref<1x80xi32, #tpu.memory_space<vmem>> -> memref<80xi32, #tpu.memory_space<vmem>>
    %dma_start3A_468 = arith.constant 0 : i32
    %dma_start3A_469 = arith.constant 0 : i32
    %dma_start3A_470 = tpu.memref_slice %arg2[%dma_start3A_468, %dma_start3A_469] : memref<10000x128xf32, #tpu.memory_space<hbm>> -> memref<10000x128xf32, #tpu.memory_space<hbm>>
    tpu.enqueue_indirect_dma source(%dma_start3A_470 : memref<10000x128xf32, #tpu.memory_space<hbm>>) target(%arg10 : memref<80x128xf32, #tpu.memory_space<vmem>>) offsets(%dma_start3A_467 : memref<80xi32, #tpu.memory_space<vmem>>) semaphore(%arg19 : memref<!tpu.dma_semaphore, #tpu.memory_space<semaphore_mem>>)
    %dma_wait3A_471 = arith.constant 0 : i32
    %dma_wait3A_472 = arith.constant 0 : i32
    %dma_wait3A_473 = tpu.memref_slice %arg2[%dma_wait3A_471, %dma_wait3A_472] : memref<10000x128xf32, #tpu.memory_space<hbm>> -> memref<80x128xf32, #tpu.memory_space<hbm>>
    %dma_wait3A_474 = arith.constant 0 : i32
    %dma_wait3A_475 = arith.constant 0 : i32
    %dma_wait3A_476 = tpu.memref_slice %arg2[%dma_wait3A_474, %dma_wait3A_475] : memref<10000x128xf32, #tpu.memory_space<hbm>> -> memref<80x128xf32, #tpu.memory_space<hbm>>
    tpu.wait_dma2 semaphore(%arg19 : memref<!tpu.dma_semaphore, #tpu.memory_space<semaphore_mem>>) src(%dma_wait3A_476 : memref<80x128xf32, #tpu.memory_space<hbm>>) dst(%arg10 : memref<80x128xf32, #tpu.memory_space<vmem>>)
    %dma_start3A_477 = arith.constant 1 : i32
    %dma_start3A_478 = arith.constant 0 : i32
    %dma_start3A_479 = tpu.memref_slice %arg16[%dma_start3A_477, %dma_start3A_478] : memref<2x80xi32, #tpu.memory_space<vmem>> -> memref<1x80xi32, #tpu.memory_space<vmem>>
    %dma_start3A_480 = tpu.memref_squeeze %dma_start3A_479 : memref<1x80xi32, #tpu.memory_space<vmem>> -> memref<80xi32, #tpu.memory_space<vmem>>
    %dma_start3A_481 = arith.constant 0 : i32
    %dma_start3A_482 = arith.constant 0 : i32
    %dma_start3A_483 = tpu.memref_slice %arg7[%dma_start3A_481, %dma_start3A_482] : memref<10000x128xf32, #tpu.memory_space<vmem_shared>> -> memref<10000x128xf32, #tpu.memory_space<vmem_shared>>
    tpu.enqueue_indirect_dma source(%arg10 : memref<80x128xf32, #tpu.memory_space<vmem>>) target(%dma_start3A_483 : memref<10000x128xf32, #tpu.memory_space<vmem_shared>>) offsets(%dma_start3A_480 : memref<80xi32, #tpu.memory_space<vmem>>) semaphore(%arg19 : memref<!tpu.dma_semaphore, #tpu.memory_space<semaphore_mem>>) {add = true}
    %get3A_484 = arith.constant 1 : i32
    %get3A_485 = arith.index_cast %get3A_484 : i32 to index
    %get3A_486 = arith.constant 0 : index
    %get3A_487 = tpu.vector_load %arg16[%get3A_485, %get3A_486] {strides = array<i32>} : memref<2x80xi32, #tpu.memory_space<vmem>>, vector<16xi32>,
    tpu.vector_store_idx %arg8[%get3A_487], %broadcast_in_dim3A_3 {add = true} : memref<10000xf32, #tpu.memory_space<vmem>>[vector<16xi32>], vector<16xf32>,
    %get3A_488 = arith.constant 1 : i32
    %get3A_489 = arith.index_cast %get3A_488 : i32 to index
    %get3A_490 = arith.constant 16 : index
    %get3A_491 = tpu.vector_load %arg16[%get3A_489, %get3A_490] {strides = array<i32>} : memref<2x80xi32, #tpu.memory_space<vmem>>, vector<16xi32>,
    tpu.vector_store_idx %arg8[%get3A_491], %broadcast_in_dim3A_3 {add = true} : memref<10000xf32, #tpu.memory_space<vmem>>[vector<16xi32>], vector<16xf32>,
    %get3A_492 = arith.constant 1 : i32
    %get3A_493 = arith.index_cast %get3A_492 : i32 to index
    %get3A_494 = arith.constant 32 : index
    %get3A_495 = tpu.vector_load %arg16[%get3A_493, %get3A_494] {strides = array<i32>} : memref<2x80xi32, #tpu.memory_space<vmem>>, vector<16xi32>,
    tpu.vector_store_idx %arg8[%get3A_495], %broadcast_in_dim3A_3 {add = true} : memref<10000xf32, #tpu.memory_space<vmem>>[vector<16xi32>], vector<16xf32>,
    %get3A_496 = arith.constant 1 : i32
    %get3A_497 = arith.index_cast %get3A_496 : i32 to index
    %get3A_498 = arith.constant 48 : index
    %get3A_499 = tpu.vector_load %arg16[%get3A_497, %get3A_498] {strides = array<i32>} : memref<2x80xi32, #tpu.memory_space<vmem>>, vector<16xi32>,
    tpu.vector_store_idx %arg8[%get3A_499], %broadcast_in_dim3A_3 {add = true} : memref<10000xf32, #tpu.memory_space<vmem>>[vector<16xi32>], vector<16xf32>,
    %get3A_500 = arith.constant 1 : i32
    %get3A_501 = arith.index_cast %get3A_500 : i32 to index
    %get3A_502 = arith.constant 64 : index
    %get3A_503 = tpu.vector_load %arg16[%get3A_501, %get3A_502] {strides = array<i32>} : memref<2x80xi32, #tpu.memory_space<vmem>>, vector<16xi32>,
    tpu.vector_store_idx %arg8[%get3A_503], %broadcast_in_dim3A_3 {add = true} : memref<10000xf32, #tpu.memory_space<vmem>>[vector<16xi32>], vector<16xf32>,
    %dma_wait3A_504 = arith.constant 0 : i32
    %dma_wait3A_505 = arith.constant 0 : i32
    %dma_wait3A_506 = tpu.memref_slice %arg7[%dma_wait3A_504, %dma_wait3A_505] : memref<10000x128xf32, #tpu.memory_space<vmem_shared>> -> memref<80x128xf32, #tpu.memory_space<vmem_shared>>
    %dma_wait3A_507 = arith.constant 0 : i32
    %dma_wait3A_508 = arith.constant 0 : i32
    %dma_wait3A_509 = tpu.memref_slice %arg7[%dma_wait3A_507, %dma_wait3A_508] : memref<10000x128xf32, #tpu.memory_space<vmem_shared>> -> memref<80x128xf32, #tpu.memory_space<vmem_shared>>
    tpu.wait_dma2 semaphore(%arg20 : memref<!tpu.dma_semaphore, #tpu.memory_space<semaphore_mem>>) src(%arg11 : memref<80x128xf32, #tpu.memory_space<vmem>>) dst(%dma_wait3A_509 : memref<80x128xf32, #tpu.memory_space<vmem_shared>>)
    %dma_wait3A_510 = arith.constant 0 : i32
    %dma_wait3A_511 = arith.constant 0 : i32
    %dma_wait3A_512 = tpu.memref_slice %arg7[%dma_wait3A_510, %dma_wait3A_511] : memref<10000x128xf32, #tpu.memory_space<vmem_shared>> -> memref<80x128xf32, #tpu.memory_space<vmem_shared>>
    %dma_wait3A_513 = arith.constant 0 : i32
    %dma_wait3A_514 = arith.constant 0 : i32
    %dma_wait3A_515 = tpu.memref_slice %arg7[%dma_wait3A_513, %dma_wait3A_514] : memref<10000x128xf32, #tpu.memory_space<vmem_shared>> -> memref<80x128xf32, #tpu.memory_space<vmem_shared>>
    tpu.wait_dma2 semaphore(%arg18 : memref<!tpu.dma_semaphore, #tpu.memory_space<semaphore_mem>>) src(%arg9 : memref<80x128xf32, #tpu.memory_space<vmem>>) dst(%dma_wait3A_515 : memref<80x128xf32, #tpu.memory_space<vmem_shared>>)
    %dma_wait3A_516 = arith.constant 0 : i32
    %dma_wait3A_517 = arith.constant 0 : i32
    %dma_wait3A_518 = tpu.memref_slice %arg7[%dma_wait3A_516, %dma_wait3A_517] : memref<10000x128xf32, #tpu.memory_space<vmem_shared>> -> memref<80x128xf32, #tpu.memory_space<vmem_shared>>
    %dma_wait3A_519 = arith.constant 0 : i32
    %dma_wait3A_520 = arith.constant 0 : i32
    %dma_wait3A_521 = tpu.memref_slice %arg7[%dma_wait3A_519, %dma_wait3A_520] : memref<10000x128xf32, #tpu.memory_space<vmem_shared>> -> memref<80x128xf32, #tpu.memory_space<vmem_shared>>
    tpu.wait_dma2 semaphore(%arg19 : memref<!tpu.dma_semaphore, #tpu.memory_space<semaphore_mem>>) src(%arg10 : memref<80x128xf32, #tpu.memory_space<vmem>>) dst(%dma_wait3A_521 : memref<80x128xf32, #tpu.memory_space<vmem_shared>>)
    %barrier3A_522 = arith.constant 0 : index
    tpu.barrier barrier_id(%barrier3A_522)
    %mul3A_523 = arith.constant 625 : i32
    %mul3A_524 = arith.muli %arg1, %mul3A_523 : i32
    %mul3A_525 = arith.constant 625 : i32
    %mul3A_526 = arith.muli %arg1, %mul3A_525 : i32
    "tpu.region"() ({
      %run_scoped3A = tpu.sem_alloc : memref<!tpu.dma_semaphore, #tpu.memory_space<semaphore_mem>>
      %dma_start3A_527 = arith.constant 0 : i32
      %dma_start3A_528 = tpu.memref_slice %arg5[%arg0, %mul3A_526, %dma_start3A_527] : memref<2x10000x128xf32, #tpu.memory_space<hbm>> -> memref<1x625x128xf32, #tpu.memory_space<hbm>>
      %dma_start3A_529 = tpu.memref_squeeze %dma_start3A_528 : memref<1x625x128xf32, #tpu.memory_space<hbm>> -> memref<625x128xf32, #tpu.memory_space<hbm>>
      %dma_start3A_530 = arith.constant 0 : i32
      %dma_start3A_531 = tpu.memref_slice %arg7[%mul3A_524, %dma_start3A_530] : memref<10000x128xf32, #tpu.memory_space<vmem_shared>> -> memref<625x128xf32, #tpu.memory_space<vmem_shared>>
      tpu.enqueue_dma source(%dma_start3A_531 : memref<625x128xf32, #tpu.memory_space<vmem_shared>>) target(%dma_start3A_529 : memref<625x128xf32, #tpu.memory_space<hbm>>) target_semaphore(%run_scoped3A : memref<!tpu.dma_semaphore, #tpu.memory_space<semaphore_mem>>)
      %dma_wait3A_532 = arith.constant 0 : i32
      %dma_wait3A_533 = tpu.memref_slice %arg5[%arg0, %mul3A_526, %dma_wait3A_532] : memref<2x10000x128xf32, #tpu.memory_space<hbm>> -> memref<1x625x128xf32, #tpu.memory_space<hbm>>
      %dma_wait3A_534 = tpu.memref_squeeze %dma_wait3A_533 : memref<1x625x128xf32, #tpu.memory_space<hbm>> -> memref<625x128xf32, #tpu.memory_space<hbm>>
      %dma_wait3A_535 = arith.constant 0 : i32
      %dma_wait3A_536 = tpu.memref_slice %arg7[%mul3A_524, %dma_wait3A_535] : memref<10000x128xf32, #tpu.memory_space<vmem_shared>> -> memref<625x128xf32, #tpu.memory_space<vmem_shared>>
      tpu.wait_dma2 semaphore(%run_scoped3A : memref<!tpu.dma_semaphore, #tpu.memory_space<semaphore_mem>>) src(%dma_wait3A_536 : memref<625x128xf32, #tpu.memory_space<vmem_shared>>) dst(%dma_wait3A_534 : memref<625x128xf32, #tpu.memory_space<hbm>>)
      tpu.yield
    }) : () -> ()
    "tpu.region"() ({
      %run_scoped3A = tpu.sem_alloc : memref<!tpu.dma_semaphore, #tpu.memory_space<semaphore_mem>>
      %dma_start3A_527 = arith.constant 0 : i32
      %dma_start3A_528 = tpu.memref_slice %arg6[%arg0, %arg1, %dma_start3A_527] : memref<2x16x10000xf32, #tpu.memory_space<hbm>> -> memref<1x1x10000xf32, #tpu.memory_space<hbm>>
      %dma_start3A_529 = tpu.memref_squeeze %dma_start3A_528 : memref<1x1x10000xf32, #tpu.memory_space<hbm>> -> memref<10000xf32, #tpu.memory_space<hbm>>
      %dma_start3A_530 = arith.constant 0 : i32
      %dma_start3A_531 = tpu.memref_slice %arg6[%arg0, %arg1, %dma_start3A_530] : memref<2x16x10000xf32, #tpu.memory_space<hbm>> -> memref<1x1x10000xf32, #tpu.memory_space<hbm>>
      %dma_start3A_532 = tpu.memref_squeeze %dma_start3A_531 : memref<1x1x10000xf32, #tpu.memory_space<hbm>> -> memref<10000xf32, #tpu.memory_space<hbm>>
      tpu.enqueue_dma source(%arg8 : memref<10000xf32, #tpu.memory_space<vmem>>) target(%dma_start3A_532 : memref<10000xf32, #tpu.memory_space<hbm>>) target_semaphore(%run_scoped3A : memref<!tpu.dma_semaphore, #tpu.memory_space<semaphore_mem>>)
      %dma_wait3A_533 = arith.constant 0 : i32
      %dma_wait3A_534 = tpu.memref_slice %arg6[%arg0, %arg1, %dma_wait3A_533] : memref<2x16x10000xf32, #tpu.memory_space<hbm>> -> memref<1x1x10000xf32, #tpu.memory_space<hbm>>
      %dma_wait3A_535 = tpu.memref_squeeze %dma_wait3A_534 : memref<1x1x10000xf32, #tpu.memory_space<hbm>> -> memref<10000xf32, #tpu.memory_space<hbm>>
      %dma_wait3A_536 = arith.constant 0 : i32
      %dma_wait3A_537 = tpu.memref_slice %arg6[%arg0, %arg1, %dma_wait3A_536] : memref<2x16x10000xf32, #tpu.memory_space<hbm>> -> memref<1x1x10000xf32, #tpu.memory_space<hbm>>
      %dma_wait3A_538 = tpu.memref_squeeze %dma_wait3A_537 : memref<1x1x10000xf32, #tpu.memory_space<hbm>> -> memref<10000xf32, #tpu.memory_space<hbm>>
      tpu.wait_dma2 semaphore(%run_scoped3A : memref<!tpu.dma_semaphore, #tpu.memory_space<semaphore_mem>>) src(%arg8 : memref<10000xf32, #tpu.memory_space<vmem>>) dst(%dma_wait3A_538 : memref<10000xf32, #tpu.memory_space<hbm>>)
      tpu.yield
    }) : () -> ()
    return
  }
}

module attributes {stable_mosaic.version = 14 : i64} {
  func.func @_tc_epilogue(%arg0: i32, %arg1: memref<2000x128xf32, #tpu.memory_space<vmem>>, %arg2: memref<2x2000x128xf32, #tpu.memory_space<vmem>>, %arg3: memref<2000x32xf32, #tpu.memory_space<vmem>>, %arg4: memref<256x128xf32, #tpu.memory_space<vmem>>, %arg5: memref<1x128xf32, #tpu.memory_space<vmem>>, %arg6: memref<2000x128xf32, #tpu.memory_space<vmem>>) attributes {dimension_semantics = [#tpu.dimension_semantics<arbitrary>], iteration_bounds = array<i64: 5>, scalar_prefetch = 0 : i64, scratch_operands = 0 : i64, tpu.core_type = #tpu.core_type<tc>, window_params = [{transform_indices = @transform_0, window_bounds = array<i64: 2000, 128>}, {transform_indices = @transform_1, window_bounds = array<i64: 2, 2000, 128>}, {transform_indices = @transform_2, window_bounds = array<i64: 2000, 32>}, {pipeline_mode = #tpu.pipeline_mode<synchronous>, transform_indices = @transform_3, window_bounds = array<i64: 256, 128>}, {pipeline_mode = #tpu.pipeline_mode<synchronous>, transform_indices = @transform_4, window_bounds = array<i64: 1, 128>}, {transform_indices = @transform_5, window_bounds = array<i64: 2000, 128>}]} {
    %get3A = arith.constant 0 : index
    %get3A_0 = arith.constant 0 : index
    %get3A_1 = arith.constant 0 : index
    %get3A_2 = vector.load %arg2[%get3A, %get3A_0, %get3A_1] : memref<2x2000x128xf32, #tpu.memory_space<vmem>>, vector<2x2000x128xf32>
    %get3A_3 = arith.constant 0 : index
    %get3A_4 = arith.constant 0 : index
    %get3A_5 = vector.load %arg3[%get3A_3, %get3A_4] : memref<2000x32xf32, #tpu.memory_space<vmem>>, vector<2000x32xf32>
    %slice3A = vector.extract_strided_slice %get3A_2 {offsets = [0, 0, 0], sizes = [1, 2000, 128], strides = [1, 1, 1]} : vector<2x2000x128xf32> to vector<1x2000x128xf32>
    %squeeze3A = vector.shape_cast %slice3A : vector<1x2000x128xf32> to vector<2000x128xf32>
    %slice3A_6 = vector.extract_strided_slice %get3A_2 {offsets = [1, 0, 0], sizes = [1, 2000, 128], strides = [1, 1, 1]} : vector<2x2000x128xf32> to vector<1x2000x128xf32>
    %squeeze3A_7 = vector.shape_cast %slice3A_6 : vector<1x2000x128xf32> to vector<2000x128xf32>
    %add3A = arith.addf %squeeze3A, %squeeze3A_7 : vector<2000x128xf32>
    %reduce_sum3A = arith.constant dense<0.000000e+00> : vector<2000xf32>
    %reduce_sum3A_8 = vector.multi_reduction <add>, %get3A_5, %reduce_sum3A [1] : vector<2000x32xf32> to vector<2000xf32>
    %broadcast_in_dim3A = vector.shape_cast %reduce_sum3A_8 : vector<2000xf32> to vector<2000x1xf32>
    %max3A = arith.constant 1.000000e+00 : f32
    %max3A_9 = vector.broadcast %max3A : f32 to vector<2000x1xf32>
    %max3A_10 = arith.maximumf %broadcast_in_dim3A, %max3A_9 : vector<2000x1xf32>
    %div3A = vector.broadcast %max3A_10 : vector<2000x1xf32> to vector<2000x128xf32>
    %div3A_11 = arith.divf %add3A, %div3A : vector<2000x128xf32>
    %get3A_12 = arith.constant 0 : index
    %get3A_13 = arith.constant 0 : index
    %get3A_14 = vector.load %arg1[%get3A_12, %get3A_13] : memref<2000x128xf32, #tpu.memory_space<vmem>>, vector<2000x128xf32>
    %concatenate3A = tpu.concatenate %get3A_14, %div3A_11 in 1 : vector<2000x128xf32>, vector<2000x128xf32> -> vector<2000x256xf32>
    %get3A_15 = arith.constant 0 : index
    %get3A_16 = arith.constant 0 : index
    %get3A_17 = vector.load %arg4[%get3A_15, %get3A_16] : memref<256x128xf32, #tpu.memory_space<vmem>>, vector<256x128xf32>
    %dot_general3A = arith.constant dense<0.000000e+00> : vector<2000x128xf32>
    %dot_general3A_18 = tpu.matmul %concatenate3A, %get3A_17, %dot_general3A {dimension_numbers = #tpu.dot_dimension_numbers<[1], [0], [0], [1], [0, 0, 1, 1], [], []>, transpose_lhs_hint = false} : vector<2000x256xf32>, vector<256x128xf32>, vector<2000x128xf32> -> vector<2000x128xf32>
    %gt3A = arith.constant 0.000000e+00 : f32
    %gt3A_19 = vector.broadcast %gt3A : f32 to vector<2000x1xf32>
    %gt3A_20 = arith.cmpf ogt, %broadcast_in_dim3A, %gt3A_19 : vector<2000x1xf32>
    %get3A_21 = arith.constant 0 : index
    %get3A_22 = arith.constant 0 : index
    %get3A_23 = vector.load %arg5[%get3A_21, %get3A_22] : memref<1x128xf32, #tpu.memory_space<vmem>>, vector<1x128xf32>
    %add3A_24 = vector.broadcast %get3A_23 : vector<1x128xf32> to vector<2000x128xf32>
    %add3A_25 = arith.addf %dot_general3A_18, %add3A_24 : vector<2000x128xf32>
    %jit3A = arith.constant 0.000000e+00 : f32
    %broadcast_in_dim3A_26 = vector.shape_cast %gt3A_20 : vector<2000x1xi1> to vector<2000x1xi1>
    %broadcast_in_dim3A_27 = vector.broadcast %broadcast_in_dim3A_26 : vector<2000x1xi1> to vector<2000x128xi1>
    %broadcast_in_dim3A_28 = vector.broadcast %jit3A : f32 to vector<2000x128xf32>
    %select_n3A = arith.select %broadcast_in_dim3A_27, %add3A_25, %broadcast_in_dim3A_28 : vector<2000x128xi1>, vector<2000x128xf32>
    %swap3A = arith.constant 0 : index
    %swap3A_29 = arith.constant 0 : index
    %swap3A_30 = vector.load %arg6[%swap3A, %swap3A_29] : memref<2000x128xf32, #tpu.memory_space<vmem>>, vector<2000x128xf32>
    tpu.vector_store %arg6[%swap3A, %swap3A_29], %select_n3A {strides = array<i32>} : memref<2000x128xf32, #tpu.memory_space<vmem>>, vector<2000x128xf32>,
    return
  }
  func.func @transform_0(%arg0: i32) -> (i32, i32) {
    %c0_i32 = arith.constant 0 : i32
    %c0_i32_0 = arith.constant 0 : i32
    return %arg0, %c0_i32 : i32, i32
  }
  func.func @transform_1(%arg0: i32) -> (i32, i32, i32) {
    %c0_i32 = arith.constant 0 : i32
    %c0_i32_0 = arith.constant 0 : i32
    %c0_i32_1 = arith.constant 0 : i32
    return %c0_i32, %arg0, %c0_i32_0 : i32, i32, i32
  }
  func.func @transform_2(%arg0: i32) -> (i32, i32) {
    %c0_i32 = arith.constant 0 : i32
    %c0_i32_0 = arith.constant 0 : i32
    return %arg0, %c0_i32 : i32, i32
  }
  func.func @transform_3(%arg0: i32) -> (i32, i32) {
    %c0_i32 = arith.constant 0 : i32
    %c0_i32_0 = arith.constant 0 : i32
    %c0_i32_1 = arith.constant 0 : i32
    return %c0_i32, %c0_i32_0 : i32, i32
  }
  func.func @transform_4(%arg0: i32) -> (i32, i32) {
    %c0_i32 = arith.constant 0 : i32
    %c0_i32_0 = arith.constant 0 : i32
    %c0_i32_1 = arith.constant 0 : i32
    return %c0_i32, %c0_i32_0 : i32, i32
  }
  func.func @transform_5(%arg0: i32) -> (i32, i32) {
    %c0_i32 = arith.constant 0 : i32
    %c0_i32_0 = arith.constant 0 : i32
    return %arg0, %c0_i32 : i32, i32
  }
}

</mosaic_0001>

<sc_bundles>
// kernel: kernel.4.cloned.1.call-start
scs
__scs_entry_jumppad:
0x0: {  	(pc) =	sbr.rel $0x88, $3  }
0x1: {  	(tag) =	ssettag $0x0;
	lr =	simm.s32 $0x1  }
0x2: {  	[smem:$0x3F9D] =	sst lr;
	_ =	strace $0xD0000000  }
0x3: {  	_ = 	snop  }
0x4: {  	_ = 	snop  }
0x5: {  	_ = 	snop  }
0x6: {  	_ = 	snop  }
0x7: {  	_ = 	snop  }
__scs_overlays_trampoline_lowered:
0x8: {  	[smem:$0x3FAC] =	sst s0  }
0x9: {  	[smem:$0x3FAD] =	sst s1  }
0xa: {  	[smem:$0x3FAE] =	sst s2  }
0xb: {  	[smem:$0x3FAF] =	sst s3  }
0xc: {  	[smem:$0x3FB0] =	sst s4  }
0xd: {  	[smem:$0x3FB1] =	sst s5  }
0xe: {  	[smem:$0x3FB2] =	sst s6  }
0xf: {  	[smem:$0x3FB3] =	sst s7  }
0x10: {  	[smem:$0x3FB4] =	sst s8  }
0x11: {  	[smem:$0x3FB5] =	sst s9;
	s0 =	simm.s32 @!p0 $0x0  }
0x12: {  	s1 =	sld [smem:$0x3F9B];
	s0 =	simm.s32 @p0 $0x1  }
0x13: {  	[smem:$0x3FB6] =	sst s0;
	s0 =	simm.s32 @!p1 $0x0  }
0x14: {  	s2 =	sld [smem:$0x3F9A];
	s0 =	simm.s32 @p1 $0x1  }
0x15: {  	[smem:$0x3FB7] =	sst s0;
	s0 =	simm.s32 @!p2 $0x0  }
0x16: {  	s3 =	sld [smem:$0x3FDB];
	s0 =	simm.s32 @p2 $0x1  }
0x17: {  	s4 =	simm.s32 $0x1BF5;
	[smem:$0x3FB9] =	sst s0  }
0x18: {  	s0 =	sld [smem:$0x3F9C];
	_ =	swait.ge [sflag:s4], $0x0  }
0x19: {  	s7 =	sld [smem:$0x3F9D]  }
0x1a: {  	s8 =	sadd.s32 $0xFFFFE003, lr  }
0x1b: {  	s9 =	sadd.s32 $0xFFFFFEF7, lr;
	s5 =	simm.s32 $0xFFFFFFFF;
	p2 =	slt.u32 s8, $0xFFFFF086  }
0x1c: {  	p1 =	slt.u32 s9, $0xF7A;
	s5 =	simm.s32 @!p2 $0x0  }
0x1d: {  	s5 =	simm.s32 @p1 $0x1;
	p0 =	seq.s32 s7, s2  }
0x1e: {  	s7 =	smul.u32 @!p0 $0xF7A, s2;
	p2 =	seq.s32 @!p0 s5, $0x0  }
0x1f: {  	s9 =	smul.u32 $0xF7A, s1;
	s8 =	simm.s32 @!p0 $0x1BF5;
	p2 =	por !p2, p0  }
0x20: {  	[sflag:s8] =	ssyncset.s32 @!p0 $0xFFFFF086;
	s6 =	sadd.s32 @!p0 s3, s7;
	s7 =	simm.s32 @!p0 $0x108  }
0x21: {  	s3 =	sadd.s32 s3, s9;
	s6 =	sadd.s32 @!p0 $0x88, s6;
	s7 =	simm.s32 @p2 $0x1082  }
0x22: {  	[simem:s7], [sflag:s8] =	dma.local @!p0 [hbm:s6], $0xF7A  }
0x23: {  	s9 =	sor.u32 $0xD0000000, s2;
	s6 =	simm.s32 $0x108;
	_ =	swait.ge @!p0 [sflag:s8], $0x0  }
0x24: {  	s3 =	sadd.s32 $0x88, s3;
	s6 =	simm.s32 @!p1 $0x1082;
	[sflag:s4] =	ssyncset.s32 $0xFFFFF086  }
0x25: {  	[simem:s6], [sflag:s4] =	dma.local [hbm:s3], $0xF7A  }
0x26: {  	[smem:$0x3F9D] =	sst s1;
	(tag) =	ssettag s2;
	_ =	strace s9  }
0x27: {  	s1 =	sld [smem:$0x3FAD]  }
0x28: {  	s2 =	sld [smem:$0x3FAE]  }
0x29: {  	s4 =	sld [smem:$0x3FB0]  }
0x2a: {  	p0 =	seq.s32 s5, $0x0;
	s5 =	sld [smem:$0x3FB1]  }
0x2b: {  	s6 =	sld [smem:$0x3FB2]  }
0x2c: {  	s7 =	sld [smem:$0x3FB3]  }
0x2d: {  	s3 =	simm.s32 $0x108;
	s8 =	sld [smem:$0x3FB4]  }
0x2e: {  	s3 =	simm.s32 @!p0 $0x1082;
	s9 =	sld [smem:$0x3FB5]  }
0x2f: {  	lr =	sadd.s32 s0, s3;
	s0 =	sld [smem:$0x3FAC]  }
0x30: {  	s3 =	sld [smem:$0x3FAF]  }
0x31: {  	[smem:$0x3FB8] =	sst s10  }
0x32: {  	s10 =	sld [smem:$0x3FB6];
	_ =	sdelay $0x3  }
0x33: {  	p0 =	seq.s32 s10, $0x1;
	s10 =	sld [smem:$0x3FB8];
	_ =	sdelay $0x3  }
0x34: {  	[smem:$0x3FB8] =	sst s10  }
0x35: {  	s10 =	sld [smem:$0x3FB7];
	_ =	sdelay $0x3  }
0x36: {  	p1 =	seq.s32 s10, $0x1;
	s10 =	sld [smem:$0x3FB8];
	_ =	sdelay $0x3  }
0x37: {  	[smem:$0x3FB8] =	sst s10  }
0x38: {  	s10 =	sld [smem:$0x3FB9]  }
0x39: {  	_ = 	snop;
	(pc) =	sbr.ind lr, $3  }
0x3a: {  	_ = 	snop  }
0x3b: {  	_ = 	snop  }
0x3c: {  	p2 =	seq.s32 s10, $0x1;
	s10 =	sld [smem:$0x3FB8]  }
0x3d: {  	_ =	shalt  }
0x3e: {  	_ =	shalt  }
0x3f: {  	_ =	shalt  }
0x40: {  	_ =	shalt  }
0x41: {  	_ =	shalt  }
0x42: {  	_ =	shalt  }
0x43: {  	_ =	shalt  }
0x44: {  	_ =	shalt  }
0x45: {  	_ =	shalt  }
0x46: {  	_ =	shalt  }
0x47: {  	_ =	shalt  }
0x48: {  	_ =	shalt  }
0x49: {  	_ =	shalt  }
0x4a: {  	_ =	shalt  }
0x4b: {  	_ =	shalt  }
0x4c: {  	_ =	shalt  }
0x4d: {  	_ =	shalt  }
0x4e: {  	_ =	shalt  }
0x4f: {  	_ =	shalt  }
0x50: {  	_ =	shalt  }
0x51: {  	_ =	shalt  }
0x52: {  	_ =	shalt  }
0x53: {  	_ =	shalt  }
0x54: {  	_ =	shalt  }
0x55: {  	_ =	shalt  }
0x56: {  	_ =	shalt  }
0x57: {  	_ =	shalt  }
0x58: {  	_ =	shalt  }
0x59: {  	_ =	shalt  }
0x5a: {  	_ =	shalt  }
0x5b: {  	_ =	shalt  }
0x5c: {  	_ =	shalt  }
0x5d: {  	_ =	shalt  }
0x5e: {  	_ =	shalt  }
0x5f: {  	_ =	shalt  }
0x60: {  	_ =	shalt  }
0x61: {  	_ =	shalt  }
0x62: {  	_ =	shalt  }
0x63: {  	_ =	shalt  }
0x64: {  	_ =	shalt  }
0x65: {  	_ =	shalt  }
0x66: {  	_ =	shalt  }
0x67: {  	_ =	shalt  }
0x68: {  	_ =	shalt  }
0x69: {  	_ =	shalt  }
0x6a: {  	_ =	shalt  }
0x6b: {  	_ =	shalt  }
0x6c: {  	_ =	shalt  }
0x6d: {  	_ =	shalt  }
0x6e: {  	_ =	shalt  }
0x6f: {  	_ =	shalt  }
0x70: {  	_ =	shalt  }
0x71: {  	_ =	shalt  }
0x72: {  	_ =	shalt  }
0x73: {  	_ =	shalt  }
0x74: {  	_ =	shalt  }
0x75: {  	_ =	shalt  }
0x76: {  	_ =	shalt  }
0x77: {  	_ =	shalt  }
0x78: {  	_ =	shalt  }
0x79: {  	_ =	shalt  }
0x7a: {  	_ =	shalt  }
0x7b: {  	_ =	shalt  }
0x7c: {  	_ =	shalt  }
0x7d: {  	_ =	shalt  }
0x7e: {  	_ =	shalt  }
0x7f: {  	_ =	shalt  }
0x80: {  	_ =	shalt  }
0x81: {  	_ =	shalt  }
0x82: {  	_ =	shalt  }
0x83: {  	_ =	shalt  }
0x84: {  	_ =	shalt  }
0x85: {  	_ =	shalt  }
0x86: {  	_ =	shalt  }
0x87: {  	_ =	shalt  }
.Lfunc_end0:
.L_simem_size_0:
called_computation_lowered:
.L_overlay_start_0:
0x88: {  	s2 =	sld [smem:$0x3FD9]  }
0x89: {  	s3 =	sld [smem:$0x3FFE];
	_ =	sdelay $0x1  }
0x8a: {  	s1 =	srdreg.scid  }
0x8b: {  	s0 =	sand.u32 $0x1, s1  }
0x8c: {  	s17 =	sshll.u32 s0, $0xA;
	s2 =	sadd.s32 s3, s2  }
0x8d: {  	s2 =	sadd.s32 s2, s17  }
0x8e: {  	[smem:$0x3FC4] =	sst s2  }
0x8f: {  	_ = 	snop  }
0x90: {  	s2 =	sld [smem:$0x3FC9]  }
0x91: {  	s18 =	sld [smem:$0x3FD0];
	(tm) =	ssettm $0x1  }
0x92: {  	s4 =	sld [smem:$0x3FFB];
	_ =	sdelay $0x3  }
0x93: {  	_ =	strace s4  }
0x94: {  	s4 =	sld [smem:$0x3FFC];
	_ =	sdelay $0x3  }
0x95: {  	_ =	strace s4  }
0x96: {  	s4 =	sld [smem:$0x3FFD];
	_ =	sdelay $0x3  }
0x97: {  	_ =	strace s4  }
0x98: {  	_ =	strace $0x8FFFFFFF  }
0x99: {  	s19 =	sld [smem:$0x3FDB];
	_ =	sdelay $0x1  }
0x9a: {  	s5 =	simm.s32 $_scs_section_size  }
0x9b: {  	s6 =	simm.s32 $_size__tile_overlayer_lowered;
	s7 =	simm.s32 $_tile_overlayer_lowered  }
0x9c: {  	s22 =	simm.s32 $0x1BFF;
	s21 =	sshll.u32 s7, $0x1;
	s4 =	sadd.s32 s5, s19  }
0x9d: {  	s8 =	simm.s32 $0x0;
	s20 =	sshll.u32 s6, $0x1;
	s6 =	sadd.s32 s21, s4  }
0x9e: {  	[timem:s8], [sflag:s22] =	dma.local [hbm:s6], s20  }
0x9f: {  	_ =	swait.ge [sflag:s22], s20  }
0xa0: {  	s5 =	ssub.s32 $0x0, s20;
	[sflag:s22] =	ssyncset.done $0x0  }
0xa1: {  	[sflag:s22] =	ssyncadd.s32 s5;
	_ =	sdelay $0x1  }
0xa2: {  	s23 =	simm.s32 $0x1B8B  }
0xa3: {  	_ =	swait.ge [sflag:s23], $0x1  }
0xa4: {  	[sflag:s23] =	ssyncset.done $0x0  }
0xa5: {  	s25 =	simm.s32 $0x1B8E;
	s24 =	sld [smem:$0x3FFE];
	[sflag:s23] =	ssyncadd.s32 $0xFFFFFFFF  }
0xa6: {  	s26 =	simm.s32 $execute0_lowered;
	[smem:$0x3FD2] =	sst s25  }
0xa7: {  	s6 =	sshll.u32 s26, $0x1;
	_ =	strace $0x80000046;
	[dreg:$0x1] =	wrdreg $0xFFFFFFFF  }
0xa8: {  	s28 =	simm.s32 $_size_execute0_lowered;
	s4 =	sadd.s32 s4, s6;
	[dreg:$0x0] =	wrdreg $0x0  }
0xa9: {  	s6 =	sshll.u32 s28, $0x1;
	[dreg:$0x2] =	wrdreg s4  }
0xaa: {  	[dreg:$0x3] =	wrdreg s6  }
0xab: {  	[dreg:$0x4] =	wrdreg $0xC0  }
0xac: {  	_ =	task [dreg:s8], $0x5FFFF  }
0xad: {  	[dreg:$0x1] =	wrdreg $0xFFFFFFFF  }
0xae: {  	[dreg:$0x0] =	wrdreg $0x60  }
0xaf: {  	[dreg:$0x2] =	wrdreg s2  }
0xb0: {  	[dreg:$0x3] =	wrdreg s24  }
0xb1: {  	[dreg:$0x4] =	wrdreg s18  }
0xb2: {  	[dreg:$0x5] =	wrdreg $0x0  }
0xb3: {  	[dreg:$0x6] =	wrdreg $0x9  }
0xb4: {  	_ =	task.clear_ibuf [dreg:s8], $0x7FFFF;
	_ =	strace $0x90000046  }
0xb5: {  	s29 =	simm.s32 $0x9;
	_ =	strace $0x80000048  }
0xb6: {  	_ =	swait.ge [sflag:s29], $0x1  }
0xb7: {  	[sflag:s29] =	ssyncadd.s32 $0xFFFFFFFF  }
0xb8: {  	_ =	strace $0x90000048  }
0xb9: {  	_ =	sfence  }
0xba: {  	s30 =	sld [smem:$0x0];
	_ =	sdelay $0x2  }
0xbb: {  	s31 =	sshll.u32 s1, $0xD;
	s1 =	sshrl.u32 s1, $0x2  }
0xbc: {  	s3 =	sand.u32 $0x4000, s31;
	s1 =	sadd.s32 s1, s30  }
0xbd: {  	s0 =	sor.u32 s3, s0;
	s1 =	sshll.u32 s1, $0x11  }
0xbe: {  	s0 =	sor.u32 s1, s0  }
0xbf: {  	s0 =	sadd.s32 $0x8F2B, s0  }
0xc0: {  	[sflag:s0] =	ssyncadd.remote.s32 $0x1  }
0xc1: {  	_ =	sfence.sel $0xFFFF  }
0xc2: {  	[dreg:$0x0] =	wrdreg $0xFFFFFFFF;
	(pc) =	sbr.abs _section_cstart, $3  }
0xc3: {  	[dreg:$0x1] =	wrdreg $0xFFFFFFFF  }
0xc4: {  	_ =	task.clear_ibuf [dreg:s8], $0x2FFFF;
	_ =	strace $0x9FFFFFFF  }
0xc5: {  	(tm) =	ssettm $0x7FFFFFFF  }
tec
execute0_lowered:
.L_overlay_start_1:
0x0: {  	(tag) =	ssettag $0x1  }
0x1: {  	s1 =	rddreg [dreg:$0x0]  }
0x2: {  	s0 =	rddreg [dreg:$0x1]  }
0x3: {  	s2 =	rddreg [dreg:$0x2]  }
0x4: {  	s4 =	srdreg.scid;
	s12 =	stileid.u32  }
0x5: {  	s3 =	rddreg [dreg:$0x3];
	s6 =	smul.u32 $0x13880, s12  }
0x6: {  	s29 =	simm.s32 $0x4;
	s30 =	simm.s32 $0x50;
	s10 =	smul.u32 $0x2710, s12  }
0x7: {  	s31 =	simm.s32 $0x15F90;
	s5 =	sand.u32 $0x1, s4;
	s23 =	smul.u32 $0x4E20, s12  }
0x8: {  	s28 =	simm.s32 $0x1DA10;
	s9 =	sshll.u32 s12, $0x1;
	s7 =	smul.u32 $0x138800, s5  }
0x9: {  	s4 =	simm.s32 $0x0;
	s8 =	smul.u32 $0x27100, s5;
	s9 =	sor.u32 s5, s9  }
0xa: {  	[smem:$0x7FF] =	sst s4;
	s20 =	ssub.s32 $0x2, s5;
	s5 =	smul.u32 $0x2710, s5  }
0xb: {  	s13 =	sadd.s32 $0x1600, s0;
	s9 =	smul.u32 $0x2710, s9;
	_ =	strace $0x80000047  }
0xc: {  	s11 =	sshrl.u32 s20, $0x1;
	s25 =	sshrl.u32 s6, $0x3;
	[dreg:$0x10] =	wrdreg s13  }
0xd: {  	s7 =	sadd.s32 s6, s7;
	s8 =	sadd.s32 s10, s8;
	s6 =	sadd.s32 s6, s3  }
0xe: {  	s2 =	sadd.s32 s2, s25;
	s9 =	sshrl.u32 s9, $0x3;
	[dreg:$0x17] =	wrdreg s6  }
0xf: {  	s7 =	sshrl.u32 s7, $0x3;
	[dreg:$0x18] =	wrdreg s2;
	s14 =	sadd.s32 s13, s9  }
0x10: {  	s8 =	sshrl.u32 s8, $0x3;
	s9 =	sadd.s32 $0x9C40, s14;
	[dreg:$0x11] =	wrdreg s14  }
0x11: {  	s2 =	sadd.s32 s5, s23;
	s21 =	sadd.s32 $0xA, s14;
	[dreg:$0x12] =	wrdreg s9  }
0x12: {  	s6 =	simm.s32 $0x9;
	s22 =	sadd.s32 $0x9C4A, s14;
	[dreg:$0x13] =	wrdreg s21  }
0x13: {  	s7 =	sadd.s32 s7, s0;
	s24 =	sadd.s32 $0x14, s14;
	[dreg:$0x14] =	wrdreg s22  }
0x14: {  	s0 =	sadd.s32 s8, s0;
	s26 =	sadd.s32 $0x9C54, s14;
	[dreg:$0x15] =	wrdreg s24  }
0x15: {  	s8 =	ssub.s32 s20, s11;
	s11 =	sadd.s32 $0x1E, s14;
	[dreg:$0x16] =	wrdreg s26  }
0x16: {  	s17 =	sadd.s32 $0x320, s2;
	s12 =	sadd.s32 $0x9C5E, s14;
	[dreg:$0x19] =	wrdreg s11  }
0x17: {  	s19 =	sadd.s32 $0x4E520, s2;
	s15 =	sadd.s32 $0x28, s14;
	[dreg:$0x1a] =	wrdreg s12  }
0x18: {  	s23 =	sadd.s32 $0x2D0, s2;
	s16 =	sadd.s32 $0x9C68, s14;
	[dreg:$0x1b] =	wrdreg s15  }
0x19: {  	s25 =	sadd.s32 $0x4E4D0, s2;
	s18 =	sadd.s32 $0x1EE00, s7;
	[dreg:$0x1c] =	wrdreg s16  }
0x1a: {  	s5 =	sshrl.u32 s17, $0x3;
	s0 =	sadd.s32 $0x15000, s0;
	[dreg:$0x1d] =	wrdreg s18  }
0x1b: {  	s14 =	sadd.s32 $0x230, s2;
	[dreg:$0x1e] =	wrdreg s0;
	s20 =	sadd.s32 s5, s13  }
0x1c: {  	s21 =	sshrl.u32 s19, $0x3;
	s24 =	sshrl.u32 s23, $0x3;
	s5 =	sshrl.u32 s25, $0x3  }
0x1d: {  	s26 =	sadd.s32 $0x280, s2;
	s11 =	sadd.s32 $0x4E480, s2;
	s15 =	sadd.s32 $0x4E430, s2  }
0x1e: {  	s19 =	sadd.s32 $0x4E3E0, s2;
	s25 =	smax.u32 s8, $0x1;
	s8 =	simm.s32 $0x5  }
0x1f: {  	[dreg:$0x5] =	wrdreg s20;
	s22 =	sadd.s32 s21, s13;
	s0 =	sadd.s32 s24, s13  }
0x20: {  	s7 =	sadd.s32 s5, s13;
	s9 =	sshrl.u32 s26, $0x3;
	s12 =	sshrl.u32 s11, $0x3  }
0x21: {  	s5 =	sshrl.u32 s14, $0x3;
	s17 =	sshrl.u32 s15, $0x3;
	s20 =	sshrl.u32 s19, $0x3  }
0x22: {  	s21 =	sadd.s32 $0x190, s2;
	[dreg:$0x1f] =	wrdreg s25;
	s19 =	simm.s32 $0x1D880  }
0x23: {  	s25 =	simm.s32 $0xA;
	s11 =	simm.s32 $0x1D970;
	[dreg:$0x6] =	wrdreg s22  }
0x24: {  	s15 =	simm.s32 $0x1D9C0;
	s14 =	simm.s32 $0x1AF90;
	[dreg:$0x7] =	wrdreg s0  }
0x25: {  	[dreg:$0x8] =	wrdreg s7;
	s10 =	sadd.s32 s9, s13;
	s0 =	sadd.s32 s12, s13  }
0x26: {  	s16 =	sadd.s32 s5, s13;
	s18 =	sadd.s32 s17, s13;
	s5 =	sshrl.u32 s21, $0x3  }
0x27: {  	s22 =	sadd.s32 $0x4E390, s2;
	s2 =	sadd.s32 $0x1E0, s2;
	[dreg:$0x9] =	wrdreg s10  }
0x28: {  	s7 =	simm.s32 $0x13880;
	s9 =	simm.s32 $0x18790;
	[dreg:$0xa] =	wrdreg s0  }
0x29: {  	s12 =	simm.s32 $0x2;
	s17 =	simm.s32 $0x3;
	[dreg:$0xb] =	wrdreg s16  }
0x2a: {  	s21 =	simm.s32 $0x8;
	[dreg:$0xc] =	wrdreg s18;
	s0 =	sadd.s32 s20, s13  }
0x2b: {  	s23 =	sadd.s32 s5, s13;
	s24 =	sshrl.u32 s22, $0x3;
	[smem:$0x7FD] =	sst s2  }
0x2c: {  	s22 =	simm.s32 $0x1D790;
	s20 =	simm.s32 $0x1D8D0;
	s10 =	simm.s32 $0x1D920  }
0x2d: {  	s16 =	simm.s32 $0x1DA10;
	s18 =	simm.s32 $0x7;
	[dreg:$0xd] =	wrdreg s0  }
0x2e: {  	s5 =	simm.s32 $0x0;
	[dreg:$0xe] =	wrdreg s23;
	s26 =	sadd.s32 s24, s13  }
0x2f: {  	s23 =	simm.s32 $0x1D7E0;
	s24 =	simm.s32 $0x1D830;
	s0 =	simm.s32 $0x1  }
0x30: {  	v0 =	vimm.f32 $0.0e+00;
	v1 =	vimm.f32 $1.000000000e+00;
	s13 =	simm.s32 $0x6;
	[dreg:$0xf] =	wrdreg s26;
	s26 =	simm.s32 $0x1DA60  }
.LBB2_1:
0x31: {  	[smem:$0x7FC] =	sst s5;
	s2 =	simm.s32 $0x40;
	s5 =	simm.s32 $0x0  }
.LBB2_2:
0x32: {  	p0 =	sne.s32 s2, $0x9C00;
	[tilespmem:s5+$0x13880] =	vst v0;
	s5 =	smov.u32 s2;
	s2 =	sadd.s32 $0x40, s2  }
.Ltmp0:
0x33: {  	(pc) =	sbr.rel @p0 .LBB2_2-.Ltmp0, $2  }
0x34: {  	_ =	sdelay $0x2  }
0x35: {  	s5 =	sshra.s32 s5, $0x2  }
0x36: {  	[tilespmem:s5+$0x13880] =	vst v0;
	s2 =	simm.s32 $0x0;
	s5 =	rddreg [dreg:$0x11]  }
0x37: {  	[tilespmem:s22], [sflag:$0x4] =	stream.linear.gather [hbm4b:s5+s2], $0x50, $0x38;
	[tilespmem:$0x1DB50] =	vst v63  }
0x38: {  	s5 =	rddreg [dreg:$0x12]  }
0x39: {  	[tilespmem:s23], [sflag:$0x4] =	stream.linear.gather [hbm4b:s5+s2], $0x50, $0x38;
	[tilespmem:$0x1DB50] =	vst v63  }
0x3a: {  	s5 =	rddreg [dreg:$0x13]  }
0x3b: {  	[tilespmem:s24], [sflag:$0x5] =	stream.linear.gather [hbm4b:s5+s2], $0x50, $0x38;
	[tilespmem:$0x1DB50] =	vst v63  }
0x3c: {  	s5 =	rddreg [dreg:$0x14]  }
0x3d: {  	[tilespmem:s19], [sflag:$0x5] =	stream.linear.gather [hbm4b:s5+s2], $0x50, $0x38;
	[tilespmem:$0x1DB50] =	vst v63  }
0x3e: {  	s5 =	rddreg [dreg:$0x15]  }
0x3f: {  	[tilespmem:s20], [sflag:$0x6] =	stream.linear.gather [hbm4b:s5+s2], $0x50, $0x38;
	[tilespmem:$0x1DB50] =	vst v63  }
0x40: {  	s5 =	rddreg [dreg:$0x16]  }
0x41: {  	[tilespmem:s10], [sflag:$0x6] =	stream.linear.gather [hbm4b:s5+s2], $0x50, $0x38;
	[tilespmem:$0x1DB50] =	vst v63  }
0x42: {  	_ =	swait.ge [sflag:s29], $0x50  }
0x43: {  	[sflag:s29] =	ssyncset.done $0x0  }
0x44: {  	[sflag:s29] =	ssyncadd.s32 $0xFFFFFFB0  }
0x45: {  	s10 =	stileid.u32;
	_ =	swait.ge [sflag:s29], $0x50  }
0x46: {  	s5 =	sshll.u32 s10, $0x6;
	[sflag:s29] =	ssyncset.done $0x0  }
0x47: {  	s10 =	sor.u32 $0x1C0A, s5;
	s5 =	rddreg [dreg:$0x18];
	[sflag:s29] =	ssyncadd.s32 $0xFFFFFFB0  }
0x48: {  	[tilespmem:s31], [sflag:$0x1] =	stream.indirect.gather [hbm4b:s1+s30], $0x80, s22, s30, $0xb8;
	[tilespmem:$0x1DB50] =	vst v63  }
0x49: {  	s22 =	rddreg [dreg:$0x17]  }
0x4a: {  	[smem:$0x7FA] =	sst s10;
	s22 =	sshrl.u32 s22, $0x3  }
0x4b: {  	[smem:$0x7FB] =	sst s22  }
0x4c: {  	[spmem:s22], [sflag:s10] =	dma.local [hbm:s5], $0x2710  }
0x4d: {  	_ =	swait.ge [sflag:s25], $0x2710  }
0x4e: {  	[sflag:s25] =	ssyncset.done $0x0  }
0x4f: {  	[sflag:s25] =	ssyncadd.s32 $0xFFFFD8F0  }
0x50: {  	[bflag:$0x0] =	sbarrier.arrive $0xFFFF  }
0x51: {  	_ =	swait.ge [sflag:s0], $0x2800  }
0x52: {  	[sflag:s0] =	ssyncset.done $0x0  }
0x53: {  	[sflag:s0] =	ssyncadd.s32 $0xFFFFD800  }
0x54: {  	[spmem:s3] =	stream.indirect.scatter.add.f32 [tilespmem:s31], [sflag:$0x1], $0x80, s23, s30, $0xb8;
	[tilespmem:$0x1DB50] =	vst v63  }
0x55: {  	v2 =	vld [tilespmem:$0x1D7E0];
	_ =	sdelay $0x7  }
0x56: {  	[tilespmem:v2+s7+$0x0] =	vst.idx.add.f32.msk $0xffff, v1  }
0x57: {  	v2 =	vld [tilespmem:$0x1D7F0];
	_ =	sdelay $0x7  }
0x58: {  	[tilespmem:v2+s7+$0x0] =	vst.idx.add.f32.msk $0xffff, v1  }
0x59: {  	v2 =	vld [tilespmem:$0x1D800];
	_ =	sdelay $0x7  }
0x5a: {  	[tilespmem:v2+s7+$0x0] =	vst.idx.add.f32.msk $0xffff, v1  }
0x5b: {  	v2 =	vld [tilespmem:$0x1D810];
	_ =	sdelay $0x7  }
0x5c: {  	[tilespmem:v2+s7+$0x0] =	vst.idx.add.f32.msk $0xffff, v1  }
0x5d: {  	v2 =	vld [tilespmem:$0x1D820];
	_ =	sdelay $0x7  }
0x5e: {  	[tilespmem:v2+s7+$0x0] =	vst.idx.add.f32.msk $0xffff, v1  }
0x5f: {  	_ =	swait.ge [sflag:s8], $0x50  }
0x60: {  	[sflag:s8] =	ssyncset.done $0x0  }
0x61: {  	[sflag:s8] =	ssyncadd.s32 $0xFFFFFFB0  }
0x62: {  	_ =	swait.ge [sflag:s8], $0x50  }
0x63: {  	[sflag:s8] =	ssyncset.done $0x0  }
0x64: {  	[sflag:s8] =	ssyncadd.s32 $0xFFFFFFB0  }
0x65: {  	[tilespmem:s9], [sflag:$0x2] =	stream.indirect.gather [hbm4b:s1+s30], $0x80, s24, s30, $0xb8;
	[tilespmem:$0x1DB50] =	vst v63  }
0x66: {  	s22 =	rddreg [dreg:$0x19]  }
0x67: {  	[tilespmem:s11], [sflag:$0x7] =	stream.linear.gather [hbm4b:s22+s2], $0x50, $0x38;
	[tilespmem:$0x1DB50] =	vst v63  }
0x68: {  	s23 =	rddreg [dreg:$0x1a]  }
0x69: {  	[tilespmem:s15], [sflag:$0x7] =	stream.linear.gather [hbm4b:s23+s2], $0x50, $0x38;
	[tilespmem:$0x1DB50] =	vst v63  }
0x6a: {  	_ =	swait.ge [sflag:s12], $0x2800  }
0x6b: {  	[sflag:s12] =	ssyncset.done $0x0  }
0x6c: {  	[sflag:s12] =	ssyncadd.s32 $0xFFFFD800  }
0x6d: {  	[spmem:s3] =	stream.indirect.scatter.add.f32 [tilespmem:s9], [sflag:$0x2], $0x80, s19, s30, $0xb8;
	[tilespmem:$0x1DB50] =	vst v63  }
0x6e: {  	v2 =	vld [tilespmem:$0x1D880];
	_ =	sdelay $0x7  }
0x6f: {  	[tilespmem:v2+s7+$0x0] =	vst.idx.add.f32.msk $0xffff, v1  }
0x70: {  	v2 =	vld [tilespmem:$0x1D890];
	_ =	sdelay $0x7  }
0x71: {  	[tilespmem:v2+s7+$0x0] =	vst.idx.add.f32.msk $0xffff, v1  }
0x72: {  	v2 =	vld [tilespmem:$0x1D8A0];
	_ =	sdelay $0x7  }
0x73: {  	[tilespmem:v2+s7+$0x0] =	vst.idx.add.f32.msk $0xffff, v1  }
0x74: {  	v2 =	vld [tilespmem:$0x1D8B0];
	_ =	sdelay $0x7  }
0x75: {  	[tilespmem:v2+s7+$0x0] =	vst.idx.add.f32.msk $0xffff, v1  }
0x76: {  	v2 =	vld [tilespmem:$0x1D8C0];
	_ =	sdelay $0x7  }
0x77: {  	[tilespmem:v2+s7+$0x0] =	vst.idx.add.f32.msk $0xffff, v1  }
0x78: {  	_ =	swait.ge [sflag:s13], $0x50  }
0x79: {  	[sflag:s13] =	ssyncset.done $0x0  }
0x7a: {  	[sflag:s13] =	ssyncadd.s32 $0xFFFFFFB0  }
0x7b: {  	_ =	swait.ge [sflag:s13], $0x50  }
0x7c: {  	[sflag:s13] =	ssyncset.done $0x0  }
0x7d: {  	s24 =	rddreg [dreg:$0x1b];
	[sflag:s13] =	ssyncadd.s32 $0xFFFFFFB0  }
0x7e: {  	[tilespmem:s14], [sflag:$0x3] =	stream.indirect.gather [hbm4b:s1+s30], $0x80, s20, s30, $0xb8;
	[tilespmem:$0x1DB50] =	vst v63  }
0x7f: {  	s25 =	rddreg [dreg:$0x1c]  }
0x80: {  	[tilespmem:s16], [sflag:$0x8] =	stream.linear.gather [hbm4b:s24+s2], $0x50, $0x38;
	[tilespmem:$0x1DB50] =	vst v63  }
0x81: {  	s5 =	sld [smem:$0x7FD]  }
0x82: {  	[tilespmem:s26], [sflag:$0x8] =	stream.linear.gather [hbm4b:s25+s2], $0x50, $0x38;
	[tilespmem:$0x1DB50] =	vst v63  }
.LBB2_4:
0x83: {  	_ =	swait.ge [sflag:s17], $0x2800  }
0x84: {  	[sflag:s17] =	ssyncset.done $0x0  }
0x85: {  	s19 =	simm.s32 $0x1D920;
	[sflag:s17] =	ssyncadd.s32 $0xFFFFD800  }
0x86: {  	[spmem:s3] =	stream.indirect.scatter.add.f32 [tilespmem:s14], [sflag:$0x3], $0x80, s19, s30, $0xb8;
	[tilespmem:$0x1DB50] =	vst v63  }
0x87: {  	v2 =	vld [tilespmem:$0x1D920];
	_ =	sdelay $0x7  }
0x88: {  	[tilespmem:v2+s7+$0x0] =	vst.idx.add.f32.msk $0xffff, v1  }
0x89: {  	v2 =	vld [tilespmem:$0x1D930];
	_ =	sdelay $0x7  }
0x8a: {  	[tilespmem:v2+s7+$0x0] =	vst.idx.add.f32.msk $0xffff, v1  }
0x8b: {  	v2 =	vld [tilespmem:$0x1D940];
	_ =	sdelay $0x7  }
0x8c: {  	[tilespmem:v2+s7+$0x0] =	vst.idx.add.f32.msk $0xffff, v1  }
0x8d: {  	v2 =	vld [tilespmem:$0x1D950];
	_ =	sdelay $0x7  }
0x8e: {  	[tilespmem:v2+s7+$0x0] =	vst.idx.add.f32.msk $0xffff, v1  }
0x8f: {  	v2 =	vld [tilespmem:$0x1D960];
	_ =	sdelay $0x7  }
0x90: {  	[tilespmem:v2+s7+$0x0] =	vst.idx.add.f32.msk $0xffff, v1  }
0x91: {  	_ =	swait.ge [sflag:s18], $0x50  }
0x92: {  	[sflag:s18] =	ssyncset.done $0x0  }
0x93: {  	[sflag:s18] =	ssyncadd.s32 $0xFFFFFFB0  }
0x94: {  	_ =	swait.ge [sflag:s18], $0x50  }
0x95: {  	[sflag:s18] =	ssyncset.done $0x0  }
0x96: {  	[sflag:s18] =	ssyncadd.s32 $0xFFFFFFB0  }
0x97: {  	_ =	swait.ge [sflag:s0], $0x2800  }
0x98: {  	[sflag:s0] =	ssyncset.done $0x0  }
0x99: {  	s10 =	simm.s32 $0x1D970;
	s22 =	rddreg [dreg:$0xe];
	[sflag:s0] =	ssyncadd.s32 $0xFFFFD800  }
0x9a: {  	[tilespmem:s31], [sflag:$0x1] =	stream.indirect.gather [hbm4b:s1+s30], $0x80, s10, s30, $0xb8;
	[tilespmem:$0x1DB50] =	vst v63  }
0x9b: {  	s16 =	simm.s32 $0x1DAB0;
	s23 =	rddreg [dreg:$0xf];
	s22 =	sadd.s32 s2, s22  }
0x9c: {  	[tilespmem:s16], [sflag:$0x9] =	stream.linear.gather [hbm4b:s22+s4], $0x50, $0x38;
	[tilespmem:$0x1DB50] =	vst v63  }
0x9d: {  	s20 =	simm.s32 $0x1DB00;
	s23 =	sadd.s32 s2, s23  }
0x9e: {  	[tilespmem:s20], [sflag:$0x9] =	stream.linear.gather [hbm4b:s23+s4], $0x50, $0x38;
	[tilespmem:$0x1DB50] =	vst v63  }
0x9f: {  	_ =	swait.ge [sflag:s0], $0x2800  }
0xa0: {  	[sflag:s0] =	ssyncset.done $0x0  }
0xa1: {  	s25 =	simm.s32 $0x1D9C0;
	[sflag:s0] =	ssyncadd.s32 $0xFFFFD800  }
0xa2: {  	[spmem:s3] =	stream.indirect.scatter.add.f32 [tilespmem:s31], [sflag:$0x1], $0x80, s25, s30, $0xb8;
	[tilespmem:$0x1DB50] =	vst v63  }
0xa3: {  	v2 =	vld [tilespmem:$0x1D9C0];
	_ =	sdelay $0x7  }
0xa4: {  	[tilespmem:v2+s7+$0x0] =	vst.idx.add.f32.msk $0xffff, v1  }
0xa5: {  	v2 =	vld [tilespmem:$0x1D9D0];
	_ =	sdelay $0x7  }
0xa6: {  	[tilespmem:v2+s7+$0x0] =	vst.idx.add.f32.msk $0xffff, v1  }
0xa7: {  	v2 =	vld [tilespmem:$0x1D9E0];
	_ =	sdelay $0x7  }
0xa8: {  	[tilespmem:v2+s7+$0x0] =	vst.idx.add.f32.msk $0xffff, v1  }
0xa9: {  	v2 =	vld [tilespmem:$0x1D9F0];
	_ =	sdelay $0x7  }
0xaa: {  	[tilespmem:v2+s7+$0x0] =	vst.idx.add.f32.msk $0xffff, v1  }
0xab: {  	v2 =	vld [tilespmem:$0x1DA00];
	_ =	sdelay $0x7  }
0xac: {  	[tilespmem:v2+s7+$0x0] =	vst.idx.add.f32.msk $0xffff, v1  }
0xad: {  	_ =	swait.ge [sflag:s21], $0x50  }
0xae: {  	[sflag:s21] =	ssyncset.done $0x0  }
0xaf: {  	[sflag:s21] =	ssyncadd.s32 $0xFFFFFFB0  }
0xb0: {  	_ =	swait.ge [sflag:s21], $0x50  }
0xb1: {  	[sflag:s21] =	ssyncset.done $0x0  }
0xb2: {  	[sflag:s21] =	ssyncadd.s32 $0xFFFFFFB0  }
0xb3: {  	_ =	swait.ge [sflag:s12], $0x2800  }
0xb4: {  	[sflag:s12] =	ssyncset.done $0x0  }
0xb5: {  	s24 =	sshrl.u32 s5, $0x3;
	s11 =	rddreg [dreg:$0x10];
	[sflag:s12] =	ssyncadd.s32 $0xFFFFD800  }
0xb6: {  	[tilespmem:s9], [sflag:$0x2] =	stream.indirect.gather [hbm4b:s1+s30], $0x80, s28, s30, $0xb8;
	[tilespmem:$0x1DB50] =	vst v63  }
0xb7: {  	s15 =	simm.s32 $0x1D790;
	s26 =	rddreg [dreg:$0xd];
	s22 =	sadd.s32 s11, s24  }
0xb8: {  	[tilespmem:s15], [sflag:$0x4] =	stream.linear.gather [hbm4b:s22+s4], $0x50, $0x38;
	[tilespmem:$0x1DB50] =	vst v63  }
0xb9: {  	s23 =	sadd.s32 s2, s26;
	s24 =	simm.s32 $0x1D7E0  }
0xba: {  	[tilespmem:s24], [sflag:$0x4] =	stream.linear.gather [hbm4b:s23+s4], $0x50, $0x38;
	[tilespmem:$0x1DB50] =	vst v63  }
0xbb: {  	_ =	swait.ge [sflag:s12], $0x2800  }
0xbc: {  	[sflag:s12] =	ssyncset.done $0x0  }
0xbd: {  	s11 =	simm.s32 $0x1DA60;
	[sflag:s12] =	ssyncadd.s32 $0xFFFFD800  }
0xbe: {  	[spmem:s3] =	stream.indirect.scatter.add.f32 [tilespmem:s9], [sflag:$0x2], $0x80, s11, s30, $0xb8;
	[tilespmem:$0x1DB50] =	vst v63  }
0xbf: {  	v2 =	vld [tilespmem:$0x1DA60];
	_ =	sdelay $0x7  }
0xc0: {  	[tilespmem:v2+s7+$0x0] =	vst.idx.add.f32.msk $0xffff, v1  }
0xc1: {  	v2 =	vld [tilespmem:$0x1DA70];
	_ =	sdelay $0x7  }
0xc2: {  	[tilespmem:v2+s7+$0x0] =	vst.idx.add.f32.msk $0xffff, v1  }
0xc3: {  	v2 =	vld [tilespmem:$0x1DA80];
	_ =	sdelay $0x7  }
0xc4: {  	[tilespmem:v2+s7+$0x0] =	vst.idx.add.f32.msk $0xffff, v1  }
0xc5: {  	v2 =	vld [tilespmem:$0x1DA90];
	_ =	sdelay $0x7  }
0xc6: {  	[tilespmem:v2+s7+$0x0] =	vst.idx.add.f32.msk $0xffff, v1  }
0xc7: {  	v2 =	vld [tilespmem:$0x1DAA0];
	_ =	sdelay $0x7  }
0xc8: {  	[tilespmem:v2+s7+$0x0] =	vst.idx.add.f32.msk $0xffff, v1  }
0xc9: {  	_ =	swait.ge [sflag:s6], $0x50  }
0xca: {  	[sflag:s6] =	ssyncset.done $0x0  }
0xcb: {  	[sflag:s6] =	ssyncadd.s32 $0xFFFFFFB0  }
0xcc: {  	_ =	swait.ge [sflag:s6], $0x50  }
0xcd: {  	[sflag:s6] =	ssyncset.done $0x0  }
0xce: {  	[sflag:s6] =	ssyncadd.s32 $0xFFFFFFB0  }
0xcf: {  	_ =	swait.ge [sflag:s17], $0x2800  }
0xd0: {  	[sflag:s17] =	ssyncset.done $0x0  }
0xd1: {  	s26 =	rddreg [dreg:$0xb];
	[sflag:s17] =	ssyncadd.s32 $0xFFFFD800  }
0xd2: {  	[tilespmem:s14], [sflag:$0x3] =	stream.indirect.gather [hbm4b:s1+s30], $0x80, s16, s30, $0xb8;
	[tilespmem:$0x1DB50] =	vst v63  }
0xd3: {  	s22 =	sadd.s32 s2, s26;
	s26 =	simm.s32 $0x1D830;
	s16 =	rddreg [dreg:$0xc]  }
0xd4: {  	[tilespmem:s26], [sflag:$0x5] =	stream.linear.gather [hbm4b:s22+s4], $0x50, $0x38;
	[tilespmem:$0x1DB50] =	vst v63  }
0xd5: {  	s23 =	sadd.s32 s2, s16;
	s16 =	simm.s32 $0x1D880  }
0xd6: {  	[tilespmem:s16], [sflag:$0x5] =	stream.linear.gather [hbm4b:s23+s4], $0x50, $0x38;
	[tilespmem:$0x1DB50] =	vst v63  }
0xd7: {  	_ =	swait.ge [sflag:s17], $0x2800  }
0xd8: {  	[sflag:s17] =	ssyncset.done $0x0  }
0xd9: {  	[sflag:s17] =	ssyncadd.s32 $0xFFFFD800  }
0xda: {  	[spmem:s3] =	stream.indirect.scatter.add.f32 [tilespmem:s14], [sflag:$0x3], $0x80, s20, s30, $0xb8;
	[tilespmem:$0x1DB50] =	vst v63  }
0xdb: {  	v2 =	vld [tilespmem:$0x1DB00];
	_ =	sdelay $0x7  }
0xdc: {  	[tilespmem:v2+s7+$0x0] =	vst.idx.add.f32.msk $0xffff, v1  }
0xdd: {  	v2 =	vld [tilespmem:$0x1DB10];
	_ =	sdelay $0x7  }
0xde: {  	[tilespmem:v2+s7+$0x0] =	vst.idx.add.f32.msk $0xffff, v1  }
0xdf: {  	v2 =	vld [tilespmem:$0x1DB20];
	_ =	sdelay $0x7  }
0xe0: {  	[tilespmem:v2+s7+$0x0] =	vst.idx.add.f32.msk $0xffff, v1  }
0xe1: {  	v2 =	vld [tilespmem:$0x1DB30];
	_ =	sdelay $0x7  }
0xe2: {  	[tilespmem:v2+s7+$0x0] =	vst.idx.add.f32.msk $0xffff, v1  }
0xe3: {  	v2 =	vld [tilespmem:$0x1DB40];
	_ =	sdelay $0x7  }
0xe4: {  	[tilespmem:v2+s7+$0x0] =	vst.idx.add.f32.msk $0xffff, v1  }
0xe5: {  	_ =	swait.ge [sflag:s29], $0x50  }
0xe6: {  	[sflag:s29] =	ssyncset.done $0x0  }
0xe7: {  	[sflag:s29] =	ssyncadd.s32 $0xFFFFFFB0  }
0xe8: {  	_ =	swait.ge [sflag:s29], $0x50  }
0xe9: {  	[sflag:s29] =	ssyncset.done $0x0  }
0xea: {  	[sflag:s29] =	ssyncadd.s32 $0xFFFFFFB0  }
0xeb: {  	_ =	swait.ge [sflag:s0], $0x2800  }
0xec: {  	[sflag:s0] =	ssyncset.done $0x0  }
0xed: {  	s23 =	rddreg [dreg:$0x9];
	[sflag:s0] =	ssyncadd.s32 $0xFFFFD800  }
0xee: {  	[tilespmem:s31], [sflag:$0x1] =	stream.indirect.gather [hbm4b:s1+s30], $0x80, s15, s30, $0xb8;
	[tilespmem:$0x1DB50] =	vst v63  }
0xef: {  	s20 =	rddreg [dreg:$0xa];
	s22 =	sadd.s32 s2, s23;
	s15 =	simm.s32 $0x1D8D0  }
0xf0: {  	[tilespmem:s15], [sflag:$0x6] =	stream.linear.gather [hbm4b:s22+s4], $0x50, $0x38;
	[tilespmem:$0x1DB50] =	vst v63  }
0xf1: {  	s23 =	sadd.s32 s2, s20  }
0xf2: {  	[tilespmem:s19], [sflag:$0x6] =	stream.linear.gather [hbm4b:s23+s4], $0x50, $0x38;
	[tilespmem:$0x1DB50] =	vst v63  }
0xf3: {  	_ =	swait.ge [sflag:s0], $0x2800  }
0xf4: {  	[sflag:s0] =	ssyncset.done $0x0  }
0xf5: {  	[sflag:s0] =	ssyncadd.s32 $0xFFFFD800  }
0xf6: {  	[spmem:s3] =	stream.indirect.scatter.add.f32 [tilespmem:s31], [sflag:$0x1], $0x80, s24, s30, $0xb8;
	[tilespmem:$0x1DB50] =	vst v63  }
0xf7: {  	v2 =	vld [tilespmem:$0x1D7E0];
	_ =	sdelay $0x7  }
0xf8: {  	[tilespmem:v2+s7+$0x0] =	vst.idx.add.f32.msk $0xffff, v1  }
0xf9: {  	v2 =	vld [tilespmem:$0x1D7F0];
	_ =	sdelay $0x7  }
0xfa: {  	[tilespmem:v2+s7+$0x0] =	vst.idx.add.f32.msk $0xffff, v1  }
0xfb: {  	v2 =	vld [tilespmem:$0x1D800];
	_ =	sdelay $0x7  }
0xfc: {  	[tilespmem:v2+s7+$0x0] =	vst.idx.add.f32.msk $0xffff, v1  }
0xfd: {  	v2 =	vld [tilespmem:$0x1D810];
	_ =	sdelay $0x7  }
0xfe: {  	[tilespmem:v2+s7+$0x0] =	vst.idx.add.f32.msk $0xffff, v1  }
0xff: {  	v2 =	vld [tilespmem:$0x1D820];
	_ =	sdelay $0x7  }
0x100: {  	[tilespmem:v2+s7+$0x0] =	vst.idx.add.f32.msk $0xffff, v1  }
0x101: {  	_ =	swait.ge [sflag:s8], $0x50  }
0x102: {  	[sflag:s8] =	ssyncset.done $0x0  }
0x103: {  	[sflag:s8] =	ssyncadd.s32 $0xFFFFFFB0  }
0x104: {  	_ =	swait.ge [sflag:s8], $0x50  }
0x105: {  	[sflag:s8] =	ssyncset.done $0x0  }
0x106: {  	[sflag:s8] =	ssyncadd.s32 $0xFFFFFFB0  }
0x107: {  	_ =	swait.ge [sflag:s12], $0x2800  }
0x108: {  	[sflag:s12] =	ssyncset.done $0x0  }
0x109: {  	s23 =	rddreg [dreg:$0x7];
	[sflag:s12] =	ssyncadd.s32 $0xFFFFD800  }
0x10a: {  	[tilespmem:s9], [sflag:$0x2] =	stream.indirect.gather [hbm4b:s1+s30], $0x80, s26, s30, $0xb8;
	[tilespmem:$0x1DB50] =	vst v63  }
0x10b: {  	s24 =	rddreg [dreg:$0x8];
	s22 =	sadd.s32 s2, s23  }
0x10c: {  	[tilespmem:s10], [sflag:$0x7] =	stream.linear.gather [hbm4b:s22+s4], $0x50, $0x38;
	[tilespmem:$0x1DB50] =	vst v63  }
0x10d: {  	s26 =	sadd.s32 s2, s24  }
0x10e: {  	[tilespmem:s25], [sflag:$0x7] =	stream.linear.gather [hbm4b:s26+s4], $0x50, $0x38;
	[tilespmem:$0x1DB50] =	vst v63  }
0x10f: {  	_ =	swait.ge [sflag:s12], $0x2800  }
0x110: {  	[sflag:s12] =	ssyncset.done $0x0  }
0x111: {  	[sflag:s12] =	ssyncadd.s32 $0xFFFFD800  }
0x112: {  	[spmem:s3] =	stream.indirect.scatter.add.f32 [tilespmem:s9], [sflag:$0x2], $0x80, s16, s30, $0xb8;
	[tilespmem:$0x1DB50] =	vst v63  }
0x113: {  	v2 =	vld [tilespmem:$0x1D880];
	_ =	sdelay $0x7  }
0x114: {  	[tilespmem:v2+s7+$0x0] =	vst.idx.add.f32.msk $0xffff, v1  }
0x115: {  	v2 =	vld [tilespmem:$0x1D890];
	_ =	sdelay $0x7  }
0x116: {  	[tilespmem:v2+s7+$0x0] =	vst.idx.add.f32.msk $0xffff, v1  }
0x117: {  	v2 =	vld [tilespmem:$0x1D8A0];
	_ =	sdelay $0x7  }
0x118: {  	[tilespmem:v2+s7+$0x0] =	vst.idx.add.f32.msk $0xffff, v1  }
0x119: {  	v2 =	vld [tilespmem:$0x1D8B0];
	_ =	sdelay $0x7  }
0x11a: {  	[tilespmem:v2+s7+$0x0] =	vst.idx.add.f32.msk $0xffff, v1  }
0x11b: {  	v2 =	vld [tilespmem:$0x1D8C0];
	_ =	sdelay $0x7  }
0x11c: {  	[tilespmem:v2+s7+$0x0] =	vst.idx.add.f32.msk $0xffff, v1  }
0x11d: {  	_ =	swait.ge [sflag:s13], $0x50  }
0x11e: {  	[sflag:s13] =	ssyncset.done $0x0  }
0x11f: {  	[sflag:s13] =	ssyncadd.s32 $0xFFFFFFB0  }
0x120: {  	_ =	swait.ge [sflag:s13], $0x50  }
0x121: {  	[sflag:s13] =	ssyncset.done $0x0  }
0x122: {  	[sflag:s13] =	ssyncadd.s32 $0xFFFFFFB0  }
0x123: {  	_ =	swait.ge [sflag:s17], $0x2800  }
0x124: {  	p0 =	sne.s32 s2, $0x474;
	s5 =	sadd.s32 $0x1E0, s5;
	[sflag:s17] =	ssyncset.done $0x0  }
0x125: {  	s20 =	simm.s32 $0x1D920;
	s19 =	simm.s32 $0x1D970;
	[sflag:s17] =	ssyncadd.s32 $0xFFFFD800  }
0x126: {  	[tilespmem:s14], [sflag:$0x3] =	stream.indirect.gather [hbm4b:s1+s30], $0x80, s15, s30, $0xb8;
	[tilespmem:$0x1DB50] =	vst v63  }
.Ltmp1:
0x127: {  	s10 =	simm.s32 $0x1D9C0;
	s23 =	rddreg [dreg:$0x5];
	(pc) =	sbr.rel @p0 .LBB2_4-.Ltmp1, $4  }
0x128: {  	s25 =	simm.s32 $0x1DA10;
	s24 =	rddreg [dreg:$0x6];
	s22 =	sadd.s32 s2, s23  }
0x129: {  	[tilespmem:s28], [sflag:$0x8] =	stream.linear.gather [hbm4b:s22+s4], $0x50, $0x38;
	[tilespmem:$0x1DB50] =	vst v63  }
0x12a: {  	s26 =	sadd.s32 s2, s24;
	s23 =	simm.s32 $0x1DA60;
	s2 =	sadd.s32 $0x3C, s2  }
0x12b: {  	[tilespmem:s11], [sflag:$0x8] =	stream.linear.gather [hbm4b:s26+s4], $0x50, $0x38;
	[tilespmem:$0x1DB50] =	vst v63  }
0x12c: {  	_ =	swait.ge [sflag:s17], $0x2800  }
0x12d: {  	[sflag:s17] =	ssyncset.done $0x0  }
0x12e: {  	[sflag:s17] =	ssyncadd.s32 $0xFFFFD800  }
0x12f: {  	[spmem:s3] =	stream.indirect.scatter.add.f32 [tilespmem:s14], [sflag:$0x3], $0x80, s20, s30, $0xb8;
	[tilespmem:$0x1DB50] =	vst v63  }
0x130: {  	v2 =	vld [tilespmem:$0x1D920];
	_ =	sdelay $0x7  }
0x131: {  	[tilespmem:v2+s7+$0x0] =	vst.idx.add.f32.msk $0xffff, v1  }
0x132: {  	v2 =	vld [tilespmem:$0x1D930];
	_ =	sdelay $0x7  }
0x133: {  	[tilespmem:v2+s7+$0x0] =	vst.idx.add.f32.msk $0xffff, v1  }
0x134: {  	v2 =	vld [tilespmem:$0x1D940];
	_ =	sdelay $0x7  }
0x135: {  	[tilespmem:v2+s7+$0x0] =	vst.idx.add.f32.msk $0xffff, v1  }
0x136: {  	v2 =	vld [tilespmem:$0x1D950];
	_ =	sdelay $0x7  }
0x137: {  	[tilespmem:v2+s7+$0x0] =	vst.idx.add.f32.msk $0xffff, v1  }
0x138: {  	v2 =	vld [tilespmem:$0x1D960];
	_ =	sdelay $0x7  }
0x139: {  	[tilespmem:v2+s7+$0x0] =	vst.idx.add.f32.msk $0xffff, v1  }
0x13a: {  	_ =	swait.ge [sflag:s18], $0x50  }
0x13b: {  	[sflag:s18] =	ssyncset.done $0x0  }
0x13c: {  	[sflag:s18] =	ssyncadd.s32 $0xFFFFFFB0  }
0x13d: {  	_ =	swait.ge [sflag:s18], $0x50  }
0x13e: {  	[sflag:s18] =	ssyncset.done $0x0  }
0x13f: {  	[sflag:s18] =	ssyncadd.s32 $0xFFFFFFB0  }
0x140: {  	_ =	swait.ge [sflag:s0], $0x2800  }
0x141: {  	[sflag:s0] =	ssyncset.done $0x0  }
0x142: {  	[sflag:s0] =	ssyncadd.s32 $0xFFFFD800  }
0x143: {  	[tilespmem:s31], [sflag:$0x1] =	stream.indirect.gather [hbm4b:s1+s30], $0x80, s19, s30, $0xb8;
	[tilespmem:$0x1DB50] =	vst v63  }
0x144: {  	_ =	swait.ge [sflag:s0], $0x2800  }
0x145: {  	[sflag:s0] =	ssyncset.done $0x0  }
0x146: {  	[sflag:s0] =	ssyncadd.s32 $0xFFFFD800  }
0x147: {  	[spmem:s3] =	stream.indirect.scatter.add.f32 [tilespmem:s31], [sflag:$0x1], $0x80, s10, s30, $0xb8;
	[tilespmem:$0x1DB50] =	vst v63  }
0x148: {  	v2 =	vld [tilespmem:$0x1D9C0];
	_ =	sdelay $0x7  }
0x149: {  	[tilespmem:v2+s7+$0x0] =	vst.idx.add.f32.msk $0xffff, v1  }
0x14a: {  	v2 =	vld [tilespmem:$0x1D9D0];
	_ =	sdelay $0x7  }
0x14b: {  	[tilespmem:v2+s7+$0x0] =	vst.idx.add.f32.msk $0xffff, v1  }
0x14c: {  	v2 =	vld [tilespmem:$0x1D9E0];
	_ =	sdelay $0x7  }
0x14d: {  	[tilespmem:v2+s7+$0x0] =	vst.idx.add.f32.msk $0xffff, v1  }
0x14e: {  	v2 =	vld [tilespmem:$0x1D9F0];
	_ =	sdelay $0x7  }
0x14f: {  	[tilespmem:v2+s7+$0x0] =	vst.idx.add.f32.msk $0xffff, v1  }
0x150: {  	v2 =	vld [tilespmem:$0x1DA00];
	_ =	sdelay $0x7  }
0x151: {  	[tilespmem:v2+s7+$0x0] =	vst.idx.add.f32.msk $0xffff, v1  }
0x152: {  	_ =	swait.ge [sflag:s21], $0x50  }
0x153: {  	[sflag:s21] =	ssyncset.done $0x0  }
0x154: {  	[sflag:s21] =	ssyncadd.s32 $0xFFFFFFB0  }
0x155: {  	_ =	swait.ge [sflag:s21], $0x50  }
0x156: {  	[sflag:s21] =	ssyncset.done $0x0  }
0x157: {  	[sflag:s21] =	ssyncadd.s32 $0xFFFFFFB0  }
0x158: {  	_ =	swait.ge [sflag:s12], $0x2800  }
0x159: {  	[sflag:s12] =	ssyncset.done $0x0  }
0x15a: {  	[sflag:s12] =	ssyncadd.s32 $0xFFFFD800  }
0x15b: {  	[tilespmem:s9], [sflag:$0x2] =	stream.indirect.gather [hbm4b:s1+s30], $0x80, s25, s30, $0xb8;
	[tilespmem:$0x1DB50] =	vst v63  }
0x15c: {  	_ =	swait.ge [sflag:s12], $0x2800  }
0x15d: {  	[sflag:s12] =	ssyncset.done $0x0  }
0x15e: {  	[sflag:s12] =	ssyncadd.s32 $0xFFFFD800  }
0x15f: {  	[spmem:s3] =	stream.indirect.scatter.add.f32 [tilespmem:s9], [sflag:$0x2], $0x80, s23, s30, $0xb8;
	[tilespmem:$0x1DB50] =	vst v63  }
0x160: {  	v2 =	vld [tilespmem:$0x1DA60];
	_ =	sdelay $0x7  }
0x161: {  	[tilespmem:v2+s7+$0x0] =	vst.idx.add.f32.msk $0xffff, v1  }
0x162: {  	v2 =	vld [tilespmem:$0x1DA70];
	_ =	sdelay $0x7  }
0x163: {  	[tilespmem:v2+s7+$0x0] =	vst.idx.add.f32.msk $0xffff, v1  }
0x164: {  	v2 =	vld [tilespmem:$0x1DA80];
	_ =	sdelay $0x7  }
0x165: {  	[tilespmem:v2+s7+$0x0] =	vst.idx.add.f32.msk $0xffff, v1  }
0x166: {  	v2 =	vld [tilespmem:$0x1DA90];
	_ =	sdelay $0x7  }
0x167: {  	[tilespmem:v2+s7+$0x0] =	vst.idx.add.f32.msk $0xffff, v1  }
0x168: {  	v2 =	vld [tilespmem:$0x1DAA0];
	_ =	sdelay $0x7  }
0x169: {  	[tilespmem:v2+s7+$0x0] =	vst.idx.add.f32.msk $0xffff, v1  }
0x16a: {  	_ =	swait.ge [sflag:s17], $0x2800  }
0x16b: {  	[sflag:s17] =	ssyncset.done $0x0  }
0x16c: {  	[sflag:s17] =	ssyncadd.s32 $0xFFFFD800  }
0x16d: {  	_ =	swait.ge [sflag:s0], $0x2800  }
0x16e: {  	[sflag:s0] =	ssyncset.done $0x0  }
0x16f: {  	[sflag:s0] =	ssyncadd.s32 $0xFFFFD800  }
0x170: {  	_ =	swait.ge [sflag:s12], $0x2800  }
0x171: {  	[sflag:s12] =	ssyncset.done $0x0  }
0x172: {  	[sflag:s12] =	ssyncadd.s32 $0xFFFFD800  }
0x173: {  	[bflag:$0x0] =	sbarrier.arrive $0xFFFF  }
0x174: {  	s5 =	sld [smem:$0x7FA]  }
0x175: {  	s22 =	sld [smem:$0x7FB];
	_ =	sdelay $0x1  }
0x176: {  	s25 =	simm.s32 $0xA;
	s2 =	rddreg [dreg:$0x1d]  }
0x177: {  	[hbm:s2], [sflag:s5] =	dma.local [spmem:s22], $0x2710  }
0x178: {  	_ =	swait.ge [sflag:s25], $0x2710  }
0x179: {  	[sflag:s25] =	ssyncset.done $0x0  }
0x17a: {  	s23 =	rddreg [dreg:$0x1e];
	[sflag:s25] =	ssyncadd.s32 $0xFFFFD8F0  }
0x17b: {  	[hbm4b:s23+s4] =	stream.linear.scatter [tilespmem:s7], [sflag:$0xA], $0x2710, $0x38;
	[tilespmem:$0x1DB50] =	vst v63  }
0x17c: {  	_ =	swait.ge [sflag:s25], $0x2710  }
0x17d: {  	s24 =	sld [smem:$0x7FC];
	_ =	sdelay $0x2  }
0x17e: {  	s26 =	rddreg [dreg:$0x1f];
	s5 =	sadd.s32 $0x1, s24  }
0x17f: {  	p0 =	sne.s32 s5, s26  }
.Ltmp2:
0x180: {  	_ = 	snop;
	(pc) =	sbr.rel @p0 .LBB2_1-.Ltmp2, $4  }
0x181: {  	s11 =	simm.s32 $0x1D970;
	s15 =	simm.s32 $0x1D9C0;
	s16 =	simm.s32 $0x1DA10  }
0x182: {  	s20 =	simm.s32 $0x1D8D0;
	s19 =	simm.s32 $0x1D880;
	s10 =	simm.s32 $0x1D920  }
0x183: {  	s22 =	simm.s32 $0x1D790;
	s23 =	simm.s32 $0x1D7E0;
	[sflag:s25] =	ssyncset.done $0x0  }
0x184: {  	[sflag:s25] =	ssyncadd.s32 $0xFFFFD8F0;
	s24 =	simm.s32 $0x1D830;
	s26 =	simm.s32 $0x1DA60  }
0x185: {  	_ =	sfence.sel $0x180000  }
0x186: {  	[bflag:$0x0] =	sbarrier.arrive $0xFFFF  }
0x187: {  	_ =	strace $0x90000047  }
0x188: {  	s0 =	stileid.u32;
	[bflag:$0x2] =	sbarrier.arrive $0xFFFF  }
0x189: {  	p0 =	sne.s32 s0, $0x0;
	s0 =	rddreg [dreg:$0x4]  }
0x18a: {  	s0 =	sadd.s32 @!p0 $0x100000, s0  }
0x18b: {  	[sflag:s0] =	ssyncadd.tile.s32 @!p0 $0x1;
	_ =	shalt  }
.Lfunc_end2:
_tile_overlayer_lowered:
.L_overlay_start_2:
0x18c: {  	(tag) =	ssettag $0x2  }
0x18d: {  	s0 =	rddreg [dreg:$0x0];
	s2 =	stileid.u32  }
0x18e: {  	s1 =	rddreg [dreg:$0x1];
	p0 =	sne.s32 s2, $0x0  }
0x18f: {  	s3 =	rddreg [dreg:$0x2];
	[bflag:$0x3] =	sbarrier.arrive $0xFFFF;
	s2 =	simm.s32 @!p0 $0x1C0A  }
0x190: {  	[timem:s3], [sflag:s2] =	dma.local @!p0 [hbm:s0], s1  }
0x191: {  	s0 =	simm.s32 @!p0 $0xA  }
0x192: {  	_ =	swait.ge @!p0 [sflag:s0], s1  }
0x193: {  	s1 =	ssub.s32 @!p0 $0x0, s1;
	[sflag:s0] =	ssyncset.done @!p0 $0x0  }
0x194: {  	[sflag:s0] =	ssyncadd.s32 @!p0 s1  }
0x195: {  	[bflag:$0x3] =	sbarrier.arrive $0xFFFF  }
0x196: {  	_ =	shalt  }

</sc_bundles>
